<compile_context>
chip_gen: v7x
topology: tpu7x:2x2x1
jax: 0.10.2.dev20260603
libtpu: 0.0.44.dev20260713+nightly
codegen_flags: <defaults>
</compile_context>

<pallas_src>
import functools

import jax
import jax.numpy as jnp
from jax import lax
from jax.experimental import pallas as pl
from jax.experimental.pallas import tpu as pltpu
from jax.experimental.pallas import tpu_sc as plsc

_INFO = plsc.get_sparse_core_info()
_NC, _NS = _INFO.num_cores, _INFO.num_subcores
_NW = _NC * _NS

_CAP = 768
_WCAP = 768
_GCAP = 96
_BCAP = 32
_WIN = 16
_RING = 4


def _compact_append(dst_i, dst_b, iv, bv, m, n):
    iota = jnp.arange(16, dtype=jnp.int32)
    neg1 = jnp.full((16,), -1, jnp.int32)
    keys = jnp.where(m, iota, iota + 16)
    si = plsc.sort_key_val(keys, jnp.where(m, iv, neg1))[-1]
    sb = plsc.sort_key_val(keys, jnp.where(m, bv, neg1))[-1]
    dst_i[pl.ds(n, 16)] = si
    dst_b[pl.ds(n, 16)] = sb
    cnt = plsc.all_reduce_population_count(m)
    return n + cnt[0]


def _sweep_body(B, V, NTC, NPW, NPAD, tt_hbm, idx_hbm, stage_hbm, pos_hbm,
                idx_v, wl_b, wl_i, win_b, win_i, blk_b, blk_i,
                stage_v, pos_v, buf0, buf1, buf2, buf3,
                sem0, sem1, sem2, sem3):
    i32 = jnp.int32
    wid = lax.axis_index("s") * _NC + lax.axis_index("c")
    c0 = wid * NPW
    iota = jnp.arange(16, dtype=i32)
    lane0 = iota == 0
    bufs = (buf0, buf1, buf2, buf3)
    sems = (sem0, sem1, sem2, sem3)

    pltpu.sync_copy(idx_hbm, idx_v)

    neg1 = jnp.full((16,), -1, i32)

    @pl.loop(0, _CAP, step=16)
    def _(k):
        pos_v[pl.ds(k, 16)] = neg1

    @pl.loop(0, _WCAP + 16, step=16)
    def _(k):
        wl_i[pl.ds(k, 16)] = neg1

    @pl.loop(0, B // 16, init_carry=jnp.asarray(0, i32))
    def n0(k, n):
        iv = idx_v[pl.ds(k * 16, 16)]
        cv = lax.shift_right_logical(iv, 7)
        m = (cv >= c0) & (cv < c0 + NPW)
        bv = iota + k * 16
        return _compact_append(wl_i, wl_b, iv, bv, m, n)

    del n0

    def _build_window(j):
        cw0 = c0 + (j & ~(_WIN - 1))

        @pl.loop(0, (_GCAP + 16) // 16)
        def _(k):
            win_i[pl.ds(k * 16, 16)] = neg1

        @pl.loop(0, (_WCAP + 16) // 16, init_carry=jnp.asarray(0, i32))
        def _(k, n):
            iv = wl_i[pl.ds(k * 16, 16)]
            bv = wl_b[pl.ds(k * 16, 16)]
            cv = lax.shift_right_logical(iv, 7)
            m = (iv >= 0) & (cv >= cw0) & (cv < cw0 + _WIN)
            return _compact_append(win_i, win_b, iv, bv, m, n)

    def _prep_fire(j, u, win_ready):
        j = jnp.asarray(j, i32)
        c = c0 + j

        if not win_ready:
            @pl.when(j & (_WIN - 1) == 0)
            def _():
                _build_window(j)

        seg = u * (_BCAP + 16)

        @pl.loop(0, (_GCAP + 16) // 16, init_carry=jnp.asarray(0, i32))
        def n2(k, n):
            iv = win_i[pl.ds(k * 16, 16)]
            bv = win_b[pl.ds(k * 16, 16)]
            cv = lax.shift_right_logical(iv, 7)
            m = (iv >= 0) & (cv == c)
            return _compact_append(
                blk_i.at[pl.ds(seg, _BCAP + 16)],
                blk_b.at[pl.ds(seg, _BCAP + 16)],
                iv, bv, m, n,
            )

        @pl.when((j < NPW) & (c < NTC) & (n2 > 0))
        def _():
            pltpu.async_copy(
                tt_hbm.at[:, pl.ds(pl.multiple_of(c * 128, 128), 128)],
                bufs[u], sems[u],
            )

        return n2

    _build_window(jnp.asarray(0, i32))
    n2s = [ _prep_fire(u, u, win_ready=True) for u in range(_RING) ]

    @pl.loop(0, NPAD, step=_RING,
             init_carry=(jnp.asarray(0, i32), tuple(n2s)))
    def carry_final(bk, carry):
        slot, n2s = carry
        n2s = list(n2s)
        for u in range(_RING):
            j = bk + u
            c = c0 + j
            cf = c
            n2 = n2s[u]
            seg = u * (_BCAP + 16)

            @pl.when((j < NPW) & (c < NTC) & (n2 > 0))
            def _():
                pltpu.make_async_copy(
                    tt_hbm.at[:, pl.ds(0, 128)], bufs[u], sems[u]
                ).wait()

            buf = bufs[u]

            @pl.loop(0, n2, init_carry=slot)
            def slot2(jj, s):
                ivec = blk_i[pl.ds(seg + jj, 16)]
                bvec = blk_b[pl.ds(seg + jj, 16)]
                i = ivec[0]
                b = bvec[0]
                l = i - cf * 128
                lv = jnp.full((16,), l, i32)
                for c4 in range(4):
                    dv = iota + c4 * 16
                    vals = plsc.load_gather(buf, [dv, lv])
                    stage_v[pl.ds(s * 64 + c4 * 16, 16)] = vals
                plsc.store_scatter(
                    pos_v, [jnp.full((16,), s, i32)],
                    jnp.full((16,), b, i32), mask=lane0,
                )
                return s + 1

            slot = slot2
            n2s[u] = _prep_fire(j + _RING, u, win_ready=False)
        return (slot, tuple(n2s))

    del carry_final

    pltpu.sync_copy(
        stage_v, stage_hbm.at[pl.ds(pl.multiple_of(wid * (_CAP * 64), 128),
                                    _CAP * 64)]
    )
    pltpu.sync_copy(
        pos_v, pos_hbm.at[pl.ds(pl.multiple_of(wid * _CAP, 128), _CAP)]
    )


def _scatter_body(B, D, stage_hbm, pos_hbm, out_hbm, st_v, pos_v, sem):
    wid = lax.axis_index("s") * _NC + lax.axis_index("c")
    pltpu.sync_copy(stage_hbm.at[pl.ds(wid * _CAP, _CAP)], st_v)
    pltpu.sync_copy(pos_hbm.at[pl.ds(wid * _CAP, _CAP)], pos_v)
    pltpu.async_copy(
        st_v, out_hbm.at[plsc.Indices(pos_v, ignored_value=-1)], sem
    ).wait()


def kernel(indices, table):
    B = indices.shape[0]
    V, D = table.shape
    NTC = (V + 127) // 128
    NPW = (NTC + _NW - 1) // _NW
    NPAD = -(-NPW // _RING) * _RING
    tt = table.T
    mesh = plsc.VectorSubcoreMesh(core_axis_name="c", subcore_axis_name="s")

    sweep = pl.kernel(
        functools.partial(_sweep_body, B, V, NTC, NPW, NPAD),
        mesh=mesh,
        out_type=(
            jax.ShapeDtypeStruct((_NW * _CAP * 64,), jnp.float32),
            jax.ShapeDtypeStruct((_NW * _CAP,), jnp.int32),
        ),
        scratch_types=[
            pltpu.VMEM((B,), jnp.int32),
            pltpu.VMEM((_WCAP + 16,), jnp.int32),
            pltpu.VMEM((_WCAP + 16,), jnp.int32),
            pltpu.VMEM((_GCAP + 16,), jnp.int32),
            pltpu.VMEM((_GCAP + 16,), jnp.int32),
            pltpu.VMEM((_RING * (_BCAP + 16),), jnp.int32),
            pltpu.VMEM((_RING * (_BCAP + 16),), jnp.int32),
            pltpu.VMEM((_CAP * 64,), jnp.float32),
            pltpu.VMEM((_CAP,), jnp.int32),
            pltpu.VMEM((64, 128), jnp.float32),
            pltpu.VMEM((64, 128), jnp.float32),
            pltpu.VMEM((64, 128), jnp.float32),
            pltpu.VMEM((64, 128), jnp.float32),
            pltpu.SemaphoreType.DMA,
            pltpu.SemaphoreType.DMA,
            pltpu.SemaphoreType.DMA,
            pltpu.SemaphoreType.DMA,
        ],
        compiler_params=pltpu.CompilerParams(needs_layout_passes=False),
    )
    stage, pos = sweep(tt, indices.astype(jnp.int32))

    scatter = pl.kernel(
        functools.partial(_scatter_body, B, D),
        mesh=mesh,
        out_type=jax.ShapeDtypeStruct((B, D), jnp.float32),
        scratch_types=[
            pltpu.VMEM((_CAP, D), jnp.float32),
            pltpu.VMEM((_CAP,), jnp.int32),
            pltpu.SemaphoreType.DMA,
        ],
        compiler_params=pltpu.CompilerParams(use_tc_tiling_on_sc=False),
    )
    return scatter(stage.reshape(_NW * _CAP, 64), pos)

# --- scband reference (transcript-rebuilt; emitter-appended) ---
"""Pipeline reference for scband-user-encoder-37933151158673 (READ-ONLY COPY).

The authoritative reference and input builder live on the scoring server;
editing this copy changes nothing except your own understanding.
"""

import jax, jax.numpy as jnp
import numpy as np

NB_USERS = 1000000
EMBED_DIM = 64
BATCH = 16384

def setup_inputs(seed: int = 0) -> dict:
    key = jax.random.key(seed)
    k_idx, k_tab = jax.random.split(key)
    indices = jax.random.randint(k_idx, (BATCH,), 0, NB_USERS, dtype=jnp.int64 if jax.config.jax_enable_x64 else jnp.int32)
    # nn.Embedding default init: N(0, 1)
    table = jax.random.normal(k_tab, (NB_USERS, EMBED_DIM), dtype=jnp.float32)
    return {"indices": indices, "table": table}

def reference(indices, table):
    # userEncoder with layers=(64,) is a single nn.Embedding lookup
    out = jnp.take(table, indices, axis=0)
    return out

if __name__ == "__main__":
    import jax
    _d = setup_inputs()
    print(jax.jit(kernel)(*tuple(_d.values())))

</pallas_src>

<mosaic_0001>
#map = affine_map<(d0, d1) -> (0, 0)>
#map1 = affine_map<(d0, d1) -> (0)>
module attributes {stable_mosaic.version = 14 : i64} {
  func.func @_sweep_body(%arg0: i32, %arg1: i32, %arg2: memref<64x1000000xf32, #tpu.memory_space<hbm>>, %arg3: memref<16384xi32, #tpu.memory_space<hbm>>, %arg4: memref<1572864xf32, #tpu.memory_space<hbm>>, %arg5: memref<24576xi32, #tpu.memory_space<hbm>>, %arg6: memref<16384xi32, #tpu.memory_space<vmem>>, %arg7: memref<784xi32, #tpu.memory_space<vmem>>, %arg8: memref<784xi32, #tpu.memory_space<vmem>>, %arg9: memref<112xi32, #tpu.memory_space<vmem>>, %arg10: memref<112xi32, #tpu.memory_space<vmem>>, %arg11: memref<192xi32, #tpu.memory_space<vmem>>, %arg12: memref<192xi32, #tpu.memory_space<vmem>>, %arg13: memref<49152xf32, #tpu.memory_space<vmem>>, %arg14: memref<768xi32, #tpu.memory_space<vmem>>, %arg15: memref<64x128xf32, #tpu.memory_space<vmem>>, %arg16: memref<64x128xf32, #tpu.memory_space<vmem>>, %arg17: memref<64x128xf32, #tpu.memory_space<vmem>>, %arg18: memref<64x128xf32, #tpu.memory_space<vmem>>, %arg19: memref<!tpu.dma_semaphore, #tpu.memory_space<semaphore_mem>>, %arg20: memref<!tpu.dma_semaphore, #tpu.memory_space<semaphore_mem>>, %arg21: memref<!tpu.dma_semaphore, #tpu.memory_space<semaphore_mem>>, %arg22: memref<!tpu.dma_semaphore, #tpu.memory_space<semaphore_mem>>) attributes {dimension_semantics = [#tpu.dimension_semantics<core_parallel>, #tpu.dimension_semantics<subcore_parallel>], iteration_bounds = array<i64: 2, 16>, scalar_prefetch = 0 : i64, scratch_operands = 17 : i64, tpu.core_type = #tpu.core_type<sc_vector_subcore>, window_params = [{transform_indices = #map}, {transform_indices = #map1}, {transform_indices = #map1}, {transform_indices = #map1}]} {
    %mul3A = arith.constant 2 : i32
    %mul3A_0 = arith.muli %arg1, %mul3A : i32
    %add3A = arith.addi %mul3A_0, %arg0 : i32
    %mul3A_1 = arith.constant 245 : i32
    %mul3A_2 = arith.muli %add3A, %mul3A_1 : i32
    %iota3A = tpu.iota {dimensions = array<i32: 0>} : vector<16xi32>
    %eq3A = arith.constant 0 : i32
    %eq3A_3 = vector.broadcast %eq3A : i32 to vector<16xi32>
    %eq3A_4 = arith.cmpi eq, %iota3A, %eq3A_3 : vector<16xi32>
    "tpu.region"() ({
      %run_scoped3A = tpu.sem_alloc : memref<!tpu.dma_semaphore, #tpu.memory_space<semaphore_mem>>
      tpu.enqueue_dma source(%arg3 : memref<16384xi32, #tpu.memory_space<hbm>>) target(%arg6 : memref<16384xi32, #tpu.memory_space<vmem>>) target_semaphore(%run_scoped3A : memref<!tpu.dma_semaphore, #tpu.memory_space<semaphore_mem>>)
      tpu.wait_dma2 semaphore(%run_scoped3A : memref<!tpu.dma_semaphore, #tpu.memory_space<semaphore_mem>>) src(%arg3 : memref<16384xi32, #tpu.memory_space<hbm>>) dst(%arg6 : memref<16384xi32, #tpu.memory_space<vmem>>)
      tpu.yield
    }) : () -> ()
    %broadcast_in_dim3A = arith.constant -1 : i32
    %broadcast_in_dim3A_5 = vector.broadcast %broadcast_in_dim3A : i32 to vector<16xi32>
    %scan3A = arith.constant 0 : i32
    %scan3A_6 = arith.constant 48 : i32
    %scan3A_7 = arith.addi %scan3A, %scan3A_6 : i32
    %scan3A_8 = arith.constant 1 : i32
    scf.for %scan3A_129 = %scan3A to %scan3A_7 step %scan3A_8  : i32 {
      %mul3A_130 = arith.constant 16 : i32
      %mul3A_131 = arith.muli %scan3A_129, %mul3A_130 : i32
      %add3A_132 = arith.constant 0 : i32
      %add3A_133 = arith.addi %add3A_132, %mul3A_131 : i32
      %swap3A = arith.index_cast %add3A_133 : i32 to index
      %swap3A_134 = tpu.vector_load %arg14[%swap3A] {strides = array<i32>} : memref<768xi32, #tpu.memory_space<vmem>>, vector<16xi32>,
      tpu.vector_store %arg14[%swap3A], %broadcast_in_dim3A_5 {strides = array<i32>} : memref<768xi32, #tpu.memory_space<vmem>>, vector<16xi32>,
    }
    %scan3A_9 = arith.constant 48 : i32
    %scan3A_10 = arith.constant 0 : i32
    %scan3A_11 = arith.constant 49 : i32
    %scan3A_12 = arith.addi %scan3A_10, %scan3A_11 : i32
    %scan3A_13 = arith.constant 1 : i32
    scf.for %scan3A_129 = %scan3A_10 to %scan3A_12 step %scan3A_13  : i32 {
      %mul3A_130 = arith.constant 16 : i32
      %mul3A_131 = arith.muli %scan3A_129, %mul3A_130 : i32
      %add3A_132 = arith.constant 0 : i32
      %add3A_133 = arith.addi %add3A_132, %mul3A_131 : i32
      %swap3A = arith.index_cast %add3A_133 : i32 to index
      %swap3A_134 = tpu.vector_load %arg8[%swap3A] {strides = array<i32>} : memref<784xi32, #tpu.memory_space<vmem>>, vector<16xi32>,
      tpu.vector_store %arg8[%swap3A], %broadcast_in_dim3A_5 {strides = array<i32>} : memref<784xi32, #tpu.memory_space<vmem>>, vector<16xi32>,
    }
    %scan3A_14 = arith.constant 49 : i32
    %scan3A_15 = arith.constant 0 : i32
    %scan3A_16 = arith.constant 0 : i32
    %scan3A_17 = arith.constant 1024 : i32
    %scan3A_18 = arith.addi %scan3A_16, %scan3A_17 : i32
    %scan3A_19 = arith.constant 1 : i32
    %scan3A_20 = scf.for %scan3A_129 = %scan3A_16 to %scan3A_18 step %scan3A_19 iter_args(%scan3A_130 = %scan3A_15) -> (i32)  : i32 {
      %mul3A_131 = arith.constant 1 : i32
      %mul3A_132 = arith.muli %scan3A_129, %mul3A_131 : i32
      %add3A_133 = arith.constant 0 : i32
      %add3A_134 = arith.addi %add3A_133, %mul3A_132 : i32
      %mul3A_135 = arith.constant 16 : i32
      %mul3A_136 = arith.muli %add3A_134, %mul3A_135 : i32
      %get3A = arith.index_cast %mul3A_136 : i32 to index
      %get3A_137 = tpu.vector_load %arg6[%get3A] {strides = array<i32>} : memref<16384xi32, #tpu.memory_space<vmem>>, vector<16xi32>,
      %shift_right_logical3A = arith.constant 7 : i32
      %shift_right_logical3A_138 = vector.broadcast %shift_right_logical3A : i32 to vector<16xi32>
      %shift_right_logical3A_139 = arith.shrui %get3A_137, %shift_right_logical3A_138 : vector<16xi32>
      %ge3A = vector.broadcast %mul3A_2 : i32 to vector<16xi32>
      %ge3A_140 = arith.cmpi sge, %shift_right_logical3A_139, %ge3A : vector<16xi32>
      %add3A_141 = arith.constant 245 : i32
      %add3A_142 = arith.addi %mul3A_2, %add3A_141 : i32
      %lt3A_143 = vector.broadcast %add3A_142 : i32 to vector<16xi32>
      %lt3A_144 = arith.cmpi slt, %shift_right_logical3A_139, %lt3A_143 : vector<16xi32>
      %and3A_145 = arith.andi %ge3A_140, %lt3A_144 : vector<16xi1>
      %mul3A_146 = arith.constant 16 : i32
      %mul3A_147 = arith.muli %add3A_134, %mul3A_146 : i32
      %add3A_148 = vector.broadcast %mul3A_147 : i32 to vector<16xi32>
      %add3A_149 = arith.addi %iota3A, %add3A_148 : vector<16xi32>
      %iota3A_150 = tpu.iota {dimensions = array<i32: 0>} : vector<16xi32>
      %broadcast_in_dim3A_151 = arith.constant -1 : i32
      %broadcast_in_dim3A_152 = vector.broadcast %broadcast_in_dim3A_151 : i32 to vector<16xi32>
      %add3A_153 = arith.constant 16 : i32
      %add3A_154 = vector.broadcast %add3A_153 : i32 to vector<16xi32>
      %add3A_155 = arith.addi %iota3A_150, %add3A_154 : vector<16xi32>
      %select_n3A = arith.select %and3A_145, %iota3A_150, %add3A_155 : vector<16xi1>, vector<16xi32>
      %select_n3A_156 = arith.select %and3A_145, %get3A_137, %broadcast_in_dim3A_152 : vector<16xi1>, vector<16xi32>
      %masked_sort3A = arith.constant dense<true> : vector<16xi1>
      %masked_sort3A_157 = arith.constant -2147483648 : i32
      %masked_sort3A_158 = vector.broadcast %masked_sort3A_157 : i32 to vector<16xi32>
      %masked_sort3A_159 = arith.xori %select_n3A, %masked_sort3A_158 : vector<16xi32>
      %masked_sort3A_160, %masked_sort3A_161, %masked_sort3A_162 = tpu.sort %masked_sort3A_159, %select_n3A_156 masked %masked_sort3A : (vector<16xi32>, vector<16xi32>, vector<16xi1>) -> (vector<16xi1>, vector<16xi32>, vector<16xi32>)
      %masked_sort3A_163 = arith.xori %masked_sort3A_161, %masked_sort3A_158 : vector<16xi32>
      %select_n3A_164 = arith.select %and3A_145, %add3A_149, %broadcast_in_dim3A_152 : vector<16xi1>, vector<16xi32>
      %masked_sort3A_165 = arith.constant dense<true> : vector<16xi1>
      %masked_sort3A_166 = arith.constant -2147483648 : i32
      %masked_sort3A_167 = vector.broadcast %masked_sort3A_166 : i32 to vector<16xi32>
      %masked_sort3A_168 = arith.xori %select_n3A, %masked_sort3A_167 : vector<16xi32>
      %masked_sort3A_169, %masked_sort3A_170, %masked_sort3A_171 = tpu.sort %masked_sort3A_168, %select_n3A_164 masked %masked_sort3A_165 : (vector<16xi32>, vector<16xi32>, vector<16xi1>) -> (vector<16xi1>, vector<16xi32>, vector<16xi32>)
      %masked_sort3A_172 = arith.xori %masked_sort3A_170, %masked_sort3A_167 : vector<16xi32>
      %swap3A = arith.index_cast %scan3A_130 : i32 to index
      %swap3A_173 = tpu.vector_load %arg8[%swap3A] {strides = array<i32>} : memref<784xi32, #tpu.memory_space<vmem>>, vector<16xi32>,
      tpu.vector_store %arg8[%swap3A], %masked_sort3A_162 {strides = array<i32>} : memref<784xi32, #tpu.memory_space<vmem>>, vector<16xi32>,
      %swap3A_174 = arith.index_cast %scan3A_130 : i32 to index
      %swap3A_175 = tpu.vector_load %arg7[%swap3A_174] {strides = array<i32>} : memref<784xi32, #tpu.memory_space<vmem>>, vector<16xi32>,
      tpu.vector_store %arg7[%swap3A_174], %masked_sort3A_171 {strides = array<i32>} : memref<784xi32, #tpu.memory_space<vmem>>, vector<16xi32>,
      %all_reduce_population_count3A = tpu.all_reduce %and3A_145 {dim = 0 : i64, kind = #tpu.reduction_kind<sum>} : vector<16xi1> -> vector<16xi32>
      %slice3A = vector.extract_strided_slice %all_reduce_population_count3A {offsets = [0], sizes = [1], strides = [1]} : vector<16xi32> to vector<1xi32>
      %squeeze3A = vector.extract %slice3A[0] : i32 from vector<1xi32>
      %add3A_176 = arith.addi %scan3A_130, %squeeze3A : i32
      scf.yield %add3A_176 : i32
    }
    %scan3A_21 = arith.constant 1024 : i32
    %and3A = arith.constant 0 : i32
    %and3A_22 = arith.constant -16 : i32
    %and3A_23 = arith.andi %and3A, %and3A_22 : i32
    %add3A_24 = arith.addi %mul3A_2, %and3A_23 : i32
    %scan3A_25 = arith.constant 0 : i32
    %scan3A_26 = arith.constant 7 : i32
    %scan3A_27 = arith.addi %scan3A_25, %scan3A_26 : i32
    %scan3A_28 = arith.constant 1 : i32
    scf.for %scan3A_129 = %scan3A_25 to %scan3A_27 step %scan3A_28  : i32 {
      %mul3A_130 = arith.constant 1 : i32
      %mul3A_131 = arith.muli %scan3A_129, %mul3A_130 : i32
      %add3A_132 = arith.constant 0 : i32
      %add3A_133 = arith.addi %add3A_132, %mul3A_131 : i32
      %mul3A_134 = arith.constant 16 : i32
      %mul3A_135 = arith.muli %add3A_133, %mul3A_134 : i32
      %swap3A = arith.index_cast %mul3A_135 : i32 to index
      %swap3A_136 = tpu.vector_load %arg10[%swap3A] {strides = array<i32>} : memref<112xi32, #tpu.memory_space<vmem>>, vector<16xi32>,
      tpu.vector_store %arg10[%swap3A], %broadcast_in_dim3A_5 {strides = array<i32>} : memref<112xi32, #tpu.memory_space<vmem>>, vector<16xi32>,
    }
    %scan3A_29 = arith.constant 7 : i32
    %scan3A_30 = arith.constant 0 : i32
    %scan3A_31 = arith.constant 0 : i32
    %scan3A_32 = arith.constant 49 : i32
    %scan3A_33 = arith.addi %scan3A_31, %scan3A_32 : i32
    %scan3A_34 = arith.constant 1 : i32
    %scan3A_35 = scf.for %scan3A_129 = %scan3A_31 to %scan3A_33 step %scan3A_34 iter_args(%scan3A_130 = %scan3A_30) -> (i32)  : i32 {
      %mul3A_131 = arith.constant 1 : i32
      %mul3A_132 = arith.muli %scan3A_129, %mul3A_131 : i32
      %add3A_133 = arith.constant 0 : i32
      %add3A_134 = arith.addi %add3A_133, %mul3A_132 : i32
      %mul3A_135 = arith.constant 16 : i32
      %mul3A_136 = arith.muli %add3A_134, %mul3A_135 : i32
      %get3A = arith.index_cast %mul3A_136 : i32 to index
      %get3A_137 = tpu.vector_load %arg8[%get3A] {strides = array<i32>} : memref<784xi32, #tpu.memory_space<vmem>>, vector<16xi32>,
      %mul3A_138 = arith.constant 16 : i32
      %mul3A_139 = arith.muli %add3A_134, %mul3A_138 : i32
      %get3A_140 = arith.index_cast %mul3A_139 : i32 to index
      %get3A_141 = tpu.vector_load %arg7[%get3A_140] {strides = array<i32>} : memref<784xi32, #tpu.memory_space<vmem>>, vector<16xi32>,
      %shift_right_logical3A = arith.constant 7 : i32
      %shift_right_logical3A_142 = vector.broadcast %shift_right_logical3A : i32 to vector<16xi32>
      %shift_right_logical3A_143 = arith.shrui %get3A_137, %shift_right_logical3A_142 : vector<16xi32>
      %ge3A = arith.constant 0 : i32
      %ge3A_144 = vector.broadcast %ge3A : i32 to vector<16xi32>
      %ge3A_145 = arith.cmpi sge, %get3A_137, %ge3A_144 : vector<16xi32>
      %ge3A_146 = vector.broadcast %add3A_24 : i32 to vector<16xi32>
      %ge3A_147 = arith.cmpi sge, %shift_right_logical3A_143, %ge3A_146 : vector<16xi32>
      %and3A_148 = arith.andi %ge3A_145, %ge3A_147 : vector<16xi1>
      %add3A_149 = arith.constant 16 : i32
      %add3A_150 = arith.addi %add3A_24, %add3A_149 : i32
      %lt3A_151 = vector.broadcast %add3A_150 : i32 to vector<16xi32>
      %lt3A_152 = arith.cmpi slt, %shift_right_logical3A_143, %lt3A_151 : vector<16xi32>
      %and3A_153 = arith.andi %and3A_148, %lt3A_152 : vector<16xi1>
      %iota3A_154 = tpu.iota {dimensions = array<i32: 0>} : vector<16xi32>
      %broadcast_in_dim3A_155 = arith.constant -1 : i32
      %broadcast_in_dim3A_156 = vector.broadcast %broadcast_in_dim3A_155 : i32 to vector<16xi32>
      %add3A_157 = arith.constant 16 : i32
      %add3A_158 = vector.broadcast %add3A_157 : i32 to vector<16xi32>
      %add3A_159 = arith.addi %iota3A_154, %add3A_158 : vector<16xi32>
      %select_n3A = arith.select %and3A_153, %iota3A_154, %add3A_159 : vector<16xi1>, vector<16xi32>
      %select_n3A_160 = arith.select %and3A_153, %get3A_137, %broadcast_in_dim3A_156 : vector<16xi1>, vector<16xi32>
      %masked_sort3A = arith.constant dense<true> : vector<16xi1>
      %masked_sort3A_161 = arith.constant -2147483648 : i32
      %masked_sort3A_162 = vector.broadcast %masked_sort3A_161 : i32 to vector<16xi32>
      %masked_sort3A_163 = arith.xori %select_n3A, %masked_sort3A_162 : vector<16xi32>
      %masked_sort3A_164, %masked_sort3A_165, %masked_sort3A_166 = tpu.sort %masked_sort3A_163, %select_n3A_160 masked %masked_sort3A : (vector<16xi32>, vector<16xi32>, vector<16xi1>) -> (vector<16xi1>, vector<16xi32>, vector<16xi32>)
      %masked_sort3A_167 = arith.xori %masked_sort3A_165, %masked_sort3A_162 : vector<16xi32>
      %select_n3A_168 = arith.select %and3A_153, %get3A_141, %broadcast_in_dim3A_156 : vector<16xi1>, vector<16xi32>
      %masked_sort3A_169 = arith.constant dense<true> : vector<16xi1>
      %masked_sort3A_170 = arith.constant -2147483648 : i32
      %masked_sort3A_171 = vector.broadcast %masked_sort3A_170 : i32 to vector<16xi32>
      %masked_sort3A_172 = arith.xori %select_n3A, %masked_sort3A_171 : vector<16xi32>
      %masked_sort3A_173, %masked_sort3A_174, %masked_sort3A_175 = tpu.sort %masked_sort3A_172, %select_n3A_168 masked %masked_sort3A_169 : (vector<16xi32>, vector<16xi32>, vector<16xi1>) -> (vector<16xi1>, vector<16xi32>, vector<16xi32>)
      %masked_sort3A_176 = arith.xori %masked_sort3A_174, %masked_sort3A_171 : vector<16xi32>
      %swap3A = arith.index_cast %scan3A_130 : i32 to index
      %swap3A_177 = tpu.vector_load %arg10[%swap3A] {strides = array<i32>} : memref<112xi32, #tpu.memory_space<vmem>>, vector<16xi32>,
      tpu.vector_store %arg10[%swap3A], %masked_sort3A_166 {strides = array<i32>} : memref<112xi32, #tpu.memory_space<vmem>>, vector<16xi32>,
      %swap3A_178 = arith.index_cast %scan3A_130 : i32 to index
      %swap3A_179 = tpu.vector_load %arg9[%swap3A_178] {strides = array<i32>} : memref<112xi32, #tpu.memory_space<vmem>>, vector<16xi32>,
      tpu.vector_store %arg9[%swap3A_178], %masked_sort3A_175 {strides = array<i32>} : memref<112xi32, #tpu.memory_space<vmem>>, vector<16xi32>,
      %all_reduce_population_count3A = tpu.all_reduce %and3A_153 {dim = 0 : i64, kind = #tpu.reduction_kind<sum>} : vector<16xi1> -> vector<16xi32>
      %slice3A = vector.extract_strided_slice %all_reduce_population_count3A {offsets = [0], sizes = [1], strides = [1]} : vector<16xi32> to vector<1xi32>
      %squeeze3A = vector.extract %slice3A[0] : i32 from vector<1xi32>
      %add3A_180 = arith.addi %scan3A_130, %squeeze3A : i32
      scf.yield %add3A_180 : i32
    }
    %scan3A_36 = arith.constant 49 : i32
    %add3A_37 = arith.constant 0 : i32
    %add3A_38 = arith.addi %mul3A_2, %add3A_37 : i32
    %scan3A_39 = arith.constant 0 : i32
    %scan3A_40 = arith.constant 0 : i32
    %scan3A_41 = arith.constant 7 : i32
    %scan3A_42 = arith.addi %scan3A_40, %scan3A_41 : i32
    %scan3A_43 = arith.constant 1 : i32
    %scan3A_44 = scf.for %scan3A_129 = %scan3A_40 to %scan3A_42 step %scan3A_43 iter_args(%scan3A_130 = %scan3A_39) -> (i32)  : i32 {
      %mul3A_131 = arith.constant 1 : i32
      %mul3A_132 = arith.muli %scan3A_129, %mul3A_131 : i32
      %add3A_133 = arith.constant 0 : i32
      %add3A_134 = arith.addi %add3A_133, %mul3A_132 : i32
      %mul3A_135 = arith.constant 16 : i32
      %mul3A_136 = arith.muli %add3A_134, %mul3A_135 : i32
      %get3A = arith.index_cast %mul3A_136 : i32 to index
      %get3A_137 = tpu.vector_load %arg10[%get3A] {strides = array<i32>} : memref<112xi32, #tpu.memory_space<vmem>>, vector<16xi32>,
      %mul3A_138 = arith.constant 16 : i32
      %mul3A_139 = arith.muli %add3A_134, %mul3A_138 : i32
      %get3A_140 = arith.index_cast %mul3A_139 : i32 to index
      %get3A_141 = tpu.vector_load %arg9[%get3A_140] {strides = array<i32>} : memref<112xi32, #tpu.memory_space<vmem>>, vector<16xi32>,
      %shift_right_logical3A = arith.constant 7 : i32
      %shift_right_logical3A_142 = vector.broadcast %shift_right_logical3A : i32 to vector<16xi32>
      %shift_right_logical3A_143 = arith.shrui %get3A_137, %shift_right_logical3A_142 : vector<16xi32>
      %ge3A = arith.constant 0 : i32
      %ge3A_144 = vector.broadcast %ge3A : i32 to vector<16xi32>
      %ge3A_145 = arith.cmpi sge, %get3A_137, %ge3A_144 : vector<16xi32>
      %eq3A_146 = vector.broadcast %add3A_38 : i32 to vector<16xi32>
      %eq3A_147 = arith.cmpi eq, %shift_right_logical3A_143, %eq3A_146 : vector<16xi32>
      %and3A_148 = arith.andi %ge3A_145, %eq3A_147 : vector<16xi1>
      %iota3A_149 = tpu.iota {dimensions = array<i32: 0>} : vector<16xi32>
      %broadcast_in_dim3A_150 = arith.constant -1 : i32
      %broadcast_in_dim3A_151 = vector.broadcast %broadcast_in_dim3A_150 : i32 to vector<16xi32>
      %add3A_152 = arith.constant 16 : i32
      %add3A_153 = vector.broadcast %add3A_152 : i32 to vector<16xi32>
      %add3A_154 = arith.addi %iota3A_149, %add3A_153 : vector<16xi32>
      %select_n3A = arith.select %and3A_148, %iota3A_149, %add3A_154 : vector<16xi1>, vector<16xi32>
      %select_n3A_155 = arith.select %and3A_148, %get3A_137, %broadcast_in_dim3A_151 : vector<16xi1>, vector<16xi32>
      %masked_sort3A = arith.constant dense<true> : vector<16xi1>
      %masked_sort3A_156 = arith.constant -2147483648 : i32
      %masked_sort3A_157 = vector.broadcast %masked_sort3A_156 : i32 to vector<16xi32>
      %masked_sort3A_158 = arith.xori %select_n3A, %masked_sort3A_157 : vector<16xi32>
      %masked_sort3A_159, %masked_sort3A_160, %masked_sort3A_161 = tpu.sort %masked_sort3A_158, %select_n3A_155 masked %masked_sort3A : (vector<16xi32>, vector<16xi32>, vector<16xi1>) -> (vector<16xi1>, vector<16xi32>, vector<16xi32>)
      %masked_sort3A_162 = arith.xori %masked_sort3A_160, %masked_sort3A_157 : vector<16xi32>
      %select_n3A_163 = arith.select %and3A_148, %get3A_141, %broadcast_in_dim3A_151 : vector<16xi1>, vector<16xi32>
      %masked_sort3A_164 = arith.constant dense<true> : vector<16xi1>
      %masked_sort3A_165 = arith.constant -2147483648 : i32
      %masked_sort3A_166 = vector.broadcast %masked_sort3A_165 : i32 to vector<16xi32>
      %masked_sort3A_167 = arith.xori %select_n3A, %masked_sort3A_166 : vector<16xi32>
      %masked_sort3A_168, %masked_sort3A_169, %masked_sort3A_170 = tpu.sort %masked_sort3A_167, %select_n3A_163 masked %masked_sort3A_164 : (vector<16xi32>, vector<16xi32>, vector<16xi1>) -> (vector<16xi1>, vector<16xi32>, vector<16xi32>)
      %masked_sort3A_171 = arith.xori %masked_sort3A_169, %masked_sort3A_166 : vector<16xi32>
      %swap3A = arith.constant 0 : i32
      %swap3A_172 = tpu.memref_slice %arg12[%swap3A] : memref<192xi32, #tpu.memory_space<vmem>> -> memref<48xi32, #tpu.memory_space<vmem>>
      %swap3A_173 = arith.index_cast %scan3A_130 : i32 to index
      %swap3A_174 = tpu.vector_load %swap3A_172[%swap3A_173] {strides = array<i32>} : memref<48xi32, #tpu.memory_space<vmem>>, vector<16xi32>,
      tpu.vector_store %swap3A_172[%swap3A_173], %masked_sort3A_161 {strides = array<i32>} : memref<48xi32, #tpu.memory_space<vmem>>, vector<16xi32>,
      %swap3A_175 = arith.constant 0 : i32
      %swap3A_176 = tpu.memref_slice %arg11[%swap3A_175] : memref<192xi32, #tpu.memory_space<vmem>> -> memref<48xi32, #tpu.memory_space<vmem>>
      %swap3A_177 = arith.index_cast %scan3A_130 : i32 to index
      %swap3A_178 = tpu.vector_load %swap3A_176[%swap3A_177] {strides = array<i32>} : memref<48xi32, #tpu.memory_space<vmem>>, vector<16xi32>,
      tpu.vector_store %swap3A_176[%swap3A_177], %masked_sort3A_170 {strides = array<i32>} : memref<48xi32, #tpu.memory_space<vmem>>, vector<16xi32>,
      %all_reduce_population_count3A = tpu.all_reduce %and3A_148 {dim = 0 : i64, kind = #tpu.reduction_kind<sum>} : vector<16xi1> -> vector<16xi32>
      %slice3A = vector.extract_strided_slice %all_reduce_population_count3A {offsets = [0], sizes = [1], strides = [1]} : vector<16xi32> to vector<1xi32>
      %squeeze3A = vector.extract %slice3A[0] : i32 from vector<1xi32>
      %add3A_179 = arith.addi %scan3A_130, %squeeze3A : i32
      scf.yield %add3A_179 : i32
    }
    %scan3A_45 = arith.constant 7 : i32
    %lt3A = arith.constant 0 : i32
    %lt3A_46 = arith.constant 245 : i32
    %lt3A_47 = arith.cmpi slt, %lt3A, %lt3A_46 : i32
    %lt3A_48 = arith.constant 7813 : i32
    %lt3A_49 = arith.cmpi slt, %add3A_38, %lt3A_48 : i32
    %and3A_50 = arith.andi %lt3A_47, %lt3A_49 : i1
    %gt3A = arith.constant 0 : i32
    %gt3A_51 = arith.cmpi sgt, %scan3A_44, %gt3A : i32
    %and3A_52 = arith.andi %and3A_50, %gt3A_51 : i1
    %convert_element_type3A = arith.extui %and3A_52 : i1 to i32
    %cond3A = arith.constant 0 : i32
    %cond3A_53 = arith.cmpi ne, %convert_element_type3A, %cond3A : i32
    scf.if %cond3A_53 {
      %mul3A_129 = arith.constant 128 : i32
      %mul3A_130 = arith.muli %add3A_38, %mul3A_129 : i32
      %multiple_of3A_131 = tpu.assume_multiple %mul3A_130, 128 : i32
      %dma_start3A = arith.constant 0 : i32
      %dma_start3A_132 = tpu.memref_slice %arg2[%dma_start3A, %multiple_of3A_131] : memref<64x1000000xf32, #tpu.memory_space<hbm>> -> memref<64x128xf32, #tpu.memory_space<hbm>>
      %dma_start3A_133 = arith.constant 0 : i32
      %dma_start3A_134 = tpu.memref_slice %arg2[%dma_start3A_133, %multiple_of3A_131] : memref<64x1000000xf32, #tpu.memory_space<hbm>> -> memref<64x128xf32, #tpu.memory_space<hbm>>
      tpu.enqueue_dma source(%dma_start3A_134 : memref<64x128xf32, #tpu.memory_space<hbm>>) target(%arg15 : memref<64x128xf32, #tpu.memory_space<vmem>>) target_semaphore(%arg19 : memref<!tpu.dma_semaphore, #tpu.memory_space<semaphore_mem>>)
    } else {
    }
    %add3A_54 = arith.constant 1 : i32
    %add3A_55 = arith.addi %mul3A_2, %add3A_54 : i32
    %scan3A_56 = arith.constant 0 : i32
    %scan3A_57 = arith.constant 0 : i32
    %scan3A_58 = arith.constant 7 : i32
    %scan3A_59 = arith.addi %scan3A_57, %scan3A_58 : i32
    %scan3A_60 = arith.constant 1 : i32
    %scan3A_61 = scf.for %scan3A_129 = %scan3A_57 to %scan3A_59 step %scan3A_60 iter_args(%scan3A_130 = %scan3A_56) -> (i32)  : i32 {
      %mul3A_131 = arith.constant 1 : i32
      %mul3A_132 = arith.muli %scan3A_129, %mul3A_131 : i32
      %add3A_133 = arith.constant 0 : i32
      %add3A_134 = arith.addi %add3A_133, %mul3A_132 : i32
      %mul3A_135 = arith.constant 16 : i32
      %mul3A_136 = arith.muli %add3A_134, %mul3A_135 : i32
      %get3A = arith.index_cast %mul3A_136 : i32 to index
      %get3A_137 = tpu.vector_load %arg10[%get3A] {strides = array<i32>} : memref<112xi32, #tpu.memory_space<vmem>>, vector<16xi32>,
      %mul3A_138 = arith.constant 16 : i32
      %mul3A_139 = arith.muli %add3A_134, %mul3A_138 : i32
      %get3A_140 = arith.index_cast %mul3A_139 : i32 to index
      %get3A_141 = tpu.vector_load %arg9[%get3A_140] {strides = array<i32>} : memref<112xi32, #tpu.memory_space<vmem>>, vector<16xi32>,
      %shift_right_logical3A = arith.constant 7 : i32
      %shift_right_logical3A_142 = vector.broadcast %shift_right_logical3A : i32 to vector<16xi32>
      %shift_right_logical3A_143 = arith.shrui %get3A_137, %shift_right_logical3A_142 : vector<16xi32>
      %ge3A = arith.constant 0 : i32
      %ge3A_144 = vector.broadcast %ge3A : i32 to vector<16xi32>
      %ge3A_145 = arith.cmpi sge, %get3A_137, %ge3A_144 : vector<16xi32>
      %eq3A_146 = vector.broadcast %add3A_55 : i32 to vector<16xi32>
      %eq3A_147 = arith.cmpi eq, %shift_right_logical3A_143, %eq3A_146 : vector<16xi32>
      %and3A_148 = arith.andi %ge3A_145, %eq3A_147 : vector<16xi1>
      %iota3A_149 = tpu.iota {dimensions = array<i32: 0>} : vector<16xi32>
      %broadcast_in_dim3A_150 = arith.constant -1 : i32
      %broadcast_in_dim3A_151 = vector.broadcast %broadcast_in_dim3A_150 : i32 to vector<16xi32>
      %add3A_152 = arith.constant 16 : i32
      %add3A_153 = vector.broadcast %add3A_152 : i32 to vector<16xi32>
      %add3A_154 = arith.addi %iota3A_149, %add3A_153 : vector<16xi32>
      %select_n3A = arith.select %and3A_148, %iota3A_149, %add3A_154 : vector<16xi1>, vector<16xi32>
      %select_n3A_155 = arith.select %and3A_148, %get3A_137, %broadcast_in_dim3A_151 : vector<16xi1>, vector<16xi32>
      %masked_sort3A = arith.constant dense<true> : vector<16xi1>
      %masked_sort3A_156 = arith.constant -2147483648 : i32
      %masked_sort3A_157 = vector.broadcast %masked_sort3A_156 : i32 to vector<16xi32>
      %masked_sort3A_158 = arith.xori %select_n3A, %masked_sort3A_157 : vector<16xi32>
      %masked_sort3A_159, %masked_sort3A_160, %masked_sort3A_161 = tpu.sort %masked_sort3A_158, %select_n3A_155 masked %masked_sort3A : (vector<16xi32>, vector<16xi32>, vector<16xi1>) -> (vector<16xi1>, vector<16xi32>, vector<16xi32>)
      %masked_sort3A_162 = arith.xori %masked_sort3A_160, %masked_sort3A_157 : vector<16xi32>
      %select_n3A_163 = arith.select %and3A_148, %get3A_141, %broadcast_in_dim3A_151 : vector<16xi1>, vector<16xi32>
      %masked_sort3A_164 = arith.constant dense<true> : vector<16xi1>
      %masked_sort3A_165 = arith.constant -2147483648 : i32
      %masked_sort3A_166 = vector.broadcast %masked_sort3A_165 : i32 to vector<16xi32>
      %masked_sort3A_167 = arith.xori %select_n3A, %masked_sort3A_166 : vector<16xi32>
      %masked_sort3A_168, %masked_sort3A_169, %masked_sort3A_170 = tpu.sort %masked_sort3A_167, %select_n3A_163 masked %masked_sort3A_164 : (vector<16xi32>, vector<16xi32>, vector<16xi1>) -> (vector<16xi1>, vector<16xi32>, vector<16xi32>)
      %masked_sort3A_171 = arith.xori %masked_sort3A_169, %masked_sort3A_166 : vector<16xi32>
      %swap3A = arith.constant 48 : i32
      %swap3A_172 = tpu.memref_slice %arg12[%swap3A] : memref<192xi32, #tpu.memory_space<vmem>> -> memref<48xi32, #tpu.memory_space<vmem>>
      %swap3A_173 = arith.index_cast %scan3A_130 : i32 to index
      %swap3A_174 = tpu.vector_load %swap3A_172[%swap3A_173] {strides = array<i32>} : memref<48xi32, #tpu.memory_space<vmem>>, vector<16xi32>,
      tpu.vector_store %swap3A_172[%swap3A_173], %masked_sort3A_161 {strides = array<i32>} : memref<48xi32, #tpu.memory_space<vmem>>, vector<16xi32>,
      %swap3A_175 = arith.constant 48 : i32
      %swap3A_176 = tpu.memref_slice %arg11[%swap3A_175] : memref<192xi32, #tpu.memory_space<vmem>> -> memref<48xi32, #tpu.memory_space<vmem>>
      %swap3A_177 = arith.index_cast %scan3A_130 : i32 to index
      %swap3A_178 = tpu.vector_load %swap3A_176[%swap3A_177] {strides = array<i32>} : memref<48xi32, #tpu.memory_space<vmem>>, vector<16xi32>,
      tpu.vector_store %swap3A_176[%swap3A_177], %masked_sort3A_170 {strides = array<i32>} : memref<48xi32, #tpu.memory_space<vmem>>, vector<16xi32>,
      %all_reduce_population_count3A = tpu.all_reduce %and3A_148 {dim = 0 : i64, kind = #tpu.reduction_kind<sum>} : vector<16xi1> -> vector<16xi32>
      %slice3A = vector.extract_strided_slice %all_reduce_population_count3A {offsets = [0], sizes = [1], strides = [1]} : vector<16xi32> to vector<1xi32>
      %squeeze3A = vector.extract %slice3A[0] : i32 from vector<1xi32>
      %add3A_179 = arith.addi %scan3A_130, %squeeze3A : i32
      scf.yield %add3A_179 : i32
    }
    %scan3A_62 = arith.constant 7 : i32
    %lt3A_63 = arith.constant 1 : i32
    %lt3A_64 = arith.constant 245 : i32
    %lt3A_65 = arith.cmpi slt, %lt3A_63, %lt3A_64 : i32
    %lt3A_66 = arith.constant 7813 : i32
    %lt3A_67 = arith.cmpi slt, %add3A_55, %lt3A_66 : i32
    %and3A_68 = arith.andi %lt3A_65, %lt3A_67 : i1
    %gt3A_69 = arith.constant 0 : i32
    %gt3A_70 = arith.cmpi sgt, %scan3A_61, %gt3A_69 : i32
    %and3A_71 = arith.andi %and3A_68, %gt3A_70 : i1
    %convert_element_type3A_72 = arith.extui %and3A_71 : i1 to i32
    %cond3A_73 = arith.constant 0 : i32
    %cond3A_74 = arith.cmpi ne, %convert_element_type3A_72, %cond3A_73 : i32
    scf.if %cond3A_74 {
      %mul3A_129 = arith.constant 128 : i32
      %mul3A_130 = arith.muli %add3A_55, %mul3A_129 : i32
      %multiple_of3A_131 = tpu.assume_multiple %mul3A_130, 128 : i32
      %dma_start3A = arith.constant 0 : i32
      %dma_start3A_132 = tpu.memref_slice %arg2[%dma_start3A, %multiple_of3A_131] : memref<64x1000000xf32, #tpu.memory_space<hbm>> -> memref<64x128xf32, #tpu.memory_space<hbm>>
      %dma_start3A_133 = arith.constant 0 : i32
      %dma_start3A_134 = tpu.memref_slice %arg2[%dma_start3A_133, %multiple_of3A_131] : memref<64x1000000xf32, #tpu.memory_space<hbm>> -> memref<64x128xf32, #tpu.memory_space<hbm>>
      tpu.enqueue_dma source(%dma_start3A_134 : memref<64x128xf32, #tpu.memory_space<hbm>>) target(%arg16 : memref<64x128xf32, #tpu.memory_space<vmem>>) target_semaphore(%arg20 : memref<!tpu.dma_semaphore, #tpu.memory_space<semaphore_mem>>)
    } else {
    }
    %add3A_75 = arith.constant 2 : i32
    %add3A_76 = arith.addi %mul3A_2, %add3A_75 : i32
    %scan3A_77 = arith.constant 0 : i32
    %scan3A_78 = arith.constant 0 : i32
    %scan3A_79 = arith.constant 7 : i32
    %scan3A_80 = arith.addi %scan3A_78, %scan3A_79 : i32
    %scan3A_81 = arith.constant 1 : i32
    %scan3A_82 = scf.for %scan3A_129 = %scan3A_78 to %scan3A_80 step %scan3A_81 iter_args(%scan3A_130 = %scan3A_77) -> (i32)  : i32 {
      %mul3A_131 = arith.constant 1 : i32
      %mul3A_132 = arith.muli %scan3A_129, %mul3A_131 : i32
      %add3A_133 = arith.constant 0 : i32
      %add3A_134 = arith.addi %add3A_133, %mul3A_132 : i32
      %mul3A_135 = arith.constant 16 : i32
      %mul3A_136 = arith.muli %add3A_134, %mul3A_135 : i32
      %get3A = arith.index_cast %mul3A_136 : i32 to index
      %get3A_137 = tpu.vector_load %arg10[%get3A] {strides = array<i32>} : memref<112xi32, #tpu.memory_space<vmem>>, vector<16xi32>,
      %mul3A_138 = arith.constant 16 : i32
      %mul3A_139 = arith.muli %add3A_134, %mul3A_138 : i32
      %get3A_140 = arith.index_cast %mul3A_139 : i32 to index
      %get3A_141 = tpu.vector_load %arg9[%get3A_140] {strides = array<i32>} : memref<112xi32, #tpu.memory_space<vmem>>, vector<16xi32>,
      %shift_right_logical3A = arith.constant 7 : i32
      %shift_right_logical3A_142 = vector.broadcast %shift_right_logical3A : i32 to vector<16xi32>
      %shift_right_logical3A_143 = arith.shrui %get3A_137, %shift_right_logical3A_142 : vector<16xi32>
      %ge3A = arith.constant 0 : i32
      %ge3A_144 = vector.broadcast %ge3A : i32 to vector<16xi32>
      %ge3A_145 = arith.cmpi sge, %get3A_137, %ge3A_144 : vector<16xi32>
      %eq3A_146 = vector.broadcast %add3A_76 : i32 to vector<16xi32>
      %eq3A_147 = arith.cmpi eq, %shift_right_logical3A_143, %eq3A_146 : vector<16xi32>
      %and3A_148 = arith.andi %ge3A_145, %eq3A_147 : vector<16xi1>
      %iota3A_149 = tpu.iota {dimensions = array<i32: 0>} : vector<16xi32>
      %broadcast_in_dim3A_150 = arith.constant -1 : i32
      %broadcast_in_dim3A_151 = vector.broadcast %broadcast_in_dim3A_150 : i32 to vector<16xi32>
      %add3A_152 = arith.constant 16 : i32
      %add3A_153 = vector.broadcast %add3A_152 : i32 to vector<16xi32>
      %add3A_154 = arith.addi %iota3A_149, %add3A_153 : vector<16xi32>
      %select_n3A = arith.select %and3A_148, %iota3A_149, %add3A_154 : vector<16xi1>, vector<16xi32>
      %select_n3A_155 = arith.select %and3A_148, %get3A_137, %broadcast_in_dim3A_151 : vector<16xi1>, vector<16xi32>
      %masked_sort3A = arith.constant dense<true> : vector<16xi1>
      %masked_sort3A_156 = arith.constant -2147483648 : i32
      %masked_sort3A_157 = vector.broadcast %masked_sort3A_156 : i32 to vector<16xi32>
      %masked_sort3A_158 = arith.xori %select_n3A, %masked_sort3A_157 : vector<16xi32>
      %masked_sort3A_159, %masked_sort3A_160, %masked_sort3A_161 = tpu.sort %masked_sort3A_158, %select_n3A_155 masked %masked_sort3A : (vector<16xi32>, vector<16xi32>, vector<16xi1>) -> (vector<16xi1>, vector<16xi32>, vector<16xi32>)
      %masked_sort3A_162 = arith.xori %masked_sort3A_160, %masked_sort3A_157 : vector<16xi32>
      %select_n3A_163 = arith.select %and3A_148, %get3A_141, %broadcast_in_dim3A_151 : vector<16xi1>, vector<16xi32>
      %masked_sort3A_164 = arith.constant dense<true> : vector<16xi1>
      %masked_sort3A_165 = arith.constant -2147483648 : i32
      %masked_sort3A_166 = vector.broadcast %masked_sort3A_165 : i32 to vector<16xi32>
      %masked_sort3A_167 = arith.xori %select_n3A, %masked_sort3A_166 : vector<16xi32>
      %masked_sort3A_168, %masked_sort3A_169, %masked_sort3A_170 = tpu.sort %masked_sort3A_167, %select_n3A_163 masked %masked_sort3A_164 : (vector<16xi32>, vector<16xi32>, vector<16xi1>) -> (vector<16xi1>, vector<16xi32>, vector<16xi32>)
      %masked_sort3A_171 = arith.xori %masked_sort3A_169, %masked_sort3A_166 : vector<16xi32>
      %swap3A = arith.constant 96 : i32
      %swap3A_172 = tpu.memref_slice %arg12[%swap3A] : memref<192xi32, #tpu.memory_space<vmem>> -> memref<48xi32, #tpu.memory_space<vmem>>
      %swap3A_173 = arith.index_cast %scan3A_130 : i32 to index
      %swap3A_174 = tpu.vector_load %swap3A_172[%swap3A_173] {strides = array<i32>} : memref<48xi32, #tpu.memory_space<vmem>>, vector<16xi32>,
      tpu.vector_store %swap3A_172[%swap3A_173], %masked_sort3A_161 {strides = array<i32>} : memref<48xi32, #tpu.memory_space<vmem>>, vector<16xi32>,
      %swap3A_175 = arith.constant 96 : i32
      %swap3A_176 = tpu.memref_slice %arg11[%swap3A_175] : memref<192xi32, #tpu.memory_space<vmem>> -> memref<48xi32, #tpu.memory_space<vmem>>
      %swap3A_177 = arith.index_cast %scan3A_130 : i32 to index
      %swap3A_178 = tpu.vector_load %swap3A_176[%swap3A_177] {strides = array<i32>} : memref<48xi32, #tpu.memory_space<vmem>>, vector<16xi32>,
      tpu.vector_store %swap3A_176[%swap3A_177], %masked_sort3A_170 {strides = array<i32>} : memref<48xi32, #tpu.memory_space<vmem>>, vector<16xi32>,
      %all_reduce_population_count3A = tpu.all_reduce %and3A_148 {dim = 0 : i64, kind = #tpu.reduction_kind<sum>} : vector<16xi1> -> vector<16xi32>
      %slice3A = vector.extract_strided_slice %all_reduce_population_count3A {offsets = [0], sizes = [1], strides = [1]} : vector<16xi32> to vector<1xi32>
      %squeeze3A = vector.extract %slice3A[0] : i32 from vector<1xi32>
      %add3A_179 = arith.addi %scan3A_130, %squeeze3A : i32
      scf.yield %add3A_179 : i32
    }
    %scan3A_83 = arith.constant 7 : i32
    %lt3A_84 = arith.constant 2 : i32
    %lt3A_85 = arith.constant 245 : i32
    %lt3A_86 = arith.cmpi slt, %lt3A_84, %lt3A_85 : i32
    %lt3A_87 = arith.constant 7813 : i32
    %lt3A_88 = arith.cmpi slt, %add3A_76, %lt3A_87 : i32
    %and3A_89 = arith.andi %lt3A_86, %lt3A_88 : i1
    %gt3A_90 = arith.constant 0 : i32
    %gt3A_91 = arith.cmpi sgt, %scan3A_82, %gt3A_90 : i32
    %and3A_92 = arith.andi %and3A_89, %gt3A_91 : i1
    %convert_element_type3A_93 = arith.extui %and3A_92 : i1 to i32
    %cond3A_94 = arith.constant 0 : i32
    %cond3A_95 = arith.cmpi ne, %convert_element_type3A_93, %cond3A_94 : i32
    scf.if %cond3A_95 {
      %mul3A_129 = arith.constant 128 : i32
      %mul3A_130 = arith.muli %add3A_76, %mul3A_129 : i32
      %multiple_of3A_131 = tpu.assume_multiple %mul3A_130, 128 : i32
      %dma_start3A = arith.constant 0 : i32
      %dma_start3A_132 = tpu.memref_slice %arg2[%dma_start3A, %multiple_of3A_131] : memref<64x1000000xf32, #tpu.memory_space<hbm>> -> memref<64x128xf32, #tpu.memory_space<hbm>>
      %dma_start3A_133 = arith.constant 0 : i32
      %dma_start3A_134 = tpu.memref_slice %arg2[%dma_start3A_133, %multiple_of3A_131] : memref<64x1000000xf32, #tpu.memory_space<hbm>> -> memref<64x128xf32, #tpu.memory_space<hbm>>
      tpu.enqueue_dma source(%dma_start3A_134 : memref<64x128xf32, #tpu.memory_space<hbm>>) target(%arg17 : memref<64x128xf32, #tpu.memory_space<vmem>>) target_semaphore(%arg21 : memref<!tpu.dma_semaphore, #tpu.memory_space<semaphore_mem>>)
    } else {
    }
    %add3A_96 = arith.constant 3 : i32
    %add3A_97 = arith.addi %mul3A_2, %add3A_96 : i32
    %scan3A_98 = arith.constant 0 : i32
    %scan3A_99 = arith.constant 0 : i32
    %scan3A_100 = arith.constant 7 : i32
    %scan3A_101 = arith.addi %scan3A_99, %scan3A_100 : i32
    %scan3A_102 = arith.constant 1 : i32
    %scan3A_103 = scf.for %scan3A_129 = %scan3A_99 to %scan3A_101 step %scan3A_102 iter_args(%scan3A_130 = %scan3A_98) -> (i32)  : i32 {
      %mul3A_131 = arith.constant 1 : i32
      %mul3A_132 = arith.muli %scan3A_129, %mul3A_131 : i32
      %add3A_133 = arith.constant 0 : i32
      %add3A_134 = arith.addi %add3A_133, %mul3A_132 : i32
      %mul3A_135 = arith.constant 16 : i32
      %mul3A_136 = arith.muli %add3A_134, %mul3A_135 : i32
      %get3A = arith.index_cast %mul3A_136 : i32 to index
      %get3A_137 = tpu.vector_load %arg10[%get3A] {strides = array<i32>} : memref<112xi32, #tpu.memory_space<vmem>>, vector<16xi32>,
      %mul3A_138 = arith.constant 16 : i32
      %mul3A_139 = arith.muli %add3A_134, %mul3A_138 : i32
      %get3A_140 = arith.index_cast %mul3A_139 : i32 to index
      %get3A_141 = tpu.vector_load %arg9[%get3A_140] {strides = array<i32>} : memref<112xi32, #tpu.memory_space<vmem>>, vector<16xi32>,
      %shift_right_logical3A = arith.constant 7 : i32
      %shift_right_logical3A_142 = vector.broadcast %shift_right_logical3A : i32 to vector<16xi32>
      %shift_right_logical3A_143 = arith.shrui %get3A_137, %shift_right_logical3A_142 : vector<16xi32>
      %ge3A = arith.constant 0 : i32
      %ge3A_144 = vector.broadcast %ge3A : i32 to vector<16xi32>
      %ge3A_145 = arith.cmpi sge, %get3A_137, %ge3A_144 : vector<16xi32>
      %eq3A_146 = vector.broadcast %add3A_97 : i32 to vector<16xi32>
      %eq3A_147 = arith.cmpi eq, %shift_right_logical3A_143, %eq3A_146 : vector<16xi32>
      %and3A_148 = arith.andi %ge3A_145, %eq3A_147 : vector<16xi1>
      %iota3A_149 = tpu.iota {dimensions = array<i32: 0>} : vector<16xi32>
      %broadcast_in_dim3A_150 = arith.constant -1 : i32
      %broadcast_in_dim3A_151 = vector.broadcast %broadcast_in_dim3A_150 : i32 to vector<16xi32>
      %add3A_152 = arith.constant 16 : i32
      %add3A_153 = vector.broadcast %add3A_152 : i32 to vector<16xi32>
      %add3A_154 = arith.addi %iota3A_149, %add3A_153 : vector<16xi32>
      %select_n3A = arith.select %and3A_148, %iota3A_149, %add3A_154 : vector<16xi1>, vector<16xi32>
      %select_n3A_155 = arith.select %and3A_148, %get3A_137, %broadcast_in_dim3A_151 : vector<16xi1>, vector<16xi32>
      %masked_sort3A = arith.constant dense<true> : vector<16xi1>
      %masked_sort3A_156 = arith.constant -2147483648 : i32
      %masked_sort3A_157 = vector.broadcast %masked_sort3A_156 : i32 to vector<16xi32>
      %masked_sort3A_158 = arith.xori %select_n3A, %masked_sort3A_157 : vector<16xi32>
      %masked_sort3A_159, %masked_sort3A_160, %masked_sort3A_161 = tpu.sort %masked_sort3A_158, %select_n3A_155 masked %masked_sort3A : (vector<16xi32>, vector<16xi32>, vector<16xi1>) -> (vector<16xi1>, vector<16xi32>, vector<16xi32>)
      %masked_sort3A_162 = arith.xori %masked_sort3A_160, %masked_sort3A_157 : vector<16xi32>
      %select_n3A_163 = arith.select %and3A_148, %get3A_141, %broadcast_in_dim3A_151 : vector<16xi1>, vector<16xi32>
      %masked_sort3A_164 = arith.constant dense<true> : vector<16xi1>
      %masked_sort3A_165 = arith.constant -2147483648 : i32
      %masked_sort3A_166 = vector.broadcast %masked_sort3A_165 : i32 to vector<16xi32>
      %masked_sort3A_167 = arith.xori %select_n3A, %masked_sort3A_166 : vector<16xi32>
      %masked_sort3A_168, %masked_sort3A_169, %masked_sort3A_170 = tpu.sort %masked_sort3A_167, %select_n3A_163 masked %masked_sort3A_164 : (vector<16xi32>, vector<16xi32>, vector<16xi1>) -> (vector<16xi1>, vector<16xi32>, vector<16xi32>)
      %masked_sort3A_171 = arith.xori %masked_sort3A_169, %masked_sort3A_166 : vector<16xi32>
      %swap3A = arith.constant 144 : i32
      %swap3A_172 = tpu.memref_slice %arg12[%swap3A] : memref<192xi32, #tpu.memory_space<vmem>> -> memref<48xi32, #tpu.memory_space<vmem>>
      %swap3A_173 = arith.index_cast %scan3A_130 : i32 to index
      %swap3A_174 = tpu.vector_load %swap3A_172[%swap3A_173] {strides = array<i32>} : memref<48xi32, #tpu.memory_space<vmem>>, vector<16xi32>,
      tpu.vector_store %swap3A_172[%swap3A_173], %masked_sort3A_161 {strides = array<i32>} : memref<48xi32, #tpu.memory_space<vmem>>, vector<16xi32>,
      %swap3A_175 = arith.constant 144 : i32
      %swap3A_176 = tpu.memref_slice %arg11[%swap3A_175] : memref<192xi32, #tpu.memory_space<vmem>> -> memref<48xi32, #tpu.memory_space<vmem>>
      %swap3A_177 = arith.index_cast %scan3A_130 : i32 to index
      %swap3A_178 = tpu.vector_load %swap3A_176[%swap3A_177] {strides = array<i32>} : memref<48xi32, #tpu.memory_space<vmem>>, vector<16xi32>,
      tpu.vector_store %swap3A_176[%swap3A_177], %masked_sort3A_170 {strides = array<i32>} : memref<48xi32, #tpu.memory_space<vmem>>, vector<16xi32>,
      %all_reduce_population_count3A = tpu.all_reduce %and3A_148 {dim = 0 : i64, kind = #tpu.reduction_kind<sum>} : vector<16xi1> -> vector<16xi32>
      %slice3A = vector.extract_strided_slice %all_reduce_population_count3A {offsets = [0], sizes = [1], strides = [1]} : vector<16xi32> to vector<1xi32>
      %squeeze3A = vector.extract %slice3A[0] : i32 from vector<1xi32>
      %add3A_179 = arith.addi %scan3A_130, %squeeze3A : i32
      scf.yield %add3A_179 : i32
    }
    %scan3A_104 = arith.constant 7 : i32
    %lt3A_105 = arith.constant 3 : i32
    %lt3A_106 = arith.constant 245 : i32
    %lt3A_107 = arith.cmpi slt, %lt3A_105, %lt3A_106 : i32
    %lt3A_108 = arith.constant 7813 : i32
    %lt3A_109 = arith.cmpi slt, %add3A_97, %lt3A_108 : i32
    %and3A_110 = arith.andi %lt3A_107, %lt3A_109 : i1
    %gt3A_111 = arith.constant 0 : i32
    %gt3A_112 = arith.cmpi sgt, %scan3A_103, %gt3A_111 : i32
    %and3A_113 = arith.andi %and3A_110, %gt3A_112 : i1
    %convert_element_type3A_114 = arith.extui %and3A_113 : i1 to i32
    %cond3A_115 = arith.constant 0 : i32
    %cond3A_116 = arith.cmpi ne, %convert_element_type3A_114, %cond3A_115 : i32
    scf.if %cond3A_116 {
      %mul3A_129 = arith.constant 128 : i32
      %mul3A_130 = arith.muli %add3A_97, %mul3A_129 : i32
      %multiple_of3A_131 = tpu.assume_multiple %mul3A_130, 128 : i32
      %dma_start3A = arith.constant 0 : i32
      %dma_start3A_132 = tpu.memref_slice %arg2[%dma_start3A, %multiple_of3A_131] : memref<64x1000000xf32, #tpu.memory_space<hbm>> -> memref<64x128xf32, #tpu.memory_space<hbm>>
      %dma_start3A_133 = arith.constant 0 : i32
      %dma_start3A_134 = tpu.memref_slice %arg2[%dma_start3A_133, %multiple_of3A_131] : memref<64x1000000xf32, #tpu.memory_space<hbm>> -> memref<64x128xf32, #tpu.memory_space<hbm>>
      tpu.enqueue_dma source(%dma_start3A_134 : memref<64x128xf32, #tpu.memory_space<hbm>>) target(%arg18 : memref<64x128xf32, #tpu.memory_space<vmem>>) target_semaphore(%arg22 : memref<!tpu.dma_semaphore, #tpu.memory_space<semaphore_mem>>)
    } else {
    }
    %scan3A_117 = arith.constant 0 : i32
    %scan3A_118 = arith.constant 0 : i32
    %scan3A_119 = arith.constant 62 : i32
    %scan3A_120 = arith.addi %scan3A_118, %scan3A_119 : i32
    %scan3A_121 = arith.constant 1 : i32
    %scan3A_122:5 = scf.for %scan3A_129 = %scan3A_118 to %scan3A_120 step %scan3A_121 iter_args(%scan3A_130 = %scan3A_117, %scan3A_131 = %scan3A_44, %scan3A_132 = %scan3A_61, %scan3A_133 = %scan3A_82, %scan3A_134 = %scan3A_103) -> (i32, i32, i32, i32, i32)  : i32 {
      %mul3A_135 = arith.constant 4 : i32
      %mul3A_136 = arith.muli %scan3A_129, %mul3A_135 : i32
      %add3A_137 = arith.constant 0 : i32
      %add3A_138 = arith.addi %add3A_137, %mul3A_136 : i32
      %add3A_139 = arith.constant 0 : i32
      %add3A_140 = arith.addi %add3A_138, %add3A_139 : i32
      %add3A_141 = arith.addi %mul3A_2, %add3A_140 : i32
      %lt3A_142 = arith.constant 245 : i32
      %lt3A_143 = arith.cmpi slt, %add3A_140, %lt3A_142 : i32
      %lt3A_144 = arith.constant 7813 : i32
      %lt3A_145 = arith.cmpi slt, %add3A_141, %lt3A_144 : i32
      %and3A_146 = arith.andi %lt3A_143, %lt3A_145 : i1
      %gt3A_147 = arith.constant 0 : i32
      %gt3A_148 = arith.cmpi sgt, %scan3A_131, %gt3A_147 : i32
      %and3A_149 = arith.andi %and3A_146, %gt3A_148 : i1
      %convert_element_type3A_150 = arith.extui %and3A_149 : i1 to i32
      %cond3A_151 = arith.constant 0 : i32
      %cond3A_152 = arith.cmpi ne, %convert_element_type3A_150, %cond3A_151 : i32
      scf.if %cond3A_152 {
        %dma_wait3A = arith.constant 0 : i32
        %dma_wait3A_388 = arith.constant 0 : i32
        %dma_wait3A_389 = tpu.memref_slice %arg2[%dma_wait3A, %dma_wait3A_388] : memref<64x1000000xf32, #tpu.memory_space<hbm>> -> memref<64x128xf32, #tpu.memory_space<hbm>>
        %dma_wait3A_390 = arith.constant 0 : i32
        %dma_wait3A_391 = arith.constant 0 : i32
        %dma_wait3A_392 = tpu.memref_slice %arg2[%dma_wait3A_390, %dma_wait3A_391] : memref<64x1000000xf32, #tpu.memory_space<hbm>> -> memref<64x128xf32, #tpu.memory_space<hbm>>
        tpu.wait_dma2 semaphore(%arg19 : memref<!tpu.dma_semaphore, #tpu.memory_space<semaphore_mem>>) src(%dma_wait3A_392 : memref<64x128xf32, #tpu.memory_space<hbm>>) dst(%arg15 : memref<64x128xf32, #tpu.memory_space<vmem>>)
      } else {
      }
      %sub3A = arith.constant 0 : i32
      %sub3A_153 = arith.subi %scan3A_131, %sub3A : i32
      %sub3A_154 = arith.constant 1 : i32
      %sub3A_155 = arith.constant 1 : i32
      %sub3A_156 = arith.subi %sub3A_154, %sub3A_155 : i32
      %add3A_157 = arith.addi %sub3A_153, %sub3A_156 : i32
      %div3A = arith.constant 1 : i32
      %div3A_158 = arith.divsi %add3A_157, %div3A : i32
      %while3A = arith.constant 1 : i32
      %while3A_159 = arith.constant 0 : i32
      %while3A_160 = arith.constant 0 : i32
      %while3A_161 = arith.subi %div3A_158, %while3A_160 : i32
      %while3A_162 = arith.addi %while3A_160, %while3A_161 : i32
      %while3A_163 = arith.constant 1 : i32
      %while3A_164 = arith.divsi %while3A_161, %while3A_163 : i32
      %while3A_165 = arith.muli %while3A_164, %while3A_163 : i32
      %while3A_166 = arith.addi %while3A_160, %while3A_165 : i32
      %while3A_167 = arith.constant 1 : i32
      %while3A_168 = scf.for %while3A_388 = %while3A_160 to %while3A_166 step %while3A_167 iter_args(%while3A_389 = %scan3A_130) -> (i32)  : i32 {
        %mul3A_390 = arith.muli %while3A_388, %while3A : i32
        %add3A_391 = arith.addi %while3A_159, %mul3A_390 : i32
        %add3A_392 = arith.constant 0 : i32
        %add3A_393 = arith.addi %add3A_392, %add3A_391 : i32
        %get3A = arith.index_cast %add3A_393 : i32 to index
        %get3A_394 = tpu.vector_load %arg12[%get3A] {strides = array<i32>} : memref<192xi32, #tpu.memory_space<vmem>>, vector<16xi32>,
        %add3A_395 = arith.constant 0 : i32
        %add3A_396 = arith.addi %add3A_395, %add3A_391 : i32
        %get3A_397 = arith.index_cast %add3A_396 : i32 to index
        %get3A_398 = tpu.vector_load %arg11[%get3A_397] {strides = array<i32>} : memref<192xi32, #tpu.memory_space<vmem>>, vector<16xi32>,
        %slice3A = vector.extract_strided_slice %get3A_394 {offsets = [0], sizes = [1], strides = [1]} : vector<16xi32> to vector<1xi32>
        %squeeze3A = vector.extract %slice3A[0] : i32 from vector<1xi32>
        %slice3A_399 = vector.extract_strided_slice %get3A_398 {offsets = [0], sizes = [1], strides = [1]} : vector<16xi32> to vector<1xi32>
        %squeeze3A_400 = vector.extract %slice3A_399[0] : i32 from vector<1xi32>
        %mul3A_401 = arith.constant 128 : i32
        %mul3A_402 = arith.muli %add3A_141, %mul3A_401 : i32
        %sub3A_403 = arith.subi %squeeze3A, %mul3A_402 : i32
        %broadcast_in_dim3A_404 = vector.broadcast %sub3A_403 : i32 to vector<16xi32>
        %add3A_405 = arith.constant 0 : i32
        %add3A_406 = vector.broadcast %add3A_405 : i32 to vector<16xi32>
        %add3A_407 = arith.addi %iota3A, %add3A_406 : vector<16xi32>
        %gather3A = tpu.vector_load_idx %arg15[%add3A_407, %broadcast_in_dim3A_404] : memref<64x128xf32, #tpu.memory_space<vmem>>[vector<16xi32>, vector<16xi32>], vector<16xf32>,
        %mul3A_408 = arith.constant 64 : i32
        %mul3A_409 = arith.muli %while3A_389, %mul3A_408 : i32
        %add3A_410 = arith.constant 0 : i32
        %add3A_411 = arith.addi %mul3A_409, %add3A_410 : i32
        %swap3A = arith.index_cast %add3A_411 : i32 to index
        %swap3A_412 = tpu.vector_load %arg13[%swap3A] {strides = array<i32>} : memref<49152xf32, #tpu.memory_space<vmem>>, vector<16xf32>,
        tpu.vector_store %arg13[%swap3A], %gather3A {strides = array<i32>} : memref<49152xf32, #tpu.memory_space<vmem>>, vector<16xf32>,
        %add3A_413 = arith.constant 16 : i32
        %add3A_414 = vector.broadcast %add3A_413 : i32 to vector<16xi32>
        %add3A_415 = arith.addi %iota3A, %add3A_414 : vector<16xi32>
        %gather3A_416 = tpu.vector_load_idx %arg15[%add3A_415, %broadcast_in_dim3A_404] : memref<64x128xf32, #tpu.memory_space<vmem>>[vector<16xi32>, vector<16xi32>], vector<16xf32>,
        %mul3A_417 = arith.constant 64 : i32
        %mul3A_418 = arith.muli %while3A_389, %mul3A_417 : i32
        %add3A_419 = arith.constant 16 : i32
        %add3A_420 = arith.addi %mul3A_418, %add3A_419 : i32
        %swap3A_421 = arith.index_cast %add3A_420 : i32 to index
        %swap3A_422 = tpu.vector_load %arg13[%swap3A_421] {strides = array<i32>} : memref<49152xf32, #tpu.memory_space<vmem>>, vector<16xf32>,
        tpu.vector_store %arg13[%swap3A_421], %gather3A_416 {strides = array<i32>} : memref<49152xf32, #tpu.memory_space<vmem>>, vector<16xf32>,
        %add3A_423 = arith.constant 32 : i32
        %add3A_424 = vector.broadcast %add3A_423 : i32 to vector<16xi32>
        %add3A_425 = arith.addi %iota3A, %add3A_424 : vector<16xi32>
        %gather3A_426 = tpu.vector_load_idx %arg15[%add3A_425, %broadcast_in_dim3A_404] : memref<64x128xf32, #tpu.memory_space<vmem>>[vector<16xi32>, vector<16xi32>], vector<16xf32>,
        %mul3A_427 = arith.constant 64 : i32
        %mul3A_428 = arith.muli %while3A_389, %mul3A_427 : i32
        %add3A_429 = arith.constant 32 : i32
        %add3A_430 = arith.addi %mul3A_428, %add3A_429 : i32
        %swap3A_431 = arith.index_cast %add3A_430 : i32 to index
        %swap3A_432 = tpu.vector_load %arg13[%swap3A_431] {strides = array<i32>} : memref<49152xf32, #tpu.memory_space<vmem>>, vector<16xf32>,
        tpu.vector_store %arg13[%swap3A_431], %gather3A_426 {strides = array<i32>} : memref<49152xf32, #tpu.memory_space<vmem>>, vector<16xf32>,
        %add3A_433 = arith.constant 48 : i32
        %add3A_434 = vector.broadcast %add3A_433 : i32 to vector<16xi32>
        %add3A_435 = arith.addi %iota3A, %add3A_434 : vector<16xi32>
        %gather3A_436 = tpu.vector_load_idx %arg15[%add3A_435, %broadcast_in_dim3A_404] : memref<64x128xf32, #tpu.memory_space<vmem>>[vector<16xi32>, vector<16xi32>], vector<16xf32>,
        %mul3A_437 = arith.constant 64 : i32
        %mul3A_438 = arith.muli %while3A_389, %mul3A_437 : i32
        %add3A_439 = arith.constant 48 : i32
        %add3A_440 = arith.addi %mul3A_438, %add3A_439 : i32
        %swap3A_441 = arith.index_cast %add3A_440 : i32 to index
        %swap3A_442 = tpu.vector_load %arg13[%swap3A_441] {strides = array<i32>} : memref<49152xf32, #tpu.memory_space<vmem>>, vector<16xf32>,
        tpu.vector_store %arg13[%swap3A_441], %gather3A_436 {strides = array<i32>} : memref<49152xf32, #tpu.memory_space<vmem>>, vector<16xf32>,
        %broadcast_in_dim3A_443 = vector.broadcast %while3A_389 : i32 to vector<16xi32>
        %broadcast_in_dim3A_444 = vector.broadcast %squeeze3A_400 : i32 to vector<16xi32>
        tpu.vector_store_idx %arg14[%broadcast_in_dim3A_443], %broadcast_in_dim3A_444 masked %eq3A_4 : memref<768xi32, #tpu.memory_space<vmem>>[vector<16xi32>], vector<16xi32>, vector<16xi1>
        %add3A_445 = arith.constant 1 : i32
        %add3A_446 = arith.addi %while3A_389, %add3A_445 : i32
        scf.yield %add3A_446 : i32
      }
      %while3A_169 = arith.constant 1 : i32
      %while3A_170 = scf.for %while3A_388 = %while3A_166 to %while3A_162 step %while3A_169 iter_args(%while3A_389 = %while3A_168) -> (i32)  : i32 {
        %mul3A_390 = arith.muli %while3A_388, %while3A : i32
        %add3A_391 = arith.addi %while3A_159, %mul3A_390 : i32
        %add3A_392 = arith.constant 0 : i32
        %add3A_393 = arith.addi %add3A_392, %add3A_391 : i32
        %get3A = arith.index_cast %add3A_393 : i32 to index
        %get3A_394 = tpu.vector_load %arg12[%get3A] {strides = array<i32>} : memref<192xi32, #tpu.memory_space<vmem>>, vector<16xi32>,
        %add3A_395 = arith.constant 0 : i32
        %add3A_396 = arith.addi %add3A_395, %add3A_391 : i32
        %get3A_397 = arith.index_cast %add3A_396 : i32 to index
        %get3A_398 = tpu.vector_load %arg11[%get3A_397] {strides = array<i32>} : memref<192xi32, #tpu.memory_space<vmem>>, vector<16xi32>,
        %slice3A = vector.extract_strided_slice %get3A_394 {offsets = [0], sizes = [1], strides = [1]} : vector<16xi32> to vector<1xi32>
        %squeeze3A = vector.extract %slice3A[0] : i32 from vector<1xi32>
        %slice3A_399 = vector.extract_strided_slice %get3A_398 {offsets = [0], sizes = [1], strides = [1]} : vector<16xi32> to vector<1xi32>
        %squeeze3A_400 = vector.extract %slice3A_399[0] : i32 from vector<1xi32>
        %mul3A_401 = arith.constant 128 : i32
        %mul3A_402 = arith.muli %add3A_141, %mul3A_401 : i32
        %sub3A_403 = arith.subi %squeeze3A, %mul3A_402 : i32
        %broadcast_in_dim3A_404 = vector.broadcast %sub3A_403 : i32 to vector<16xi32>
        %add3A_405 = arith.constant 0 : i32
        %add3A_406 = vector.broadcast %add3A_405 : i32 to vector<16xi32>
        %add3A_407 = arith.addi %iota3A, %add3A_406 : vector<16xi32>
        %gather3A = tpu.vector_load_idx %arg15[%add3A_407, %broadcast_in_dim3A_404] : memref<64x128xf32, #tpu.memory_space<vmem>>[vector<16xi32>, vector<16xi32>], vector<16xf32>,
        %mul3A_408 = arith.constant 64 : i32
        %mul3A_409 = arith.muli %while3A_389, %mul3A_408 : i32
        %add3A_410 = arith.constant 0 : i32
        %add3A_411 = arith.addi %mul3A_409, %add3A_410 : i32
        %swap3A = arith.index_cast %add3A_411 : i32 to index
        %swap3A_412 = tpu.vector_load %arg13[%swap3A] {strides = array<i32>} : memref<49152xf32, #tpu.memory_space<vmem>>, vector<16xf32>,
        tpu.vector_store %arg13[%swap3A], %gather3A {strides = array<i32>} : memref<49152xf32, #tpu.memory_space<vmem>>, vector<16xf32>,
        %add3A_413 = arith.constant 16 : i32
        %add3A_414 = vector.broadcast %add3A_413 : i32 to vector<16xi32>
        %add3A_415 = arith.addi %iota3A, %add3A_414 : vector<16xi32>
        %gather3A_416 = tpu.vector_load_idx %arg15[%add3A_415, %broadcast_in_dim3A_404] : memref<64x128xf32, #tpu.memory_space<vmem>>[vector<16xi32>, vector<16xi32>], vector<16xf32>,
        %mul3A_417 = arith.constant 64 : i32
        %mul3A_418 = arith.muli %while3A_389, %mul3A_417 : i32
        %add3A_419 = arith.constant 16 : i32
        %add3A_420 = arith.addi %mul3A_418, %add3A_419 : i32
        %swap3A_421 = arith.index_cast %add3A_420 : i32 to index
        %swap3A_422 = tpu.vector_load %arg13[%swap3A_421] {strides = array<i32>} : memref<49152xf32, #tpu.memory_space<vmem>>, vector<16xf32>,
        tpu.vector_store %arg13[%swap3A_421], %gather3A_416 {strides = array<i32>} : memref<49152xf32, #tpu.memory_space<vmem>>, vector<16xf32>,
        %add3A_423 = arith.constant 32 : i32
        %add3A_424 = vector.broadcast %add3A_423 : i32 to vector<16xi32>
        %add3A_425 = arith.addi %iota3A, %add3A_424 : vector<16xi32>
        %gather3A_426 = tpu.vector_load_idx %arg15[%add3A_425, %broadcast_in_dim3A_404] : memref<64x128xf32, #tpu.memory_space<vmem>>[vector<16xi32>, vector<16xi32>], vector<16xf32>,
        %mul3A_427 = arith.constant 64 : i32
        %mul3A_428 = arith.muli %while3A_389, %mul3A_427 : i32
        %add3A_429 = arith.constant 32 : i32
        %add3A_430 = arith.addi %mul3A_428, %add3A_429 : i32
        %swap3A_431 = arith.index_cast %add3A_430 : i32 to index
        %swap3A_432 = tpu.vector_load %arg13[%swap3A_431] {strides = array<i32>} : memref<49152xf32, #tpu.memory_space<vmem>>, vector<16xf32>,
        tpu.vector_store %arg13[%swap3A_431], %gather3A_426 {strides = array<i32>} : memref<49152xf32, #tpu.memory_space<vmem>>, vector<16xf32>,
        %add3A_433 = arith.constant 48 : i32
        %add3A_434 = vector.broadcast %add3A_433 : i32 to vector<16xi32>
        %add3A_435 = arith.addi %iota3A, %add3A_434 : vector<16xi32>
        %gather3A_436 = tpu.vector_load_idx %arg15[%add3A_435, %broadcast_in_dim3A_404] : memref<64x128xf32, #tpu.memory_space<vmem>>[vector<16xi32>, vector<16xi32>], vector<16xf32>,
        %mul3A_437 = arith.constant 64 : i32
        %mul3A_438 = arith.muli %while3A_389, %mul3A_437 : i32
        %add3A_439 = arith.constant 48 : i32
        %add3A_440 = arith.addi %mul3A_438, %add3A_439 : i32
        %swap3A_441 = arith.index_cast %add3A_440 : i32 to index
        %swap3A_442 = tpu.vector_load %arg13[%swap3A_441] {strides = array<i32>} : memref<49152xf32, #tpu.memory_space<vmem>>, vector<16xf32>,
        tpu.vector_store %arg13[%swap3A_441], %gather3A_436 {strides = array<i32>} : memref<49152xf32, #tpu.memory_space<vmem>>, vector<16xf32>,
        %broadcast_in_dim3A_443 = vector.broadcast %while3A_389 : i32 to vector<16xi32>
        %broadcast_in_dim3A_444 = vector.broadcast %squeeze3A_400 : i32 to vector<16xi32>
        tpu.vector_store_idx %arg14[%broadcast_in_dim3A_443], %broadcast_in_dim3A_444 masked %eq3A_4 : memref<768xi32, #tpu.memory_space<vmem>>[vector<16xi32>], vector<16xi32>, vector<16xi1>
        %add3A_445 = arith.constant 1 : i32
        %add3A_446 = arith.addi %while3A_389, %add3A_445 : i32
        scf.yield %add3A_446 : i32
      }
      %add3A_171 = arith.constant 4 : i32
      %add3A_172 = arith.addi %add3A_140, %add3A_171 : i32
      %add3A_173 = arith.addi %mul3A_2, %add3A_172 : i32
      %and3A_174 = arith.constant 15 : i32
      %and3A_175 = arith.andi %add3A_172, %and3A_174 : i32
      %eq3A_176 = arith.constant 0 : i32
      %eq3A_177 = arith.cmpi eq, %and3A_175, %eq3A_176 : i32
      %convert_element_type3A_178 = arith.extui %eq3A_177 : i1 to i32
      %cond3A_179 = arith.constant 0 : i32
      %cond3A_180 = arith.cmpi ne, %convert_element_type3A_178, %cond3A_179 : i32
      scf.if %cond3A_180 {
        %and3A_388 = arith.constant -16 : i32
        %and3A_389 = arith.andi %add3A_172, %and3A_388 : i32
        %add3A_390 = arith.addi %mul3A_2, %and3A_389 : i32
        %scan3A_391 = arith.constant 0 : i32
        %scan3A_392 = arith.constant 7 : i32
        %scan3A_393 = arith.addi %scan3A_391, %scan3A_392 : i32
        %scan3A_394 = arith.constant 1 : i32
        scf.for %scan3A_403 = %scan3A_391 to %scan3A_393 step %scan3A_394  : i32 {
          %mul3A_404 = arith.constant 1 : i32
          %mul3A_405 = arith.muli %scan3A_403, %mul3A_404 : i32
          %add3A_406 = arith.constant 0 : i32
          %add3A_407 = arith.addi %add3A_406, %mul3A_405 : i32
          %mul3A_408 = arith.constant 16 : i32
          %mul3A_409 = arith.muli %add3A_407, %mul3A_408 : i32
          %swap3A = arith.index_cast %mul3A_409 : i32 to index
          %swap3A_410 = tpu.vector_load %arg10[%swap3A] {strides = array<i32>} : memref<112xi32, #tpu.memory_space<vmem>>, vector<16xi32>,
          tpu.vector_store %arg10[%swap3A], %broadcast_in_dim3A_5 {strides = array<i32>} : memref<112xi32, #tpu.memory_space<vmem>>, vector<16xi32>,
        }
        %scan3A_395 = arith.constant 7 : i32
        %scan3A_396 = arith.constant 0 : i32
        %scan3A_397 = arith.constant 0 : i32
        %scan3A_398 = arith.constant 49 : i32
        %scan3A_399 = arith.addi %scan3A_397, %scan3A_398 : i32
        %scan3A_400 = arith.constant 1 : i32
        %scan3A_401 = scf.for %scan3A_403 = %scan3A_397 to %scan3A_399 step %scan3A_400 iter_args(%scan3A_404 = %scan3A_396) -> (i32)  : i32 {
          %mul3A_405 = arith.constant 1 : i32
          %mul3A_406 = arith.muli %scan3A_403, %mul3A_405 : i32
          %add3A_407 = arith.constant 0 : i32
          %add3A_408 = arith.addi %add3A_407, %mul3A_406 : i32
          %mul3A_409 = arith.constant 16 : i32
          %mul3A_410 = arith.muli %add3A_408, %mul3A_409 : i32
          %get3A = arith.index_cast %mul3A_410 : i32 to index
          %get3A_411 = tpu.vector_load %arg8[%get3A] {strides = array<i32>} : memref<784xi32, #tpu.memory_space<vmem>>, vector<16xi32>,
          %mul3A_412 = arith.constant 16 : i32
          %mul3A_413 = arith.muli %add3A_408, %mul3A_412 : i32
          %get3A_414 = arith.index_cast %mul3A_413 : i32 to index
          %get3A_415 = tpu.vector_load %arg7[%get3A_414] {strides = array<i32>} : memref<784xi32, #tpu.memory_space<vmem>>, vector<16xi32>,
          %shift_right_logical3A = arith.constant 7 : i32
          %shift_right_logical3A_416 = vector.broadcast %shift_right_logical3A : i32 to vector<16xi32>
          %shift_right_logical3A_417 = arith.shrui %get3A_411, %shift_right_logical3A_416 : vector<16xi32>
          %ge3A = arith.constant 0 : i32
          %ge3A_418 = vector.broadcast %ge3A : i32 to vector<16xi32>
          %ge3A_419 = arith.cmpi sge, %get3A_411, %ge3A_418 : vector<16xi32>
          %ge3A_420 = vector.broadcast %add3A_390 : i32 to vector<16xi32>
          %ge3A_421 = arith.cmpi sge, %shift_right_logical3A_417, %ge3A_420 : vector<16xi32>
          %and3A_422 = arith.andi %ge3A_419, %ge3A_421 : vector<16xi1>
          %add3A_423 = arith.constant 16 : i32
          %add3A_424 = arith.addi %add3A_390, %add3A_423 : i32
          %lt3A_425 = vector.broadcast %add3A_424 : i32 to vector<16xi32>
          %lt3A_426 = arith.cmpi slt, %shift_right_logical3A_417, %lt3A_425 : vector<16xi32>
          %and3A_427 = arith.andi %and3A_422, %lt3A_426 : vector<16xi1>
          %iota3A_428 = tpu.iota {dimensions = array<i32: 0>} : vector<16xi32>
          %broadcast_in_dim3A_429 = arith.constant -1 : i32
          %broadcast_in_dim3A_430 = vector.broadcast %broadcast_in_dim3A_429 : i32 to vector<16xi32>
          %add3A_431 = arith.constant 16 : i32
          %add3A_432 = vector.broadcast %add3A_431 : i32 to vector<16xi32>
          %add3A_433 = arith.addi %iota3A_428, %add3A_432 : vector<16xi32>
          %select_n3A = arith.select %and3A_427, %iota3A_428, %add3A_433 : vector<16xi1>, vector<16xi32>
          %select_n3A_434 = arith.select %and3A_427, %get3A_411, %broadcast_in_dim3A_430 : vector<16xi1>, vector<16xi32>
          %masked_sort3A = arith.constant dense<true> : vector<16xi1>
          %masked_sort3A_435 = arith.constant -2147483648 : i32
          %masked_sort3A_436 = vector.broadcast %masked_sort3A_435 : i32 to vector<16xi32>
          %masked_sort3A_437 = arith.xori %select_n3A, %masked_sort3A_436 : vector<16xi32>
          %masked_sort3A_438, %masked_sort3A_439, %masked_sort3A_440 = tpu.sort %masked_sort3A_437, %select_n3A_434 masked %masked_sort3A : (vector<16xi32>, vector<16xi32>, vector<16xi1>) -> (vector<16xi1>, vector<16xi32>, vector<16xi32>)
          %masked_sort3A_441 = arith.xori %masked_sort3A_439, %masked_sort3A_436 : vector<16xi32>
          %select_n3A_442 = arith.select %and3A_427, %get3A_415, %broadcast_in_dim3A_430 : vector<16xi1>, vector<16xi32>
          %masked_sort3A_443 = arith.constant dense<true> : vector<16xi1>
          %masked_sort3A_444 = arith.constant -2147483648 : i32
          %masked_sort3A_445 = vector.broadcast %masked_sort3A_444 : i32 to vector<16xi32>
          %masked_sort3A_446 = arith.xori %select_n3A, %masked_sort3A_445 : vector<16xi32>
          %masked_sort3A_447, %masked_sort3A_448, %masked_sort3A_449 = tpu.sort %masked_sort3A_446, %select_n3A_442 masked %masked_sort3A_443 : (vector<16xi32>, vector<16xi32>, vector<16xi1>) -> (vector<16xi1>, vector<16xi32>, vector<16xi32>)
          %masked_sort3A_450 = arith.xori %masked_sort3A_448, %masked_sort3A_445 : vector<16xi32>
          %swap3A = arith.index_cast %scan3A_404 : i32 to index
          %swap3A_451 = tpu.vector_load %arg10[%swap3A] {strides = array<i32>} : memref<112xi32, #tpu.memory_space<vmem>>, vector<16xi32>,
          tpu.vector_store %arg10[%swap3A], %masked_sort3A_440 {strides = array<i32>} : memref<112xi32, #tpu.memory_space<vmem>>, vector<16xi32>,
          %swap3A_452 = arith.index_cast %scan3A_404 : i32 to index
          %swap3A_453 = tpu.vector_load %arg9[%swap3A_452] {strides = array<i32>} : memref<112xi32, #tpu.memory_space<vmem>>, vector<16xi32>,
          tpu.vector_store %arg9[%swap3A_452], %masked_sort3A_449 {strides = array<i32>} : memref<112xi32, #tpu.memory_space<vmem>>, vector<16xi32>,
          %all_reduce_population_count3A = tpu.all_reduce %and3A_427 {dim = 0 : i64, kind = #tpu.reduction_kind<sum>} : vector<16xi1> -> vector<16xi32>
          %slice3A = vector.extract_strided_slice %all_reduce_population_count3A {offsets = [0], sizes = [1], strides = [1]} : vector<16xi32> to vector<1xi32>
          %squeeze3A = vector.extract %slice3A[0] : i32 from vector<1xi32>
          %add3A_454 = arith.addi %scan3A_404, %squeeze3A : i32
          scf.yield %add3A_454 : i32
        }
        %scan3A_402 = arith.constant 49 : i32
      } else {
      }
      %scan3A_181 = arith.constant 0 : i32
      %scan3A_182 = arith.constant 0 : i32
      %scan3A_183 = arith.constant 7 : i32
      %scan3A_184 = arith.addi %scan3A_182, %scan3A_183 : i32
      %scan3A_185 = arith.constant 1 : i32
      %scan3A_186 = scf.for %scan3A_388 = %scan3A_182 to %scan3A_184 step %scan3A_185 iter_args(%scan3A_389 = %scan3A_181) -> (i32)  : i32 {
        %mul3A_390 = arith.constant 1 : i32
        %mul3A_391 = arith.muli %scan3A_388, %mul3A_390 : i32
        %add3A_392 = arith.constant 0 : i32
        %add3A_393 = arith.addi %add3A_392, %mul3A_391 : i32
        %mul3A_394 = arith.constant 16 : i32
        %mul3A_395 = arith.muli %add3A_393, %mul3A_394 : i32
        %get3A = arith.index_cast %mul3A_395 : i32 to index
        %get3A_396 = tpu.vector_load %arg10[%get3A] {strides = array<i32>} : memref<112xi32, #tpu.memory_space<vmem>>, vector<16xi32>,
        %mul3A_397 = arith.constant 16 : i32
        %mul3A_398 = arith.muli %add3A_393, %mul3A_397 : i32
        %get3A_399 = arith.index_cast %mul3A_398 : i32 to index
        %get3A_400 = tpu.vector_load %arg9[%get3A_399] {strides = array<i32>} : memref<112xi32, #tpu.memory_space<vmem>>, vector<16xi32>,
        %shift_right_logical3A = arith.constant 7 : i32
        %shift_right_logical3A_401 = vector.broadcast %shift_right_logical3A : i32 to vector<16xi32>
        %shift_right_logical3A_402 = arith.shrui %get3A_396, %shift_right_logical3A_401 : vector<16xi32>
        %ge3A = arith.constant 0 : i32
        %ge3A_403 = vector.broadcast %ge3A : i32 to vector<16xi32>
        %ge3A_404 = arith.cmpi sge, %get3A_396, %ge3A_403 : vector<16xi32>
        %eq3A_405 = vector.broadcast %add3A_173 : i32 to vector<16xi32>
        %eq3A_406 = arith.cmpi eq, %shift_right_logical3A_402, %eq3A_405 : vector<16xi32>
        %and3A_407 = arith.andi %ge3A_404, %eq3A_406 : vector<16xi1>
        %iota3A_408 = tpu.iota {dimensions = array<i32: 0>} : vector<16xi32>
        %broadcast_in_dim3A_409 = arith.constant -1 : i32
        %broadcast_in_dim3A_410 = vector.broadcast %broadcast_in_dim3A_409 : i32 to vector<16xi32>
        %add3A_411 = arith.constant 16 : i32
        %add3A_412 = vector.broadcast %add3A_411 : i32 to vector<16xi32>
        %add3A_413 = arith.addi %iota3A_408, %add3A_412 : vector<16xi32>
        %select_n3A = arith.select %and3A_407, %iota3A_408, %add3A_413 : vector<16xi1>, vector<16xi32>
        %select_n3A_414 = arith.select %and3A_407, %get3A_396, %broadcast_in_dim3A_410 : vector<16xi1>, vector<16xi32>
        %masked_sort3A = arith.constant dense<true> : vector<16xi1>
        %masked_sort3A_415 = arith.constant -2147483648 : i32
        %masked_sort3A_416 = vector.broadcast %masked_sort3A_415 : i32 to vector<16xi32>
        %masked_sort3A_417 = arith.xori %select_n3A, %masked_sort3A_416 : vector<16xi32>
        %masked_sort3A_418, %masked_sort3A_419, %masked_sort3A_420 = tpu.sort %masked_sort3A_417, %select_n3A_414 masked %masked_sort3A : (vector<16xi32>, vector<16xi32>, vector<16xi1>) -> (vector<16xi1>, vector<16xi32>, vector<16xi32>)
        %masked_sort3A_421 = arith.xori %masked_sort3A_419, %masked_sort3A_416 : vector<16xi32>
        %select_n3A_422 = arith.select %and3A_407, %get3A_400, %broadcast_in_dim3A_410 : vector<16xi1>, vector<16xi32>
        %masked_sort3A_423 = arith.constant dense<true> : vector<16xi1>
        %masked_sort3A_424 = arith.constant -2147483648 : i32
        %masked_sort3A_425 = vector.broadcast %masked_sort3A_424 : i32 to vector<16xi32>
        %masked_sort3A_426 = arith.xori %select_n3A, %masked_sort3A_425 : vector<16xi32>
        %masked_sort3A_427, %masked_sort3A_428, %masked_sort3A_429 = tpu.sort %masked_sort3A_426, %select_n3A_422 masked %masked_sort3A_423 : (vector<16xi32>, vector<16xi32>, vector<16xi1>) -> (vector<16xi1>, vector<16xi32>, vector<16xi32>)
        %masked_sort3A_430 = arith.xori %masked_sort3A_428, %masked_sort3A_425 : vector<16xi32>
        %swap3A = arith.constant 0 : i32
        %swap3A_431 = tpu.memref_slice %arg12[%swap3A] : memref<192xi32, #tpu.memory_space<vmem>> -> memref<48xi32, #tpu.memory_space<vmem>>
        %swap3A_432 = arith.index_cast %scan3A_389 : i32 to index
        %swap3A_433 = tpu.vector_load %swap3A_431[%swap3A_432] {strides = array<i32>} : memref<48xi32, #tpu.memory_space<vmem>>, vector<16xi32>,
        tpu.vector_store %swap3A_431[%swap3A_432], %masked_sort3A_420 {strides = array<i32>} : memref<48xi32, #tpu.memory_space<vmem>>, vector<16xi32>,
        %swap3A_434 = arith.constant 0 : i32
        %swap3A_435 = tpu.memref_slice %arg11[%swap3A_434] : memref<192xi32, #tpu.memory_space<vmem>> -> memref<48xi32, #tpu.memory_space<vmem>>
        %swap3A_436 = arith.index_cast %scan3A_389 : i32 to index
        %swap3A_437 = tpu.vector_load %swap3A_435[%swap3A_436] {strides = array<i32>} : memref<48xi32, #tpu.memory_space<vmem>>, vector<16xi32>,
        tpu.vector_store %swap3A_435[%swap3A_436], %masked_sort3A_429 {strides = array<i32>} : memref<48xi32, #tpu.memory_space<vmem>>, vector<16xi32>,
        %all_reduce_population_count3A = tpu.all_reduce %and3A_407 {dim = 0 : i64, kind = #tpu.reduction_kind<sum>} : vector<16xi1> -> vector<16xi32>
        %slice3A = vector.extract_strided_slice %all_reduce_population_count3A {offsets = [0], sizes = [1], strides = [1]} : vector<16xi32> to vector<1xi32>
        %squeeze3A = vector.extract %slice3A[0] : i32 from vector<1xi32>
        %add3A_438 = arith.addi %scan3A_389, %squeeze3A : i32
        scf.yield %add3A_438 : i32
      }
      %scan3A_187 = arith.constant 7 : i32
      %lt3A_188 = arith.constant 245 : i32
      %lt3A_189 = arith.cmpi slt, %add3A_172, %lt3A_188 : i32
      %lt3A_190 = arith.constant 7813 : i32
      %lt3A_191 = arith.cmpi slt, %add3A_173, %lt3A_190 : i32
      %and3A_192 = arith.andi %lt3A_189, %lt3A_191 : i1
      %gt3A_193 = arith.constant 0 : i32
      %gt3A_194 = arith.cmpi sgt, %scan3A_186, %gt3A_193 : i32
      %and3A_195 = arith.andi %and3A_192, %gt3A_194 : i1
      %convert_element_type3A_196 = arith.extui %and3A_195 : i1 to i32
      %cond3A_197 = arith.constant 0 : i32
      %cond3A_198 = arith.cmpi ne, %convert_element_type3A_196, %cond3A_197 : i32
      scf.if %cond3A_198 {
        %mul3A_388 = arith.constant 128 : i32
        %mul3A_389 = arith.muli %add3A_173, %mul3A_388 : i32
        %multiple_of3A_390 = tpu.assume_multiple %mul3A_389, 128 : i32
        %dma_start3A = arith.constant 0 : i32
        %dma_start3A_391 = tpu.memref_slice %arg2[%dma_start3A, %multiple_of3A_390] : memref<64x1000000xf32, #tpu.memory_space<hbm>> -> memref<64x128xf32, #tpu.memory_space<hbm>>
        %dma_start3A_392 = arith.constant 0 : i32
        %dma_start3A_393 = tpu.memref_slice %arg2[%dma_start3A_392, %multiple_of3A_390] : memref<64x1000000xf32, #tpu.memory_space<hbm>> -> memref<64x128xf32, #tpu.memory_space<hbm>>
        tpu.enqueue_dma source(%dma_start3A_393 : memref<64x128xf32, #tpu.memory_space<hbm>>) target(%arg15 : memref<64x128xf32, #tpu.memory_space<vmem>>) target_semaphore(%arg19 : memref<!tpu.dma_semaphore, #tpu.memory_space<semaphore_mem>>)
      } else {
      }
      %add3A_199 = arith.constant 1 : i32
      %add3A_200 = arith.addi %add3A_138, %add3A_199 : i32
      %add3A_201 = arith.addi %mul3A_2, %add3A_200 : i32
      %lt3A_202 = arith.constant 245 : i32
      %lt3A_203 = arith.cmpi slt, %add3A_200, %lt3A_202 : i32
      %lt3A_204 = arith.constant 7813 : i32
      %lt3A_205 = arith.cmpi slt, %add3A_201, %lt3A_204 : i32
      %and3A_206 = arith.andi %lt3A_203, %lt3A_205 : i1
      %gt3A_207 = arith.constant 0 : i32
      %gt3A_208 = arith.cmpi sgt, %scan3A_132, %gt3A_207 : i32
      %and3A_209 = arith.andi %and3A_206, %gt3A_208 : i1
      %convert_element_type3A_210 = arith.extui %and3A_209 : i1 to i32
      %cond3A_211 = arith.constant 0 : i32
      %cond3A_212 = arith.cmpi ne, %convert_element_type3A_210, %cond3A_211 : i32
      scf.if %cond3A_212 {
        %dma_wait3A = arith.constant 0 : i32
        %dma_wait3A_388 = arith.constant 0 : i32
        %dma_wait3A_389 = tpu.memref_slice %arg2[%dma_wait3A, %dma_wait3A_388] : memref<64x1000000xf32, #tpu.memory_space<hbm>> -> memref<64x128xf32, #tpu.memory_space<hbm>>
        %dma_wait3A_390 = arith.constant 0 : i32
        %dma_wait3A_391 = arith.constant 0 : i32
        %dma_wait3A_392 = tpu.memref_slice %arg2[%dma_wait3A_390, %dma_wait3A_391] : memref<64x1000000xf32, #tpu.memory_space<hbm>> -> memref<64x128xf32, #tpu.memory_space<hbm>>
        tpu.wait_dma2 semaphore(%arg20 : memref<!tpu.dma_semaphore, #tpu.memory_space<semaphore_mem>>) src(%dma_wait3A_392 : memref<64x128xf32, #tpu.memory_space<hbm>>) dst(%arg16 : memref<64x128xf32, #tpu.memory_space<vmem>>)
      } else {
      }
      %sub3A_213 = arith.constant 0 : i32
      %sub3A_214 = arith.subi %scan3A_132, %sub3A_213 : i32
      %sub3A_215 = arith.constant 1 : i32
      %sub3A_216 = arith.constant 1 : i32
      %sub3A_217 = arith.subi %sub3A_215, %sub3A_216 : i32
      %add3A_218 = arith.addi %sub3A_214, %sub3A_217 : i32
      %div3A_219 = arith.constant 1 : i32
      %div3A_220 = arith.divsi %add3A_218, %div3A_219 : i32
      %while3A_221 = arith.constant 1 : i32
      %while3A_222 = arith.constant 0 : i32
      %while3A_223 = arith.constant 0 : i32
      %while3A_224 = arith.subi %div3A_220, %while3A_223 : i32
      %while3A_225 = arith.addi %while3A_223, %while3A_224 : i32
      %while3A_226 = arith.constant 1 : i32
      %while3A_227 = arith.divsi %while3A_224, %while3A_226 : i32
      %while3A_228 = arith.muli %while3A_227, %while3A_226 : i32
      %while3A_229 = arith.addi %while3A_223, %while3A_228 : i32
      %while3A_230 = arith.constant 1 : i32
      %while3A_231 = scf.for %while3A_388 = %while3A_223 to %while3A_229 step %while3A_230 iter_args(%while3A_389 = %while3A_170) -> (i32)  : i32 {
        %mul3A_390 = arith.muli %while3A_388, %while3A_221 : i32
        %add3A_391 = arith.addi %while3A_222, %mul3A_390 : i32
        %add3A_392 = arith.constant 48 : i32
        %add3A_393 = arith.addi %add3A_392, %add3A_391 : i32
        %get3A = arith.index_cast %add3A_393 : i32 to index
        %get3A_394 = tpu.vector_load %arg12[%get3A] {strides = array<i32>} : memref<192xi32, #tpu.memory_space<vmem>>, vector<16xi32>,
        %add3A_395 = arith.constant 48 : i32
        %add3A_396 = arith.addi %add3A_395, %add3A_391 : i32
        %get3A_397 = arith.index_cast %add3A_396 : i32 to index
        %get3A_398 = tpu.vector_load %arg11[%get3A_397] {strides = array<i32>} : memref<192xi32, #tpu.memory_space<vmem>>, vector<16xi32>,
        %slice3A = vector.extract_strided_slice %get3A_394 {offsets = [0], sizes = [1], strides = [1]} : vector<16xi32> to vector<1xi32>
        %squeeze3A = vector.extract %slice3A[0] : i32 from vector<1xi32>
        %slice3A_399 = vector.extract_strided_slice %get3A_398 {offsets = [0], sizes = [1], strides = [1]} : vector<16xi32> to vector<1xi32>
        %squeeze3A_400 = vector.extract %slice3A_399[0] : i32 from vector<1xi32>
        %mul3A_401 = arith.constant 128 : i32
        %mul3A_402 = arith.muli %add3A_201, %mul3A_401 : i32
        %sub3A_403 = arith.subi %squeeze3A, %mul3A_402 : i32
        %broadcast_in_dim3A_404 = vector.broadcast %sub3A_403 : i32 to vector<16xi32>
        %add3A_405 = arith.constant 0 : i32
        %add3A_406 = vector.broadcast %add3A_405 : i32 to vector<16xi32>
        %add3A_407 = arith.addi %iota3A, %add3A_406 : vector<16xi32>
        %gather3A = tpu.vector_load_idx %arg16[%add3A_407, %broadcast_in_dim3A_404] : memref<64x128xf32, #tpu.memory_space<vmem>>[vector<16xi32>, vector<16xi32>], vector<16xf32>,
        %mul3A_408 = arith.constant 64 : i32
        %mul3A_409 = arith.muli %while3A_389, %mul3A_408 : i32
        %add3A_410 = arith.constant 0 : i32
        %add3A_411 = arith.addi %mul3A_409, %add3A_410 : i32
        %swap3A = arith.index_cast %add3A_411 : i32 to index
        %swap3A_412 = tpu.vector_load %arg13[%swap3A] {strides = array<i32>} : memref<49152xf32, #tpu.memory_space<vmem>>, vector<16xf32>,
        tpu.vector_store %arg13[%swap3A], %gather3A {strides = array<i32>} : memref<49152xf32, #tpu.memory_space<vmem>>, vector<16xf32>,
        %add3A_413 = arith.constant 16 : i32
        %add3A_414 = vector.broadcast %add3A_413 : i32 to vector<16xi32>
        %add3A_415 = arith.addi %iota3A, %add3A_414 : vector<16xi32>
        %gather3A_416 = tpu.vector_load_idx %arg16[%add3A_415, %broadcast_in_dim3A_404] : memref<64x128xf32, #tpu.memory_space<vmem>>[vector<16xi32>, vector<16xi32>], vector<16xf32>,
        %mul3A_417 = arith.constant 64 : i32
        %mul3A_418 = arith.muli %while3A_389, %mul3A_417 : i32
        %add3A_419 = arith.constant 16 : i32
        %add3A_420 = arith.addi %mul3A_418, %add3A_419 : i32
        %swap3A_421 = arith.index_cast %add3A_420 : i32 to index
        %swap3A_422 = tpu.vector_load %arg13[%swap3A_421] {strides = array<i32>} : memref<49152xf32, #tpu.memory_space<vmem>>, vector<16xf32>,
        tpu.vector_store %arg13[%swap3A_421], %gather3A_416 {strides = array<i32>} : memref<49152xf32, #tpu.memory_space<vmem>>, vector<16xf32>,
        %add3A_423 = arith.constant 32 : i32
        %add3A_424 = vector.broadcast %add3A_423 : i32 to vector<16xi32>
        %add3A_425 = arith.addi %iota3A, %add3A_424 : vector<16xi32>
        %gather3A_426 = tpu.vector_load_idx %arg16[%add3A_425, %broadcast_in_dim3A_404] : memref<64x128xf32, #tpu.memory_space<vmem>>[vector<16xi32>, vector<16xi32>], vector<16xf32>,
        %mul3A_427 = arith.constant 64 : i32
        %mul3A_428 = arith.muli %while3A_389, %mul3A_427 : i32
        %add3A_429 = arith.constant 32 : i32
        %add3A_430 = arith.addi %mul3A_428, %add3A_429 : i32
        %swap3A_431 = arith.index_cast %add3A_430 : i32 to index
        %swap3A_432 = tpu.vector_load %arg13[%swap3A_431] {strides = array<i32>} : memref<49152xf32, #tpu.memory_space<vmem>>, vector<16xf32>,
        tpu.vector_store %arg13[%swap3A_431], %gather3A_426 {strides = array<i32>} : memref<49152xf32, #tpu.memory_space<vmem>>, vector<16xf32>,
        %add3A_433 = arith.constant 48 : i32
        %add3A_434 = vector.broadcast %add3A_433 : i32 to vector<16xi32>
        %add3A_435 = arith.addi %iota3A, %add3A_434 : vector<16xi32>
        %gather3A_436 = tpu.vector_load_idx %arg16[%add3A_435, %broadcast_in_dim3A_404] : memref<64x128xf32, #tpu.memory_space<vmem>>[vector<16xi32>, vector<16xi32>], vector<16xf32>,
        %mul3A_437 = arith.constant 64 : i32
        %mul3A_438 = arith.muli %while3A_389, %mul3A_437 : i32
        %add3A_439 = arith.constant 48 : i32
        %add3A_440 = arith.addi %mul3A_438, %add3A_439 : i32
        %swap3A_441 = arith.index_cast %add3A_440 : i32 to index
        %swap3A_442 = tpu.vector_load %arg13[%swap3A_441] {strides = array<i32>} : memref<49152xf32, #tpu.memory_space<vmem>>, vector<16xf32>,
        tpu.vector_store %arg13[%swap3A_441], %gather3A_436 {strides = array<i32>} : memref<49152xf32, #tpu.memory_space<vmem>>, vector<16xf32>,
        %broadcast_in_dim3A_443 = vector.broadcast %while3A_389 : i32 to vector<16xi32>
        %broadcast_in_dim3A_444 = vector.broadcast %squeeze3A_400 : i32 to vector<16xi32>
        tpu.vector_store_idx %arg14[%broadcast_in_dim3A_443], %broadcast_in_dim3A_444 masked %eq3A_4 : memref<768xi32, #tpu.memory_space<vmem>>[vector<16xi32>], vector<16xi32>, vector<16xi1>
        %add3A_445 = arith.constant 1 : i32
        %add3A_446 = arith.addi %while3A_389, %add3A_445 : i32
        scf.yield %add3A_446 : i32
      }
      %while3A_232 = arith.constant 1 : i32
      %while3A_233 = scf.for %while3A_388 = %while3A_229 to %while3A_225 step %while3A_232 iter_args(%while3A_389 = %while3A_231) -> (i32)  : i32 {
        %mul3A_390 = arith.muli %while3A_388, %while3A_221 : i32
        %add3A_391 = arith.addi %while3A_222, %mul3A_390 : i32
        %add3A_392 = arith.constant 48 : i32
        %add3A_393 = arith.addi %add3A_392, %add3A_391 : i32
        %get3A = arith.index_cast %add3A_393 : i32 to index
        %get3A_394 = tpu.vector_load %arg12[%get3A] {strides = array<i32>} : memref<192xi32, #tpu.memory_space<vmem>>, vector<16xi32>,
        %add3A_395 = arith.constant 48 : i32
        %add3A_396 = arith.addi %add3A_395, %add3A_391 : i32
        %get3A_397 = arith.index_cast %add3A_396 : i32 to index
        %get3A_398 = tpu.vector_load %arg11[%get3A_397] {strides = array<i32>} : memref<192xi32, #tpu.memory_space<vmem>>, vector<16xi32>,
        %slice3A = vector.extract_strided_slice %get3A_394 {offsets = [0], sizes = [1], strides = [1]} : vector<16xi32> to vector<1xi32>
        %squeeze3A = vector.extract %slice3A[0] : i32 from vector<1xi32>
        %slice3A_399 = vector.extract_strided_slice %get3A_398 {offsets = [0], sizes = [1], strides = [1]} : vector<16xi32> to vector<1xi32>
        %squeeze3A_400 = vector.extract %slice3A_399[0] : i32 from vector<1xi32>
        %mul3A_401 = arith.constant 128 : i32
        %mul3A_402 = arith.muli %add3A_201, %mul3A_401 : i32
        %sub3A_403 = arith.subi %squeeze3A, %mul3A_402 : i32
        %broadcast_in_dim3A_404 = vector.broadcast %sub3A_403 : i32 to vector<16xi32>
        %add3A_405 = arith.constant 0 : i32
        %add3A_406 = vector.broadcast %add3A_405 : i32 to vector<16xi32>
        %add3A_407 = arith.addi %iota3A, %add3A_406 : vector<16xi32>
        %gather3A = tpu.vector_load_idx %arg16[%add3A_407, %broadcast_in_dim3A_404] : memref<64x128xf32, #tpu.memory_space<vmem>>[vector<16xi32>, vector<16xi32>], vector<16xf32>,
        %mul3A_408 = arith.constant 64 : i32
        %mul3A_409 = arith.muli %while3A_389, %mul3A_408 : i32
        %add3A_410 = arith.constant 0 : i32
        %add3A_411 = arith.addi %mul3A_409, %add3A_410 : i32
        %swap3A = arith.index_cast %add3A_411 : i32 to index
        %swap3A_412 = tpu.vector_load %arg13[%swap3A] {strides = array<i32>} : memref<49152xf32, #tpu.memory_space<vmem>>, vector<16xf32>,
        tpu.vector_store %arg13[%swap3A], %gather3A {strides = array<i32>} : memref<49152xf32, #tpu.memory_space<vmem>>, vector<16xf32>,
        %add3A_413 = arith.constant 16 : i32
        %add3A_414 = vector.broadcast %add3A_413 : i32 to vector<16xi32>
        %add3A_415 = arith.addi %iota3A, %add3A_414 : vector<16xi32>
        %gather3A_416 = tpu.vector_load_idx %arg16[%add3A_415, %broadcast_in_dim3A_404] : memref<64x128xf32, #tpu.memory_space<vmem>>[vector<16xi32>, vector<16xi32>], vector<16xf32>,
        %mul3A_417 = arith.constant 64 : i32
        %mul3A_418 = arith.muli %while3A_389, %mul3A_417 : i32
        %add3A_419 = arith.constant 16 : i32
        %add3A_420 = arith.addi %mul3A_418, %add3A_419 : i32
        %swap3A_421 = arith.index_cast %add3A_420 : i32 to index
        %swap3A_422 = tpu.vector_load %arg13[%swap3A_421] {strides = array<i32>} : memref<49152xf32, #tpu.memory_space<vmem>>, vector<16xf32>,
        tpu.vector_store %arg13[%swap3A_421], %gather3A_416 {strides = array<i32>} : memref<49152xf32, #tpu.memory_space<vmem>>, vector<16xf32>,
        %add3A_423 = arith.constant 32 : i32
        %add3A_424 = vector.broadcast %add3A_423 : i32 to vector<16xi32>
        %add3A_425 = arith.addi %iota3A, %add3A_424 : vector<16xi32>
        %gather3A_426 = tpu.vector_load_idx %arg16[%add3A_425, %broadcast_in_dim3A_404] : memref<64x128xf32, #tpu.memory_space<vmem>>[vector<16xi32>, vector<16xi32>], vector<16xf32>,
        %mul3A_427 = arith.constant 64 : i32
        %mul3A_428 = arith.muli %while3A_389, %mul3A_427 : i32
        %add3A_429 = arith.constant 32 : i32
        %add3A_430 = arith.addi %mul3A_428, %add3A_429 : i32
        %swap3A_431 = arith.index_cast %add3A_430 : i32 to index
        %swap3A_432 = tpu.vector_load %arg13[%swap3A_431] {strides = array<i32>} : memref<49152xf32, #tpu.memory_space<vmem>>, vector<16xf32>,
        tpu.vector_store %arg13[%swap3A_431], %gather3A_426 {strides = array<i32>} : memref<49152xf32, #tpu.memory_space<vmem>>, vector<16xf32>,
        %add3A_433 = arith.constant 48 : i32
        %add3A_434 = vector.broadcast %add3A_433 : i32 to vector<16xi32>
        %add3A_435 = arith.addi %iota3A, %add3A_434 : vector<16xi32>
        %gather3A_436 = tpu.vector_load_idx %arg16[%add3A_435, %broadcast_in_dim3A_404] : memref<64x128xf32, #tpu.memory_space<vmem>>[vector<16xi32>, vector<16xi32>], vector<16xf32>,
        %mul3A_437 = arith.constant 64 : i32
        %mul3A_438 = arith.muli %while3A_389, %mul3A_437 : i32
        %add3A_439 = arith.constant 48 : i32
        %add3A_440 = arith.addi %mul3A_438, %add3A_439 : i32
        %swap3A_441 = arith.index_cast %add3A_440 : i32 to index
        %swap3A_442 = tpu.vector_load %arg13[%swap3A_441] {strides = array<i32>} : memref<49152xf32, #tpu.memory_space<vmem>>, vector<16xf32>,
        tpu.vector_store %arg13[%swap3A_441], %gather3A_436 {strides = array<i32>} : memref<49152xf32, #tpu.memory_space<vmem>>, vector<16xf32>,
        %broadcast_in_dim3A_443 = vector.broadcast %while3A_389 : i32 to vector<16xi32>
        %broadcast_in_dim3A_444 = vector.broadcast %squeeze3A_400 : i32 to vector<16xi32>
        tpu.vector_store_idx %arg14[%broadcast_in_dim3A_443], %broadcast_in_dim3A_444 masked %eq3A_4 : memref<768xi32, #tpu.memory_space<vmem>>[vector<16xi32>], vector<16xi32>, vector<16xi1>
        %add3A_445 = arith.constant 1 : i32
        %add3A_446 = arith.addi %while3A_389, %add3A_445 : i32
        scf.yield %add3A_446 : i32
      }
      %add3A_234 = arith.constant 4 : i32
      %add3A_235 = arith.addi %add3A_200, %add3A_234 : i32
      %add3A_236 = arith.addi %mul3A_2, %add3A_235 : i32
      %and3A_237 = arith.constant 15 : i32
      %and3A_238 = arith.andi %add3A_235, %and3A_237 : i32
      %eq3A_239 = arith.constant 0 : i32
      %eq3A_240 = arith.cmpi eq, %and3A_238, %eq3A_239 : i32
      %convert_element_type3A_241 = arith.extui %eq3A_240 : i1 to i32
      %cond3A_242 = arith.constant 0 : i32
      %cond3A_243 = arith.cmpi ne, %convert_element_type3A_241, %cond3A_242 : i32
      scf.if %cond3A_243 {
        %and3A_388 = arith.constant -16 : i32
        %and3A_389 = arith.andi %add3A_235, %and3A_388 : i32
        %add3A_390 = arith.addi %mul3A_2, %and3A_389 : i32
        %scan3A_391 = arith.constant 0 : i32
        %scan3A_392 = arith.constant 7 : i32
        %scan3A_393 = arith.addi %scan3A_391, %scan3A_392 : i32
        %scan3A_394 = arith.constant 1 : i32
        scf.for %scan3A_403 = %scan3A_391 to %scan3A_393 step %scan3A_394  : i32 {
          %mul3A_404 = arith.constant 1 : i32
          %mul3A_405 = arith.muli %scan3A_403, %mul3A_404 : i32
          %add3A_406 = arith.constant 0 : i32
          %add3A_407 = arith.addi %add3A_406, %mul3A_405 : i32
          %mul3A_408 = arith.constant 16 : i32
          %mul3A_409 = arith.muli %add3A_407, %mul3A_408 : i32
          %swap3A = arith.index_cast %mul3A_409 : i32 to index
          %swap3A_410 = tpu.vector_load %arg10[%swap3A] {strides = array<i32>} : memref<112xi32, #tpu.memory_space<vmem>>, vector<16xi32>,
          tpu.vector_store %arg10[%swap3A], %broadcast_in_dim3A_5 {strides = array<i32>} : memref<112xi32, #tpu.memory_space<vmem>>, vector<16xi32>,
        }
        %scan3A_395 = arith.constant 7 : i32
        %scan3A_396 = arith.constant 0 : i32
        %scan3A_397 = arith.constant 0 : i32
        %scan3A_398 = arith.constant 49 : i32
        %scan3A_399 = arith.addi %scan3A_397, %scan3A_398 : i32
        %scan3A_400 = arith.constant 1 : i32
        %scan3A_401 = scf.for %scan3A_403 = %scan3A_397 to %scan3A_399 step %scan3A_400 iter_args(%scan3A_404 = %scan3A_396) -> (i32)  : i32 {
          %mul3A_405 = arith.constant 1 : i32
          %mul3A_406 = arith.muli %scan3A_403, %mul3A_405 : i32
          %add3A_407 = arith.constant 0 : i32
          %add3A_408 = arith.addi %add3A_407, %mul3A_406 : i32
          %mul3A_409 = arith.constant 16 : i32
          %mul3A_410 = arith.muli %add3A_408, %mul3A_409 : i32
          %get3A = arith.index_cast %mul3A_410 : i32 to index
          %get3A_411 = tpu.vector_load %arg8[%get3A] {strides = array<i32>} : memref<784xi32, #tpu.memory_space<vmem>>, vector<16xi32>,
          %mul3A_412 = arith.constant 16 : i32
          %mul3A_413 = arith.muli %add3A_408, %mul3A_412 : i32
          %get3A_414 = arith.index_cast %mul3A_413 : i32 to index
          %get3A_415 = tpu.vector_load %arg7[%get3A_414] {strides = array<i32>} : memref<784xi32, #tpu.memory_space<vmem>>, vector<16xi32>,
          %shift_right_logical3A = arith.constant 7 : i32
          %shift_right_logical3A_416 = vector.broadcast %shift_right_logical3A : i32 to vector<16xi32>
          %shift_right_logical3A_417 = arith.shrui %get3A_411, %shift_right_logical3A_416 : vector<16xi32>
          %ge3A = arith.constant 0 : i32
          %ge3A_418 = vector.broadcast %ge3A : i32 to vector<16xi32>
          %ge3A_419 = arith.cmpi sge, %get3A_411, %ge3A_418 : vector<16xi32>
          %ge3A_420 = vector.broadcast %add3A_390 : i32 to vector<16xi32>
          %ge3A_421 = arith.cmpi sge, %shift_right_logical3A_417, %ge3A_420 : vector<16xi32>
          %and3A_422 = arith.andi %ge3A_419, %ge3A_421 : vector<16xi1>
          %add3A_423 = arith.constant 16 : i32
          %add3A_424 = arith.addi %add3A_390, %add3A_423 : i32
          %lt3A_425 = vector.broadcast %add3A_424 : i32 to vector<16xi32>
          %lt3A_426 = arith.cmpi slt, %shift_right_logical3A_417, %lt3A_425 : vector<16xi32>
          %and3A_427 = arith.andi %and3A_422, %lt3A_426 : vector<16xi1>
          %iota3A_428 = tpu.iota {dimensions = array<i32: 0>} : vector<16xi32>
          %broadcast_in_dim3A_429 = arith.constant -1 : i32
          %broadcast_in_dim3A_430 = vector.broadcast %broadcast_in_dim3A_429 : i32 to vector<16xi32>
          %add3A_431 = arith.constant 16 : i32
          %add3A_432 = vector.broadcast %add3A_431 : i32 to vector<16xi32>
          %add3A_433 = arith.addi %iota3A_428, %add3A_432 : vector<16xi32>
          %select_n3A = arith.select %and3A_427, %iota3A_428, %add3A_433 : vector<16xi1>, vector<16xi32>
          %select_n3A_434 = arith.select %and3A_427, %get3A_411, %broadcast_in_dim3A_430 : vector<16xi1>, vector<16xi32>
          %masked_sort3A = arith.constant dense<true> : vector<16xi1>
          %masked_sort3A_435 = arith.constant -2147483648 : i32
          %masked_sort3A_436 = vector.broadcast %masked_sort3A_435 : i32 to vector<16xi32>
          %masked_sort3A_437 = arith.xori %select_n3A, %masked_sort3A_436 : vector<16xi32>
          %masked_sort3A_438, %masked_sort3A_439, %masked_sort3A_440 = tpu.sort %masked_sort3A_437, %select_n3A_434 masked %masked_sort3A : (vector<16xi32>, vector<16xi32>, vector<16xi1>) -> (vector<16xi1>, vector<16xi32>, vector<16xi32>)
          %masked_sort3A_441 = arith.xori %masked_sort3A_439, %masked_sort3A_436 : vector<16xi32>
          %select_n3A_442 = arith.select %and3A_427, %get3A_415, %broadcast_in_dim3A_430 : vector<16xi1>, vector<16xi32>
          %masked_sort3A_443 = arith.constant dense<true> : vector<16xi1>
          %masked_sort3A_444 = arith.constant -2147483648 : i32
          %masked_sort3A_445 = vector.broadcast %masked_sort3A_444 : i32 to vector<16xi32>
          %masked_sort3A_446 = arith.xori %select_n3A, %masked_sort3A_445 : vector<16xi32>
          %masked_sort3A_447, %masked_sort3A_448, %masked_sort3A_449 = tpu.sort %masked_sort3A_446, %select_n3A_442 masked %masked_sort3A_443 : (vector<16xi32>, vector<16xi32>, vector<16xi1>) -> (vector<16xi1>, vector<16xi32>, vector<16xi32>)
          %masked_sort3A_450 = arith.xori %masked_sort3A_448, %masked_sort3A_445 : vector<16xi32>
          %swap3A = arith.index_cast %scan3A_404 : i32 to index
          %swap3A_451 = tpu.vector_load %arg10[%swap3A] {strides = array<i32>} : memref<112xi32, #tpu.memory_space<vmem>>, vector<16xi32>,
          tpu.vector_store %arg10[%swap3A], %masked_sort3A_440 {strides = array<i32>} : memref<112xi32, #tpu.memory_space<vmem>>, vector<16xi32>,
          %swap3A_452 = arith.index_cast %scan3A_404 : i32 to index
          %swap3A_453 = tpu.vector_load %arg9[%swap3A_452] {strides = array<i32>} : memref<112xi32, #tpu.memory_space<vmem>>, vector<16xi32>,
          tpu.vector_store %arg9[%swap3A_452], %masked_sort3A_449 {strides = array<i32>} : memref<112xi32, #tpu.memory_space<vmem>>, vector<16xi32>,
          %all_reduce_population_count3A = tpu.all_reduce %and3A_427 {dim = 0 : i64, kind = #tpu.reduction_kind<sum>} : vector<16xi1> -> vector<16xi32>
          %slice3A = vector.extract_strided_slice %all_reduce_population_count3A {offsets = [0], sizes = [1], strides = [1]} : vector<16xi32> to vector<1xi32>
          %squeeze3A = vector.extract %slice3A[0] : i32 from vector<1xi32>
          %add3A_454 = arith.addi %scan3A_404, %squeeze3A : i32
          scf.yield %add3A_454 : i32
        }
        %scan3A_402 = arith.constant 49 : i32
      } else {
      }
      %scan3A_244 = arith.constant 0 : i32
      %scan3A_245 = arith.constant 0 : i32
      %scan3A_246 = arith.constant 7 : i32
      %scan3A_247 = arith.addi %scan3A_245, %scan3A_246 : i32
      %scan3A_248 = arith.constant 1 : i32
      %scan3A_249 = scf.for %scan3A_388 = %scan3A_245 to %scan3A_247 step %scan3A_248 iter_args(%scan3A_389 = %scan3A_244) -> (i32)  : i32 {
        %mul3A_390 = arith.constant 1 : i32
        %mul3A_391 = arith.muli %scan3A_388, %mul3A_390 : i32
        %add3A_392 = arith.constant 0 : i32
        %add3A_393 = arith.addi %add3A_392, %mul3A_391 : i32
        %mul3A_394 = arith.constant 16 : i32
        %mul3A_395 = arith.muli %add3A_393, %mul3A_394 : i32
        %get3A = arith.index_cast %mul3A_395 : i32 to index
        %get3A_396 = tpu.vector_load %arg10[%get3A] {strides = array<i32>} : memref<112xi32, #tpu.memory_space<vmem>>, vector<16xi32>,
        %mul3A_397 = arith.constant 16 : i32
        %mul3A_398 = arith.muli %add3A_393, %mul3A_397 : i32
        %get3A_399 = arith.index_cast %mul3A_398 : i32 to index
        %get3A_400 = tpu.vector_load %arg9[%get3A_399] {strides = array<i32>} : memref<112xi32, #tpu.memory_space<vmem>>, vector<16xi32>,
        %shift_right_logical3A = arith.constant 7 : i32
        %shift_right_logical3A_401 = vector.broadcast %shift_right_logical3A : i32 to vector<16xi32>
        %shift_right_logical3A_402 = arith.shrui %get3A_396, %shift_right_logical3A_401 : vector<16xi32>
        %ge3A = arith.constant 0 : i32
        %ge3A_403 = vector.broadcast %ge3A : i32 to vector<16xi32>
        %ge3A_404 = arith.cmpi sge, %get3A_396, %ge3A_403 : vector<16xi32>
        %eq3A_405 = vector.broadcast %add3A_236 : i32 to vector<16xi32>
        %eq3A_406 = arith.cmpi eq, %shift_right_logical3A_402, %eq3A_405 : vector<16xi32>
        %and3A_407 = arith.andi %ge3A_404, %eq3A_406 : vector<16xi1>
        %iota3A_408 = tpu.iota {dimensions = array<i32: 0>} : vector<16xi32>
        %broadcast_in_dim3A_409 = arith.constant -1 : i32
        %broadcast_in_dim3A_410 = vector.broadcast %broadcast_in_dim3A_409 : i32 to vector<16xi32>
        %add3A_411 = arith.constant 16 : i32
        %add3A_412 = vector.broadcast %add3A_411 : i32 to vector<16xi32>
        %add3A_413 = arith.addi %iota3A_408, %add3A_412 : vector<16xi32>
        %select_n3A = arith.select %and3A_407, %iota3A_408, %add3A_413 : vector<16xi1>, vector<16xi32>
        %select_n3A_414 = arith.select %and3A_407, %get3A_396, %broadcast_in_dim3A_410 : vector<16xi1>, vector<16xi32>
        %masked_sort3A = arith.constant dense<true> : vector<16xi1>
        %masked_sort3A_415 = arith.constant -2147483648 : i32
        %masked_sort3A_416 = vector.broadcast %masked_sort3A_415 : i32 to vector<16xi32>
        %masked_sort3A_417 = arith.xori %select_n3A, %masked_sort3A_416 : vector<16xi32>
        %masked_sort3A_418, %masked_sort3A_419, %masked_sort3A_420 = tpu.sort %masked_sort3A_417, %select_n3A_414 masked %masked_sort3A : (vector<16xi32>, vector<16xi32>, vector<16xi1>) -> (vector<16xi1>, vector<16xi32>, vector<16xi32>)
        %masked_sort3A_421 = arith.xori %masked_sort3A_419, %masked_sort3A_416 : vector<16xi32>
        %select_n3A_422 = arith.select %and3A_407, %get3A_400, %broadcast_in_dim3A_410 : vector<16xi1>, vector<16xi32>
        %masked_sort3A_423 = arith.constant dense<true> : vector<16xi1>
        %masked_sort3A_424 = arith.constant -2147483648 : i32
        %masked_sort3A_425 = vector.broadcast %masked_sort3A_424 : i32 to vector<16xi32>
        %masked_sort3A_426 = arith.xori %select_n3A, %masked_sort3A_425 : vector<16xi32>
        %masked_sort3A_427, %masked_sort3A_428, %masked_sort3A_429 = tpu.sort %masked_sort3A_426, %select_n3A_422 masked %masked_sort3A_423 : (vector<16xi32>, vector<16xi32>, vector<16xi1>) -> (vector<16xi1>, vector<16xi32>, vector<16xi32>)
        %masked_sort3A_430 = arith.xori %masked_sort3A_428, %masked_sort3A_425 : vector<16xi32>
        %swap3A = arith.constant 48 : i32
        %swap3A_431 = tpu.memref_slice %arg12[%swap3A] : memref<192xi32, #tpu.memory_space<vmem>> -> memref<48xi32, #tpu.memory_space<vmem>>
        %swap3A_432 = arith.index_cast %scan3A_389 : i32 to index
        %swap3A_433 = tpu.vector_load %swap3A_431[%swap3A_432] {strides = array<i32>} : memref<48xi32, #tpu.memory_space<vmem>>, vector<16xi32>,
        tpu.vector_store %swap3A_431[%swap3A_432], %masked_sort3A_420 {strides = array<i32>} : memref<48xi32, #tpu.memory_space<vmem>>, vector<16xi32>,
        %swap3A_434 = arith.constant 48 : i32
        %swap3A_435 = tpu.memref_slice %arg11[%swap3A_434] : memref<192xi32, #tpu.memory_space<vmem>> -> memref<48xi32, #tpu.memory_space<vmem>>
        %swap3A_436 = arith.index_cast %scan3A_389 : i32 to index
        %swap3A_437 = tpu.vector_load %swap3A_435[%swap3A_436] {strides = array<i32>} : memref<48xi32, #tpu.memory_space<vmem>>, vector<16xi32>,
        tpu.vector_store %swap3A_435[%swap3A_436], %masked_sort3A_429 {strides = array<i32>} : memref<48xi32, #tpu.memory_space<vmem>>, vector<16xi32>,
        %all_reduce_population_count3A = tpu.all_reduce %and3A_407 {dim = 0 : i64, kind = #tpu.reduction_kind<sum>} : vector<16xi1> -> vector<16xi32>
        %slice3A = vector.extract_strided_slice %all_reduce_population_count3A {offsets = [0], sizes = [1], strides = [1]} : vector<16xi32> to vector<1xi32>
        %squeeze3A = vector.extract %slice3A[0] : i32 from vector<1xi32>
        %add3A_438 = arith.addi %scan3A_389, %squeeze3A : i32
        scf.yield %add3A_438 : i32
      }
      %scan3A_250 = arith.constant 7 : i32
      %lt3A_251 = arith.constant 245 : i32
      %lt3A_252 = arith.cmpi slt, %add3A_235, %lt3A_251 : i32
      %lt3A_253 = arith.constant 7813 : i32
      %lt3A_254 = arith.cmpi slt, %add3A_236, %lt3A_253 : i32
      %and3A_255 = arith.andi %lt3A_252, %lt3A_254 : i1
      %gt3A_256 = arith.constant 0 : i32
      %gt3A_257 = arith.cmpi sgt, %scan3A_249, %gt3A_256 : i32
      %and3A_258 = arith.andi %and3A_255, %gt3A_257 : i1
      %convert_element_type3A_259 = arith.extui %and3A_258 : i1 to i32
      %cond3A_260 = arith.constant 0 : i32
      %cond3A_261 = arith.cmpi ne, %convert_element_type3A_259, %cond3A_260 : i32
      scf.if %cond3A_261 {
        %mul3A_388 = arith.constant 128 : i32
        %mul3A_389 = arith.muli %add3A_236, %mul3A_388 : i32
        %multiple_of3A_390 = tpu.assume_multiple %mul3A_389, 128 : i32
        %dma_start3A = arith.constant 0 : i32
        %dma_start3A_391 = tpu.memref_slice %arg2[%dma_start3A, %multiple_of3A_390] : memref<64x1000000xf32, #tpu.memory_space<hbm>> -> memref<64x128xf32, #tpu.memory_space<hbm>>
        %dma_start3A_392 = arith.constant 0 : i32
        %dma_start3A_393 = tpu.memref_slice %arg2[%dma_start3A_392, %multiple_of3A_390] : memref<64x1000000xf32, #tpu.memory_space<hbm>> -> memref<64x128xf32, #tpu.memory_space<hbm>>
        tpu.enqueue_dma source(%dma_start3A_393 : memref<64x128xf32, #tpu.memory_space<hbm>>) target(%arg16 : memref<64x128xf32, #tpu.memory_space<vmem>>) target_semaphore(%arg20 : memref<!tpu.dma_semaphore, #tpu.memory_space<semaphore_mem>>)
      } else {
      }
      %add3A_262 = arith.constant 2 : i32
      %add3A_263 = arith.addi %add3A_138, %add3A_262 : i32
      %add3A_264 = arith.addi %mul3A_2, %add3A_263 : i32
      %lt3A_265 = arith.constant 245 : i32
      %lt3A_266 = arith.cmpi slt, %add3A_263, %lt3A_265 : i32
      %lt3A_267 = arith.constant 7813 : i32
      %lt3A_268 = arith.cmpi slt, %add3A_264, %lt3A_267 : i32
      %and3A_269 = arith.andi %lt3A_266, %lt3A_268 : i1
      %gt3A_270 = arith.constant 0 : i32
      %gt3A_271 = arith.cmpi sgt, %scan3A_133, %gt3A_270 : i32
      %and3A_272 = arith.andi %and3A_269, %gt3A_271 : i1
      %convert_element_type3A_273 = arith.extui %and3A_272 : i1 to i32
      %cond3A_274 = arith.constant 0 : i32
      %cond3A_275 = arith.cmpi ne, %convert_element_type3A_273, %cond3A_274 : i32
      scf.if %cond3A_275 {
        %dma_wait3A = arith.constant 0 : i32
        %dma_wait3A_388 = arith.constant 0 : i32
        %dma_wait3A_389 = tpu.memref_slice %arg2[%dma_wait3A, %dma_wait3A_388] : memref<64x1000000xf32, #tpu.memory_space<hbm>> -> memref<64x128xf32, #tpu.memory_space<hbm>>
        %dma_wait3A_390 = arith.constant 0 : i32
        %dma_wait3A_391 = arith.constant 0 : i32
        %dma_wait3A_392 = tpu.memref_slice %arg2[%dma_wait3A_390, %dma_wait3A_391] : memref<64x1000000xf32, #tpu.memory_space<hbm>> -> memref<64x128xf32, #tpu.memory_space<hbm>>
        tpu.wait_dma2 semaphore(%arg21 : memref<!tpu.dma_semaphore, #tpu.memory_space<semaphore_mem>>) src(%dma_wait3A_392 : memref<64x128xf32, #tpu.memory_space<hbm>>) dst(%arg17 : memref<64x128xf32, #tpu.memory_space<vmem>>)
      } else {
      }
      %sub3A_276 = arith.constant 0 : i32
      %sub3A_277 = arith.subi %scan3A_133, %sub3A_276 : i32
      %sub3A_278 = arith.constant 1 : i32
      %sub3A_279 = arith.constant 1 : i32
      %sub3A_280 = arith.subi %sub3A_278, %sub3A_279 : i32
      %add3A_281 = arith.addi %sub3A_277, %sub3A_280 : i32
      %div3A_282 = arith.constant 1 : i32
      %div3A_283 = arith.divsi %add3A_281, %div3A_282 : i32
      %while3A_284 = arith.constant 1 : i32
      %while3A_285 = arith.constant 0 : i32
      %while3A_286 = arith.constant 0 : i32
      %while3A_287 = arith.subi %div3A_283, %while3A_286 : i32
      %while3A_288 = arith.addi %while3A_286, %while3A_287 : i32
      %while3A_289 = arith.constant 1 : i32
      %while3A_290 = arith.divsi %while3A_287, %while3A_289 : i32
      %while3A_291 = arith.muli %while3A_290, %while3A_289 : i32
      %while3A_292 = arith.addi %while3A_286, %while3A_291 : i32
      %while3A_293 = arith.constant 1 : i32
      %while3A_294 = scf.for %while3A_388 = %while3A_286 to %while3A_292 step %while3A_293 iter_args(%while3A_389 = %while3A_233) -> (i32)  : i32 {
        %mul3A_390 = arith.muli %while3A_388, %while3A_284 : i32
        %add3A_391 = arith.addi %while3A_285, %mul3A_390 : i32
        %add3A_392 = arith.constant 96 : i32
        %add3A_393 = arith.addi %add3A_392, %add3A_391 : i32
        %get3A = arith.index_cast %add3A_393 : i32 to index
        %get3A_394 = tpu.vector_load %arg12[%get3A] {strides = array<i32>} : memref<192xi32, #tpu.memory_space<vmem>>, vector<16xi32>,
        %add3A_395 = arith.constant 96 : i32
        %add3A_396 = arith.addi %add3A_395, %add3A_391 : i32
        %get3A_397 = arith.index_cast %add3A_396 : i32 to index
        %get3A_398 = tpu.vector_load %arg11[%get3A_397] {strides = array<i32>} : memref<192xi32, #tpu.memory_space<vmem>>, vector<16xi32>,
        %slice3A = vector.extract_strided_slice %get3A_394 {offsets = [0], sizes = [1], strides = [1]} : vector<16xi32> to vector<1xi32>
        %squeeze3A = vector.extract %slice3A[0] : i32 from vector<1xi32>
        %slice3A_399 = vector.extract_strided_slice %get3A_398 {offsets = [0], sizes = [1], strides = [1]} : vector<16xi32> to vector<1xi32>
        %squeeze3A_400 = vector.extract %slice3A_399[0] : i32 from vector<1xi32>
        %mul3A_401 = arith.constant 128 : i32
        %mul3A_402 = arith.muli %add3A_264, %mul3A_401 : i32
        %sub3A_403 = arith.subi %squeeze3A, %mul3A_402 : i32
        %broadcast_in_dim3A_404 = vector.broadcast %sub3A_403 : i32 to vector<16xi32>
        %add3A_405 = arith.constant 0 : i32
        %add3A_406 = vector.broadcast %add3A_405 : i32 to vector<16xi32>
        %add3A_407 = arith.addi %iota3A, %add3A_406 : vector<16xi32>
        %gather3A = tpu.vector_load_idx %arg17[%add3A_407, %broadcast_in_dim3A_404] : memref<64x128xf32, #tpu.memory_space<vmem>>[vector<16xi32>, vector<16xi32>], vector<16xf32>,
        %mul3A_408 = arith.constant 64 : i32
        %mul3A_409 = arith.muli %while3A_389, %mul3A_408 : i32
        %add3A_410 = arith.constant 0 : i32
        %add3A_411 = arith.addi %mul3A_409, %add3A_410 : i32
        %swap3A = arith.index_cast %add3A_411 : i32 to index
        %swap3A_412 = tpu.vector_load %arg13[%swap3A] {strides = array<i32>} : memref<49152xf32, #tpu.memory_space<vmem>>, vector<16xf32>,
        tpu.vector_store %arg13[%swap3A], %gather3A {strides = array<i32>} : memref<49152xf32, #tpu.memory_space<vmem>>, vector<16xf32>,
        %add3A_413 = arith.constant 16 : i32
        %add3A_414 = vector.broadcast %add3A_413 : i32 to vector<16xi32>
        %add3A_415 = arith.addi %iota3A, %add3A_414 : vector<16xi32>
        %gather3A_416 = tpu.vector_load_idx %arg17[%add3A_415, %broadcast_in_dim3A_404] : memref<64x128xf32, #tpu.memory_space<vmem>>[vector<16xi32>, vector<16xi32>], vector<16xf32>,
        %mul3A_417 = arith.constant 64 : i32
        %mul3A_418 = arith.muli %while3A_389, %mul3A_417 : i32
        %add3A_419 = arith.constant 16 : i32
        %add3A_420 = arith.addi %mul3A_418, %add3A_419 : i32
        %swap3A_421 = arith.index_cast %add3A_420 : i32 to index
        %swap3A_422 = tpu.vector_load %arg13[%swap3A_421] {strides = array<i32>} : memref<49152xf32, #tpu.memory_space<vmem>>, vector<16xf32>,
        tpu.vector_store %arg13[%swap3A_421], %gather3A_416 {strides = array<i32>} : memref<49152xf32, #tpu.memory_space<vmem>>, vector<16xf32>,
        %add3A_423 = arith.constant 32 : i32
        %add3A_424 = vector.broadcast %add3A_423 : i32 to vector<16xi32>
        %add3A_425 = arith.addi %iota3A, %add3A_424 : vector<16xi32>
        %gather3A_426 = tpu.vector_load_idx %arg17[%add3A_425, %broadcast_in_dim3A_404] : memref<64x128xf32, #tpu.memory_space<vmem>>[vector<16xi32>, vector<16xi32>], vector<16xf32>,
        %mul3A_427 = arith.constant 64 : i32
        %mul3A_428 = arith.muli %while3A_389, %mul3A_427 : i32
        %add3A_429 = arith.constant 32 : i32
        %add3A_430 = arith.addi %mul3A_428, %add3A_429 : i32
        %swap3A_431 = arith.index_cast %add3A_430 : i32 to index
        %swap3A_432 = tpu.vector_load %arg13[%swap3A_431] {strides = array<i32>} : memref<49152xf32, #tpu.memory_space<vmem>>, vector<16xf32>,
        tpu.vector_store %arg13[%swap3A_431], %gather3A_426 {strides = array<i32>} : memref<49152xf32, #tpu.memory_space<vmem>>, vector<16xf32>,
        %add3A_433 = arith.constant 48 : i32
        %add3A_434 = vector.broadcast %add3A_433 : i32 to vector<16xi32>
        %add3A_435 = arith.addi %iota3A, %add3A_434 : vector<16xi32>
        %gather3A_436 = tpu.vector_load_idx %arg17[%add3A_435, %broadcast_in_dim3A_404] : memref<64x128xf32, #tpu.memory_space<vmem>>[vector<16xi32>, vector<16xi32>], vector<16xf32>,
        %mul3A_437 = arith.constant 64 : i32
        %mul3A_438 = arith.muli %while3A_389, %mul3A_437 : i32
        %add3A_439 = arith.constant 48 : i32
        %add3A_440 = arith.addi %mul3A_438, %add3A_439 : i32
        %swap3A_441 = arith.index_cast %add3A_440 : i32 to index
        %swap3A_442 = tpu.vector_load %arg13[%swap3A_441] {strides = array<i32>} : memref<49152xf32, #tpu.memory_space<vmem>>, vector<16xf32>,
        tpu.vector_store %arg13[%swap3A_441], %gather3A_436 {strides = array<i32>} : memref<49152xf32, #tpu.memory_space<vmem>>, vector<16xf32>,
        %broadcast_in_dim3A_443 = vector.broadcast %while3A_389 : i32 to vector<16xi32>
        %broadcast_in_dim3A_444 = vector.broadcast %squeeze3A_400 : i32 to vector<16xi32>
        tpu.vector_store_idx %arg14[%broadcast_in_dim3A_443], %broadcast_in_dim3A_444 masked %eq3A_4 : memref<768xi32, #tpu.memory_space<vmem>>[vector<16xi32>], vector<16xi32>, vector<16xi1>
        %add3A_445 = arith.constant 1 : i32
        %add3A_446 = arith.addi %while3A_389, %add3A_445 : i32
        scf.yield %add3A_446 : i32
      }
      %while3A_295 = arith.constant 1 : i32
      %while3A_296 = scf.for %while3A_388 = %while3A_292 to %while3A_288 step %while3A_295 iter_args(%while3A_389 = %while3A_294) -> (i32)  : i32 {
        %mul3A_390 = arith.muli %while3A_388, %while3A_284 : i32
        %add3A_391 = arith.addi %while3A_285, %mul3A_390 : i32
        %add3A_392 = arith.constant 96 : i32
        %add3A_393 = arith.addi %add3A_392, %add3A_391 : i32
        %get3A = arith.index_cast %add3A_393 : i32 to index
        %get3A_394 = tpu.vector_load %arg12[%get3A] {strides = array<i32>} : memref<192xi32, #tpu.memory_space<vmem>>, vector<16xi32>,
        %add3A_395 = arith.constant 96 : i32
        %add3A_396 = arith.addi %add3A_395, %add3A_391 : i32
        %get3A_397 = arith.index_cast %add3A_396 : i32 to index
        %get3A_398 = tpu.vector_load %arg11[%get3A_397] {strides = array<i32>} : memref<192xi32, #tpu.memory_space<vmem>>, vector<16xi32>,
        %slice3A = vector.extract_strided_slice %get3A_394 {offsets = [0], sizes = [1], strides = [1]} : vector<16xi32> to vector<1xi32>
        %squeeze3A = vector.extract %slice3A[0] : i32 from vector<1xi32>
        %slice3A_399 = vector.extract_strided_slice %get3A_398 {offsets = [0], sizes = [1], strides = [1]} : vector<16xi32> to vector<1xi32>
        %squeeze3A_400 = vector.extract %slice3A_399[0] : i32 from vector<1xi32>
        %mul3A_401 = arith.constant 128 : i32
        %mul3A_402 = arith.muli %add3A_264, %mul3A_401 : i32
        %sub3A_403 = arith.subi %squeeze3A, %mul3A_402 : i32
        %broadcast_in_dim3A_404 = vector.broadcast %sub3A_403 : i32 to vector<16xi32>
        %add3A_405 = arith.constant 0 : i32
        %add3A_406 = vector.broadcast %add3A_405 : i32 to vector<16xi32>
        %add3A_407 = arith.addi %iota3A, %add3A_406 : vector<16xi32>
        %gather3A = tpu.vector_load_idx %arg17[%add3A_407, %broadcast_in_dim3A_404] : memref<64x128xf32, #tpu.memory_space<vmem>>[vector<16xi32>, vector<16xi32>], vector<16xf32>,
        %mul3A_408 = arith.constant 64 : i32
        %mul3A_409 = arith.muli %while3A_389, %mul3A_408 : i32
        %add3A_410 = arith.constant 0 : i32
        %add3A_411 = arith.addi %mul3A_409, %add3A_410 : i32
        %swap3A = arith.index_cast %add3A_411 : i32 to index
        %swap3A_412 = tpu.vector_load %arg13[%swap3A] {strides = array<i32>} : memref<49152xf32, #tpu.memory_space<vmem>>, vector<16xf32>,
        tpu.vector_store %arg13[%swap3A], %gather3A {strides = array<i32>} : memref<49152xf32, #tpu.memory_space<vmem>>, vector<16xf32>,
        %add3A_413 = arith.constant 16 : i32
        %add3A_414 = vector.broadcast %add3A_413 : i32 to vector<16xi32>
        %add3A_415 = arith.addi %iota3A, %add3A_414 : vector<16xi32>
        %gather3A_416 = tpu.vector_load_idx %arg17[%add3A_415, %broadcast_in_dim3A_404] : memref<64x128xf32, #tpu.memory_space<vmem>>[vector<16xi32>, vector<16xi32>], vector<16xf32>,
        %mul3A_417 = arith.constant 64 : i32
        %mul3A_418 = arith.muli %while3A_389, %mul3A_417 : i32
        %add3A_419 = arith.constant 16 : i32
        %add3A_420 = arith.addi %mul3A_418, %add3A_419 : i32
        %swap3A_421 = arith.index_cast %add3A_420 : i32 to index
        %swap3A_422 = tpu.vector_load %arg13[%swap3A_421] {strides = array<i32>} : memref<49152xf32, #tpu.memory_space<vmem>>, vector<16xf32>,
        tpu.vector_store %arg13[%swap3A_421], %gather3A_416 {strides = array<i32>} : memref<49152xf32, #tpu.memory_space<vmem>>, vector<16xf32>,
        %add3A_423 = arith.constant 32 : i32
        %add3A_424 = vector.broadcast %add3A_423 : i32 to vector<16xi32>
        %add3A_425 = arith.addi %iota3A, %add3A_424 : vector<16xi32>
        %gather3A_426 = tpu.vector_load_idx %arg17[%add3A_425, %broadcast_in_dim3A_404] : memref<64x128xf32, #tpu.memory_space<vmem>>[vector<16xi32>, vector<16xi32>], vector<16xf32>,
        %mul3A_427 = arith.constant 64 : i32
        %mul3A_428 = arith.muli %while3A_389, %mul3A_427 : i32
        %add3A_429 = arith.constant 32 : i32
        %add3A_430 = arith.addi %mul3A_428, %add3A_429 : i32
        %swap3A_431 = arith.index_cast %add3A_430 : i32 to index
        %swap3A_432 = tpu.vector_load %arg13[%swap3A_431] {strides = array<i32>} : memref<49152xf32, #tpu.memory_space<vmem>>, vector<16xf32>,
        tpu.vector_store %arg13[%swap3A_431], %gather3A_426 {strides = array<i32>} : memref<49152xf32, #tpu.memory_space<vmem>>, vector<16xf32>,
        %add3A_433 = arith.constant 48 : i32
        %add3A_434 = vector.broadcast %add3A_433 : i32 to vector<16xi32>
        %add3A_435 = arith.addi %iota3A, %add3A_434 : vector<16xi32>
        %gather3A_436 = tpu.vector_load_idx %arg17[%add3A_435, %broadcast_in_dim3A_404] : memref<64x128xf32, #tpu.memory_space<vmem>>[vector<16xi32>, vector<16xi32>], vector<16xf32>,
        %mul3A_437 = arith.constant 64 : i32
        %mul3A_438 = arith.muli %while3A_389, %mul3A_437 : i32
        %add3A_439 = arith.constant 48 : i32
        %add3A_440 = arith.addi %mul3A_438, %add3A_439 : i32
        %swap3A_441 = arith.index_cast %add3A_440 : i32 to index
        %swap3A_442 = tpu.vector_load %arg13[%swap3A_441] {strides = array<i32>} : memref<49152xf32, #tpu.memory_space<vmem>>, vector<16xf32>,
        tpu.vector_store %arg13[%swap3A_441], %gather3A_436 {strides = array<i32>} : memref<49152xf32, #tpu.memory_space<vmem>>, vector<16xf32>,
        %broadcast_in_dim3A_443 = vector.broadcast %while3A_389 : i32 to vector<16xi32>
        %broadcast_in_dim3A_444 = vector.broadcast %squeeze3A_400 : i32 to vector<16xi32>
        tpu.vector_store_idx %arg14[%broadcast_in_dim3A_443], %broadcast_in_dim3A_444 masked %eq3A_4 : memref<768xi32, #tpu.memory_space<vmem>>[vector<16xi32>], vector<16xi32>, vector<16xi1>
        %add3A_445 = arith.constant 1 : i32
        %add3A_446 = arith.addi %while3A_389, %add3A_445 : i32
        scf.yield %add3A_446 : i32
      }
      %add3A_297 = arith.constant 4 : i32
      %add3A_298 = arith.addi %add3A_263, %add3A_297 : i32
      %add3A_299 = arith.addi %mul3A_2, %add3A_298 : i32
      %and3A_300 = arith.constant 15 : i32
      %and3A_301 = arith.andi %add3A_298, %and3A_300 : i32
      %eq3A_302 = arith.constant 0 : i32
      %eq3A_303 = arith.cmpi eq, %and3A_301, %eq3A_302 : i32
      %convert_element_type3A_304 = arith.extui %eq3A_303 : i1 to i32
      %cond3A_305 = arith.constant 0 : i32
      %cond3A_306 = arith.cmpi ne, %convert_element_type3A_304, %cond3A_305 : i32
      scf.if %cond3A_306 {
        %and3A_388 = arith.constant -16 : i32
        %and3A_389 = arith.andi %add3A_298, %and3A_388 : i32
        %add3A_390 = arith.addi %mul3A_2, %and3A_389 : i32
        %scan3A_391 = arith.constant 0 : i32
        %scan3A_392 = arith.constant 7 : i32
        %scan3A_393 = arith.addi %scan3A_391, %scan3A_392 : i32
        %scan3A_394 = arith.constant 1 : i32
        scf.for %scan3A_403 = %scan3A_391 to %scan3A_393 step %scan3A_394  : i32 {
          %mul3A_404 = arith.constant 1 : i32
          %mul3A_405 = arith.muli %scan3A_403, %mul3A_404 : i32
          %add3A_406 = arith.constant 0 : i32
          %add3A_407 = arith.addi %add3A_406, %mul3A_405 : i32
          %mul3A_408 = arith.constant 16 : i32
          %mul3A_409 = arith.muli %add3A_407, %mul3A_408 : i32
          %swap3A = arith.index_cast %mul3A_409 : i32 to index
          %swap3A_410 = tpu.vector_load %arg10[%swap3A] {strides = array<i32>} : memref<112xi32, #tpu.memory_space<vmem>>, vector<16xi32>,
          tpu.vector_store %arg10[%swap3A], %broadcast_in_dim3A_5 {strides = array<i32>} : memref<112xi32, #tpu.memory_space<vmem>>, vector<16xi32>,
        }
        %scan3A_395 = arith.constant 7 : i32
        %scan3A_396 = arith.constant 0 : i32
        %scan3A_397 = arith.constant 0 : i32
        %scan3A_398 = arith.constant 49 : i32
        %scan3A_399 = arith.addi %scan3A_397, %scan3A_398 : i32
        %scan3A_400 = arith.constant 1 : i32
        %scan3A_401 = scf.for %scan3A_403 = %scan3A_397 to %scan3A_399 step %scan3A_400 iter_args(%scan3A_404 = %scan3A_396) -> (i32)  : i32 {
          %mul3A_405 = arith.constant 1 : i32
          %mul3A_406 = arith.muli %scan3A_403, %mul3A_405 : i32
          %add3A_407 = arith.constant 0 : i32
          %add3A_408 = arith.addi %add3A_407, %mul3A_406 : i32
          %mul3A_409 = arith.constant 16 : i32
          %mul3A_410 = arith.muli %add3A_408, %mul3A_409 : i32
          %get3A = arith.index_cast %mul3A_410 : i32 to index
          %get3A_411 = tpu.vector_load %arg8[%get3A] {strides = array<i32>} : memref<784xi32, #tpu.memory_space<vmem>>, vector<16xi32>,
          %mul3A_412 = arith.constant 16 : i32
          %mul3A_413 = arith.muli %add3A_408, %mul3A_412 : i32
          %get3A_414 = arith.index_cast %mul3A_413 : i32 to index
          %get3A_415 = tpu.vector_load %arg7[%get3A_414] {strides = array<i32>} : memref<784xi32, #tpu.memory_space<vmem>>, vector<16xi32>,
          %shift_right_logical3A = arith.constant 7 : i32
          %shift_right_logical3A_416 = vector.broadcast %shift_right_logical3A : i32 to vector<16xi32>
          %shift_right_logical3A_417 = arith.shrui %get3A_411, %shift_right_logical3A_416 : vector<16xi32>
          %ge3A = arith.constant 0 : i32
          %ge3A_418 = vector.broadcast %ge3A : i32 to vector<16xi32>
          %ge3A_419 = arith.cmpi sge, %get3A_411, %ge3A_418 : vector<16xi32>
          %ge3A_420 = vector.broadcast %add3A_390 : i32 to vector<16xi32>
          %ge3A_421 = arith.cmpi sge, %shift_right_logical3A_417, %ge3A_420 : vector<16xi32>
          %and3A_422 = arith.andi %ge3A_419, %ge3A_421 : vector<16xi1>
          %add3A_423 = arith.constant 16 : i32
          %add3A_424 = arith.addi %add3A_390, %add3A_423 : i32
          %lt3A_425 = vector.broadcast %add3A_424 : i32 to vector<16xi32>
          %lt3A_426 = arith.cmpi slt, %shift_right_logical3A_417, %lt3A_425 : vector<16xi32>
          %and3A_427 = arith.andi %and3A_422, %lt3A_426 : vector<16xi1>
          %iota3A_428 = tpu.iota {dimensions = array<i32: 0>} : vector<16xi32>
          %broadcast_in_dim3A_429 = arith.constant -1 : i32
          %broadcast_in_dim3A_430 = vector.broadcast %broadcast_in_dim3A_429 : i32 to vector<16xi32>
          %add3A_431 = arith.constant 16 : i32
          %add3A_432 = vector.broadcast %add3A_431 : i32 to vector<16xi32>
          %add3A_433 = arith.addi %iota3A_428, %add3A_432 : vector<16xi32>
          %select_n3A = arith.select %and3A_427, %iota3A_428, %add3A_433 : vector<16xi1>, vector<16xi32>
          %select_n3A_434 = arith.select %and3A_427, %get3A_411, %broadcast_in_dim3A_430 : vector<16xi1>, vector<16xi32>
          %masked_sort3A = arith.constant dense<true> : vector<16xi1>
          %masked_sort3A_435 = arith.constant -2147483648 : i32
          %masked_sort3A_436 = vector.broadcast %masked_sort3A_435 : i32 to vector<16xi32>
          %masked_sort3A_437 = arith.xori %select_n3A, %masked_sort3A_436 : vector<16xi32>
          %masked_sort3A_438, %masked_sort3A_439, %masked_sort3A_440 = tpu.sort %masked_sort3A_437, %select_n3A_434 masked %masked_sort3A : (vector<16xi32>, vector<16xi32>, vector<16xi1>) -> (vector<16xi1>, vector<16xi32>, vector<16xi32>)
          %masked_sort3A_441 = arith.xori %masked_sort3A_439, %masked_sort3A_436 : vector<16xi32>
          %select_n3A_442 = arith.select %and3A_427, %get3A_415, %broadcast_in_dim3A_430 : vector<16xi1>, vector<16xi32>
          %masked_sort3A_443 = arith.constant dense<true> : vector<16xi1>
          %masked_sort3A_444 = arith.constant -2147483648 : i32
          %masked_sort3A_445 = vector.broadcast %masked_sort3A_444 : i32 to vector<16xi32>
          %masked_sort3A_446 = arith.xori %select_n3A, %masked_sort3A_445 : vector<16xi32>
          %masked_sort3A_447, %masked_sort3A_448, %masked_sort3A_449 = tpu.sort %masked_sort3A_446, %select_n3A_442 masked %masked_sort3A_443 : (vector<16xi32>, vector<16xi32>, vector<16xi1>) -> (vector<16xi1>, vector<16xi32>, vector<16xi32>)
          %masked_sort3A_450 = arith.xori %masked_sort3A_448, %masked_sort3A_445 : vector<16xi32>
          %swap3A = arith.index_cast %scan3A_404 : i32 to index
          %swap3A_451 = tpu.vector_load %arg10[%swap3A] {strides = array<i32>} : memref<112xi32, #tpu.memory_space<vmem>>, vector<16xi32>,
          tpu.vector_store %arg10[%swap3A], %masked_sort3A_440 {strides = array<i32>} : memref<112xi32, #tpu.memory_space<vmem>>, vector<16xi32>,
          %swap3A_452 = arith.index_cast %scan3A_404 : i32 to index
          %swap3A_453 = tpu.vector_load %arg9[%swap3A_452] {strides = array<i32>} : memref<112xi32, #tpu.memory_space<vmem>>, vector<16xi32>,
          tpu.vector_store %arg9[%swap3A_452], %masked_sort3A_449 {strides = array<i32>} : memref<112xi32, #tpu.memory_space<vmem>>, vector<16xi32>,
          %all_reduce_population_count3A = tpu.all_reduce %and3A_427 {dim = 0 : i64, kind = #tpu.reduction_kind<sum>} : vector<16xi1> -> vector<16xi32>
          %slice3A = vector.extract_strided_slice %all_reduce_population_count3A {offsets = [0], sizes = [1], strides = [1]} : vector<16xi32> to vector<1xi32>
          %squeeze3A = vector.extract %slice3A[0] : i32 from vector<1xi32>
          %add3A_454 = arith.addi %scan3A_404, %squeeze3A : i32
          scf.yield %add3A_454 : i32
        }
        %scan3A_402 = arith.constant 49 : i32
      } else {
      }
      %scan3A_307 = arith.constant 0 : i32
      %scan3A_308 = arith.constant 0 : i32
      %scan3A_309 = arith.constant 7 : i32
      %scan3A_310 = arith.addi %scan3A_308, %scan3A_309 : i32
      %scan3A_311 = arith.constant 1 : i32
      %scan3A_312 = scf.for %scan3A_388 = %scan3A_308 to %scan3A_310 step %scan3A_311 iter_args(%scan3A_389 = %scan3A_307) -> (i32)  : i32 {
        %mul3A_390 = arith.constant 1 : i32
        %mul3A_391 = arith.muli %scan3A_388, %mul3A_390 : i32
        %add3A_392 = arith.constant 0 : i32
        %add3A_393 = arith.addi %add3A_392, %mul3A_391 : i32
        %mul3A_394 = arith.constant 16 : i32
        %mul3A_395 = arith.muli %add3A_393, %mul3A_394 : i32
        %get3A = arith.index_cast %mul3A_395 : i32 to index
        %get3A_396 = tpu.vector_load %arg10[%get3A] {strides = array<i32>} : memref<112xi32, #tpu.memory_space<vmem>>, vector<16xi32>,
        %mul3A_397 = arith.constant 16 : i32
        %mul3A_398 = arith.muli %add3A_393, %mul3A_397 : i32
        %get3A_399 = arith.index_cast %mul3A_398 : i32 to index
        %get3A_400 = tpu.vector_load %arg9[%get3A_399] {strides = array<i32>} : memref<112xi32, #tpu.memory_space<vmem>>, vector<16xi32>,
        %shift_right_logical3A = arith.constant 7 : i32
        %shift_right_logical3A_401 = vector.broadcast %shift_right_logical3A : i32 to vector<16xi32>
        %shift_right_logical3A_402 = arith.shrui %get3A_396, %shift_right_logical3A_401 : vector<16xi32>
        %ge3A = arith.constant 0 : i32
        %ge3A_403 = vector.broadcast %ge3A : i32 to vector<16xi32>
        %ge3A_404 = arith.cmpi sge, %get3A_396, %ge3A_403 : vector<16xi32>
        %eq3A_405 = vector.broadcast %add3A_299 : i32 to vector<16xi32>
        %eq3A_406 = arith.cmpi eq, %shift_right_logical3A_402, %eq3A_405 : vector<16xi32>
        %and3A_407 = arith.andi %ge3A_404, %eq3A_406 : vector<16xi1>
        %iota3A_408 = tpu.iota {dimensions = array<i32: 0>} : vector<16xi32>
        %broadcast_in_dim3A_409 = arith.constant -1 : i32
        %broadcast_in_dim3A_410 = vector.broadcast %broadcast_in_dim3A_409 : i32 to vector<16xi32>
        %add3A_411 = arith.constant 16 : i32
        %add3A_412 = vector.broadcast %add3A_411 : i32 to vector<16xi32>
        %add3A_413 = arith.addi %iota3A_408, %add3A_412 : vector<16xi32>
        %select_n3A = arith.select %and3A_407, %iota3A_408, %add3A_413 : vector<16xi1>, vector<16xi32>
        %select_n3A_414 = arith.select %and3A_407, %get3A_396, %broadcast_in_dim3A_410 : vector<16xi1>, vector<16xi32>
        %masked_sort3A = arith.constant dense<true> : vector<16xi1>
        %masked_sort3A_415 = arith.constant -2147483648 : i32
        %masked_sort3A_416 = vector.broadcast %masked_sort3A_415 : i32 to vector<16xi32>
        %masked_sort3A_417 = arith.xori %select_n3A, %masked_sort3A_416 : vector<16xi32>
        %masked_sort3A_418, %masked_sort3A_419, %masked_sort3A_420 = tpu.sort %masked_sort3A_417, %select_n3A_414 masked %masked_sort3A : (vector<16xi32>, vector<16xi32>, vector<16xi1>) -> (vector<16xi1>, vector<16xi32>, vector<16xi32>)
        %masked_sort3A_421 = arith.xori %masked_sort3A_419, %masked_sort3A_416 : vector<16xi32>
        %select_n3A_422 = arith.select %and3A_407, %get3A_400, %broadcast_in_dim3A_410 : vector<16xi1>, vector<16xi32>
        %masked_sort3A_423 = arith.constant dense<true> : vector<16xi1>
        %masked_sort3A_424 = arith.constant -2147483648 : i32
        %masked_sort3A_425 = vector.broadcast %masked_sort3A_424 : i32 to vector<16xi32>
        %masked_sort3A_426 = arith.xori %select_n3A, %masked_sort3A_425 : vector<16xi32>
        %masked_sort3A_427, %masked_sort3A_428, %masked_sort3A_429 = tpu.sort %masked_sort3A_426, %select_n3A_422 masked %masked_sort3A_423 : (vector<16xi32>, vector<16xi32>, vector<16xi1>) -> (vector<16xi1>, vector<16xi32>, vector<16xi32>)
        %masked_sort3A_430 = arith.xori %masked_sort3A_428, %masked_sort3A_425 : vector<16xi32>
        %swap3A = arith.constant 96 : i32
        %swap3A_431 = tpu.memref_slice %arg12[%swap3A] : memref<192xi32, #tpu.memory_space<vmem>> -> memref<48xi32, #tpu.memory_space<vmem>>
        %swap3A_432 = arith.index_cast %scan3A_389 : i32 to index
        %swap3A_433 = tpu.vector_load %swap3A_431[%swap3A_432] {strides = array<i32>} : memref<48xi32, #tpu.memory_space<vmem>>, vector<16xi32>,
        tpu.vector_store %swap3A_431[%swap3A_432], %masked_sort3A_420 {strides = array<i32>} : memref<48xi32, #tpu.memory_space<vmem>>, vector<16xi32>,
        %swap3A_434 = arith.constant 96 : i32
        %swap3A_435 = tpu.memref_slice %arg11[%swap3A_434] : memref<192xi32, #tpu.memory_space<vmem>> -> memref<48xi32, #tpu.memory_space<vmem>>
        %swap3A_436 = arith.index_cast %scan3A_389 : i32 to index
        %swap3A_437 = tpu.vector_load %swap3A_435[%swap3A_436] {strides = array<i32>} : memref<48xi32, #tpu.memory_space<vmem>>, vector<16xi32>,
        tpu.vector_store %swap3A_435[%swap3A_436], %masked_sort3A_429 {strides = array<i32>} : memref<48xi32, #tpu.memory_space<vmem>>, vector<16xi32>,
        %all_reduce_population_count3A = tpu.all_reduce %and3A_407 {dim = 0 : i64, kind = #tpu.reduction_kind<sum>} : vector<16xi1> -> vector<16xi32>
        %slice3A = vector.extract_strided_slice %all_reduce_population_count3A {offsets = [0], sizes = [1], strides = [1]} : vector<16xi32> to vector<1xi32>
        %squeeze3A = vector.extract %slice3A[0] : i32 from vector<1xi32>
        %add3A_438 = arith.addi %scan3A_389, %squeeze3A : i32
        scf.yield %add3A_438 : i32
      }
      %scan3A_313 = arith.constant 7 : i32
      %lt3A_314 = arith.constant 245 : i32
      %lt3A_315 = arith.cmpi slt, %add3A_298, %lt3A_314 : i32
      %lt3A_316 = arith.constant 7813 : i32
      %lt3A_317 = arith.cmpi slt, %add3A_299, %lt3A_316 : i32
      %and3A_318 = arith.andi %lt3A_315, %lt3A_317 : i1
      %gt3A_319 = arith.constant 0 : i32
      %gt3A_320 = arith.cmpi sgt, %scan3A_312, %gt3A_319 : i32
      %and3A_321 = arith.andi %and3A_318, %gt3A_320 : i1
      %convert_element_type3A_322 = arith.extui %and3A_321 : i1 to i32
      %cond3A_323 = arith.constant 0 : i32
      %cond3A_324 = arith.cmpi ne, %convert_element_type3A_322, %cond3A_323 : i32
      scf.if %cond3A_324 {
        %mul3A_388 = arith.constant 128 : i32
        %mul3A_389 = arith.muli %add3A_299, %mul3A_388 : i32
        %multiple_of3A_390 = tpu.assume_multiple %mul3A_389, 128 : i32
        %dma_start3A = arith.constant 0 : i32
        %dma_start3A_391 = tpu.memref_slice %arg2[%dma_start3A, %multiple_of3A_390] : memref<64x1000000xf32, #tpu.memory_space<hbm>> -> memref<64x128xf32, #tpu.memory_space<hbm>>
        %dma_start3A_392 = arith.constant 0 : i32
        %dma_start3A_393 = tpu.memref_slice %arg2[%dma_start3A_392, %multiple_of3A_390] : memref<64x1000000xf32, #tpu.memory_space<hbm>> -> memref<64x128xf32, #tpu.memory_space<hbm>>
        tpu.enqueue_dma source(%dma_start3A_393 : memref<64x128xf32, #tpu.memory_space<hbm>>) target(%arg17 : memref<64x128xf32, #tpu.memory_space<vmem>>) target_semaphore(%arg21 : memref<!tpu.dma_semaphore, #tpu.memory_space<semaphore_mem>>)
      } else {
      }
      %add3A_325 = arith.constant 3 : i32
      %add3A_326 = arith.addi %add3A_138, %add3A_325 : i32
      %add3A_327 = arith.addi %mul3A_2, %add3A_326 : i32
      %lt3A_328 = arith.constant 245 : i32
      %lt3A_329 = arith.cmpi slt, %add3A_326, %lt3A_328 : i32
      %lt3A_330 = arith.constant 7813 : i32
      %lt3A_331 = arith.cmpi slt, %add3A_327, %lt3A_330 : i32
      %and3A_332 = arith.andi %lt3A_329, %lt3A_331 : i1
      %gt3A_333 = arith.constant 0 : i32
      %gt3A_334 = arith.cmpi sgt, %scan3A_134, %gt3A_333 : i32
      %and3A_335 = arith.andi %and3A_332, %gt3A_334 : i1
      %convert_element_type3A_336 = arith.extui %and3A_335 : i1 to i32
      %cond3A_337 = arith.constant 0 : i32
      %cond3A_338 = arith.cmpi ne, %convert_element_type3A_336, %cond3A_337 : i32
      scf.if %cond3A_338 {
        %dma_wait3A = arith.constant 0 : i32
        %dma_wait3A_388 = arith.constant 0 : i32
        %dma_wait3A_389 = tpu.memref_slice %arg2[%dma_wait3A, %dma_wait3A_388] : memref<64x1000000xf32, #tpu.memory_space<hbm>> -> memref<64x128xf32, #tpu.memory_space<hbm>>
        %dma_wait3A_390 = arith.constant 0 : i32
        %dma_wait3A_391 = arith.constant 0 : i32
        %dma_wait3A_392 = tpu.memref_slice %arg2[%dma_wait3A_390, %dma_wait3A_391] : memref<64x1000000xf32, #tpu.memory_space<hbm>> -> memref<64x128xf32, #tpu.memory_space<hbm>>
        tpu.wait_dma2 semaphore(%arg22 : memref<!tpu.dma_semaphore, #tpu.memory_space<semaphore_mem>>) src(%dma_wait3A_392 : memref<64x128xf32, #tpu.memory_space<hbm>>) dst(%arg18 : memref<64x128xf32, #tpu.memory_space<vmem>>)
      } else {
      }
      %sub3A_339 = arith.constant 0 : i32
      %sub3A_340 = arith.subi %scan3A_134, %sub3A_339 : i32
      %sub3A_341 = arith.constant 1 : i32
      %sub3A_342 = arith.constant 1 : i32
      %sub3A_343 = arith.subi %sub3A_341, %sub3A_342 : i32
      %add3A_344 = arith.addi %sub3A_340, %sub3A_343 : i32
      %div3A_345 = arith.constant 1 : i32
      %div3A_346 = arith.divsi %add3A_344, %div3A_345 : i32
      %while3A_347 = arith.constant 1 : i32
      %while3A_348 = arith.constant 0 : i32
      %while3A_349 = arith.constant 0 : i32
      %while3A_350 = arith.subi %div3A_346, %while3A_349 : i32
      %while3A_351 = arith.addi %while3A_349, %while3A_350 : i32
      %while3A_352 = arith.constant 1 : i32
      %while3A_353 = arith.divsi %while3A_350, %while3A_352 : i32
      %while3A_354 = arith.muli %while3A_353, %while3A_352 : i32
      %while3A_355 = arith.addi %while3A_349, %while3A_354 : i32
      %while3A_356 = arith.constant 1 : i32
      %while3A_357 = scf.for %while3A_388 = %while3A_349 to %while3A_355 step %while3A_356 iter_args(%while3A_389 = %while3A_296) -> (i32)  : i32 {
        %mul3A_390 = arith.muli %while3A_388, %while3A_347 : i32
        %add3A_391 = arith.addi %while3A_348, %mul3A_390 : i32
        %add3A_392 = arith.constant 144 : i32
        %add3A_393 = arith.addi %add3A_392, %add3A_391 : i32
        %get3A = arith.index_cast %add3A_393 : i32 to index
        %get3A_394 = tpu.vector_load %arg12[%get3A] {strides = array<i32>} : memref<192xi32, #tpu.memory_space<vmem>>, vector<16xi32>,
        %add3A_395 = arith.constant 144 : i32
        %add3A_396 = arith.addi %add3A_395, %add3A_391 : i32
        %get3A_397 = arith.index_cast %add3A_396 : i32 to index
        %get3A_398 = tpu.vector_load %arg11[%get3A_397] {strides = array<i32>} : memref<192xi32, #tpu.memory_space<vmem>>, vector<16xi32>,
        %slice3A = vector.extract_strided_slice %get3A_394 {offsets = [0], sizes = [1], strides = [1]} : vector<16xi32> to vector<1xi32>
        %squeeze3A = vector.extract %slice3A[0] : i32 from vector<1xi32>
        %slice3A_399 = vector.extract_strided_slice %get3A_398 {offsets = [0], sizes = [1], strides = [1]} : vector<16xi32> to vector<1xi32>
        %squeeze3A_400 = vector.extract %slice3A_399[0] : i32 from vector<1xi32>
        %mul3A_401 = arith.constant 128 : i32
        %mul3A_402 = arith.muli %add3A_327, %mul3A_401 : i32
        %sub3A_403 = arith.subi %squeeze3A, %mul3A_402 : i32
        %broadcast_in_dim3A_404 = vector.broadcast %sub3A_403 : i32 to vector<16xi32>
        %add3A_405 = arith.constant 0 : i32
        %add3A_406 = vector.broadcast %add3A_405 : i32 to vector<16xi32>
        %add3A_407 = arith.addi %iota3A, %add3A_406 : vector<16xi32>
        %gather3A = tpu.vector_load_idx %arg18[%add3A_407, %broadcast_in_dim3A_404] : memref<64x128xf32, #tpu.memory_space<vmem>>[vector<16xi32>, vector<16xi32>], vector<16xf32>,
        %mul3A_408 = arith.constant 64 : i32
        %mul3A_409 = arith.muli %while3A_389, %mul3A_408 : i32
        %add3A_410 = arith.constant 0 : i32
        %add3A_411 = arith.addi %mul3A_409, %add3A_410 : i32
        %swap3A = arith.index_cast %add3A_411 : i32 to index
        %swap3A_412 = tpu.vector_load %arg13[%swap3A] {strides = array<i32>} : memref<49152xf32, #tpu.memory_space<vmem>>, vector<16xf32>,
        tpu.vector_store %arg13[%swap3A], %gather3A {strides = array<i32>} : memref<49152xf32, #tpu.memory_space<vmem>>, vector<16xf32>,
        %add3A_413 = arith.constant 16 : i32
        %add3A_414 = vector.broadcast %add3A_413 : i32 to vector<16xi32>
        %add3A_415 = arith.addi %iota3A, %add3A_414 : vector<16xi32>
        %gather3A_416 = tpu.vector_load_idx %arg18[%add3A_415, %broadcast_in_dim3A_404] : memref<64x128xf32, #tpu.memory_space<vmem>>[vector<16xi32>, vector<16xi32>], vector<16xf32>,
        %mul3A_417 = arith.constant 64 : i32
        %mul3A_418 = arith.muli %while3A_389, %mul3A_417 : i32
        %add3A_419 = arith.constant 16 : i32
        %add3A_420 = arith.addi %mul3A_418, %add3A_419 : i32
        %swap3A_421 = arith.index_cast %add3A_420 : i32 to index
        %swap3A_422 = tpu.vector_load %arg13[%swap3A_421] {strides = array<i32>} : memref<49152xf32, #tpu.memory_space<vmem>>, vector<16xf32>,
        tpu.vector_store %arg13[%swap3A_421], %gather3A_416 {strides = array<i32>} : memref<49152xf32, #tpu.memory_space<vmem>>, vector<16xf32>,
        %add3A_423 = arith.constant 32 : i32
        %add3A_424 = vector.broadcast %add3A_423 : i32 to vector<16xi32>
        %add3A_425 = arith.addi %iota3A, %add3A_424 : vector<16xi32>
        %gather3A_426 = tpu.vector_load_idx %arg18[%add3A_425, %broadcast_in_dim3A_404] : memref<64x128xf32, #tpu.memory_space<vmem>>[vector<16xi32>, vector<16xi32>], vector<16xf32>,
        %mul3A_427 = arith.constant 64 : i32
        %mul3A_428 = arith.muli %while3A_389, %mul3A_427 : i32
        %add3A_429 = arith.constant 32 : i32
        %add3A_430 = arith.addi %mul3A_428, %add3A_429 : i32
        %swap3A_431 = arith.index_cast %add3A_430 : i32 to index
        %swap3A_432 = tpu.vector_load %arg13[%swap3A_431] {strides = array<i32>} : memref<49152xf32, #tpu.memory_space<vmem>>, vector<16xf32>,
        tpu.vector_store %arg13[%swap3A_431], %gather3A_426 {strides = array<i32>} : memref<49152xf32, #tpu.memory_space<vmem>>, vector<16xf32>,
        %add3A_433 = arith.constant 48 : i32
        %add3A_434 = vector.broadcast %add3A_433 : i32 to vector<16xi32>
        %add3A_435 = arith.addi %iota3A, %add3A_434 : vector<16xi32>
        %gather3A_436 = tpu.vector_load_idx %arg18[%add3A_435, %broadcast_in_dim3A_404] : memref<64x128xf32, #tpu.memory_space<vmem>>[vector<16xi32>, vector<16xi32>], vector<16xf32>,
        %mul3A_437 = arith.constant 64 : i32
        %mul3A_438 = arith.muli %while3A_389, %mul3A_437 : i32
        %add3A_439 = arith.constant 48 : i32
        %add3A_440 = arith.addi %mul3A_438, %add3A_439 : i32
        %swap3A_441 = arith.index_cast %add3A_440 : i32 to index
        %swap3A_442 = tpu.vector_load %arg13[%swap3A_441] {strides = array<i32>} : memref<49152xf32, #tpu.memory_space<vmem>>, vector<16xf32>,
        tpu.vector_store %arg13[%swap3A_441], %gather3A_436 {strides = array<i32>} : memref<49152xf32, #tpu.memory_space<vmem>>, vector<16xf32>,
        %broadcast_in_dim3A_443 = vector.broadcast %while3A_389 : i32 to vector<16xi32>
        %broadcast_in_dim3A_444 = vector.broadcast %squeeze3A_400 : i32 to vector<16xi32>
        tpu.vector_store_idx %arg14[%broadcast_in_dim3A_443], %broadcast_in_dim3A_444 masked %eq3A_4 : memref<768xi32, #tpu.memory_space<vmem>>[vector<16xi32>], vector<16xi32>, vector<16xi1>
        %add3A_445 = arith.constant 1 : i32
        %add3A_446 = arith.addi %while3A_389, %add3A_445 : i32
        scf.yield %add3A_446 : i32
      }
      %while3A_358 = arith.constant 1 : i32
      %while3A_359 = scf.for %while3A_388 = %while3A_355 to %while3A_351 step %while3A_358 iter_args(%while3A_389 = %while3A_357) -> (i32)  : i32 {
        %mul3A_390 = arith.muli %while3A_388, %while3A_347 : i32
        %add3A_391 = arith.addi %while3A_348, %mul3A_390 : i32
        %add3A_392 = arith.constant 144 : i32
        %add3A_393 = arith.addi %add3A_392, %add3A_391 : i32
        %get3A = arith.index_cast %add3A_393 : i32 to index
        %get3A_394 = tpu.vector_load %arg12[%get3A] {strides = array<i32>} : memref<192xi32, #tpu.memory_space<vmem>>, vector<16xi32>,
        %add3A_395 = arith.constant 144 : i32
        %add3A_396 = arith.addi %add3A_395, %add3A_391 : i32
        %get3A_397 = arith.index_cast %add3A_396 : i32 to index
        %get3A_398 = tpu.vector_load %arg11[%get3A_397] {strides = array<i32>} : memref<192xi32, #tpu.memory_space<vmem>>, vector<16xi32>,
        %slice3A = vector.extract_strided_slice %get3A_394 {offsets = [0], sizes = [1], strides = [1]} : vector<16xi32> to vector<1xi32>
        %squeeze3A = vector.extract %slice3A[0] : i32 from vector<1xi32>
        %slice3A_399 = vector.extract_strided_slice %get3A_398 {offsets = [0], sizes = [1], strides = [1]} : vector<16xi32> to vector<1xi32>
        %squeeze3A_400 = vector.extract %slice3A_399[0] : i32 from vector<1xi32>
        %mul3A_401 = arith.constant 128 : i32
        %mul3A_402 = arith.muli %add3A_327, %mul3A_401 : i32
        %sub3A_403 = arith.subi %squeeze3A, %mul3A_402 : i32
        %broadcast_in_dim3A_404 = vector.broadcast %sub3A_403 : i32 to vector<16xi32>
        %add3A_405 = arith.constant 0 : i32
        %add3A_406 = vector.broadcast %add3A_405 : i32 to vector<16xi32>
        %add3A_407 = arith.addi %iota3A, %add3A_406 : vector<16xi32>
        %gather3A = tpu.vector_load_idx %arg18[%add3A_407, %broadcast_in_dim3A_404] : memref<64x128xf32, #tpu.memory_space<vmem>>[vector<16xi32>, vector<16xi32>], vector<16xf32>,
        %mul3A_408 = arith.constant 64 : i32
        %mul3A_409 = arith.muli %while3A_389, %mul3A_408 : i32
        %add3A_410 = arith.constant 0 : i32
        %add3A_411 = arith.addi %mul3A_409, %add3A_410 : i32
        %swap3A = arith.index_cast %add3A_411 : i32 to index
        %swap3A_412 = tpu.vector_load %arg13[%swap3A] {strides = array<i32>} : memref<49152xf32, #tpu.memory_space<vmem>>, vector<16xf32>,
        tpu.vector_store %arg13[%swap3A], %gather3A {strides = array<i32>} : memref<49152xf32, #tpu.memory_space<vmem>>, vector<16xf32>,
        %add3A_413 = arith.constant 16 : i32
        %add3A_414 = vector.broadcast %add3A_413 : i32 to vector<16xi32>
        %add3A_415 = arith.addi %iota3A, %add3A_414 : vector<16xi32>
        %gather3A_416 = tpu.vector_load_idx %arg18[%add3A_415, %broadcast_in_dim3A_404] : memref<64x128xf32, #tpu.memory_space<vmem>>[vector<16xi32>, vector<16xi32>], vector<16xf32>,
        %mul3A_417 = arith.constant 64 : i32
        %mul3A_418 = arith.muli %while3A_389, %mul3A_417 : i32
        %add3A_419 = arith.constant 16 : i32
        %add3A_420 = arith.addi %mul3A_418, %add3A_419 : i32
        %swap3A_421 = arith.index_cast %add3A_420 : i32 to index
        %swap3A_422 = tpu.vector_load %arg13[%swap3A_421] {strides = array<i32>} : memref<49152xf32, #tpu.memory_space<vmem>>, vector<16xf32>,
        tpu.vector_store %arg13[%swap3A_421], %gather3A_416 {strides = array<i32>} : memref<49152xf32, #tpu.memory_space<vmem>>, vector<16xf32>,
        %add3A_423 = arith.constant 32 : i32
        %add3A_424 = vector.broadcast %add3A_423 : i32 to vector<16xi32>
        %add3A_425 = arith.addi %iota3A, %add3A_424 : vector<16xi32>
        %gather3A_426 = tpu.vector_load_idx %arg18[%add3A_425, %broadcast_in_dim3A_404] : memref<64x128xf32, #tpu.memory_space<vmem>>[vector<16xi32>, vector<16xi32>], vector<16xf32>,
        %mul3A_427 = arith.constant 64 : i32
        %mul3A_428 = arith.muli %while3A_389, %mul3A_427 : i32
        %add3A_429 = arith.constant 32 : i32
        %add3A_430 = arith.addi %mul3A_428, %add3A_429 : i32
        %swap3A_431 = arith.index_cast %add3A_430 : i32 to index
        %swap3A_432 = tpu.vector_load %arg13[%swap3A_431] {strides = array<i32>} : memref<49152xf32, #tpu.memory_space<vmem>>, vector<16xf32>,
        tpu.vector_store %arg13[%swap3A_431], %gather3A_426 {strides = array<i32>} : memref<49152xf32, #tpu.memory_space<vmem>>, vector<16xf32>,
        %add3A_433 = arith.constant 48 : i32
        %add3A_434 = vector.broadcast %add3A_433 : i32 to vector<16xi32>
        %add3A_435 = arith.addi %iota3A, %add3A_434 : vector<16xi32>
        %gather3A_436 = tpu.vector_load_idx %arg18[%add3A_435, %broadcast_in_dim3A_404] : memref<64x128xf32, #tpu.memory_space<vmem>>[vector<16xi32>, vector<16xi32>], vector<16xf32>,
        %mul3A_437 = arith.constant 64 : i32
        %mul3A_438 = arith.muli %while3A_389, %mul3A_437 : i32
        %add3A_439 = arith.constant 48 : i32
        %add3A_440 = arith.addi %mul3A_438, %add3A_439 : i32
        %swap3A_441 = arith.index_cast %add3A_440 : i32 to index
        %swap3A_442 = tpu.vector_load %arg13[%swap3A_441] {strides = array<i32>} : memref<49152xf32, #tpu.memory_space<vmem>>, vector<16xf32>,
        tpu.vector_store %arg13[%swap3A_441], %gather3A_436 {strides = array<i32>} : memref<49152xf32, #tpu.memory_space<vmem>>, vector<16xf32>,
        %broadcast_in_dim3A_443 = vector.broadcast %while3A_389 : i32 to vector<16xi32>
        %broadcast_in_dim3A_444 = vector.broadcast %squeeze3A_400 : i32 to vector<16xi32>
        tpu.vector_store_idx %arg14[%broadcast_in_dim3A_443], %broadcast_in_dim3A_444 masked %eq3A_4 : memref<768xi32, #tpu.memory_space<vmem>>[vector<16xi32>], vector<16xi32>, vector<16xi1>
        %add3A_445 = arith.constant 1 : i32
        %add3A_446 = arith.addi %while3A_389, %add3A_445 : i32
        scf.yield %add3A_446 : i32
      }
      %add3A_360 = arith.constant 4 : i32
      %add3A_361 = arith.addi %add3A_326, %add3A_360 : i32
      %add3A_362 = arith.addi %mul3A_2, %add3A_361 : i32
      %and3A_363 = arith.constant 15 : i32
      %and3A_364 = arith.andi %add3A_361, %and3A_363 : i32
      %eq3A_365 = arith.constant 0 : i32
      %eq3A_366 = arith.cmpi eq, %and3A_364, %eq3A_365 : i32
      %convert_element_type3A_367 = arith.extui %eq3A_366 : i1 to i32
      %cond3A_368 = arith.constant 0 : i32
      %cond3A_369 = arith.cmpi ne, %convert_element_type3A_367, %cond3A_368 : i32
      scf.if %cond3A_369 {
        %and3A_388 = arith.constant -16 : i32
        %and3A_389 = arith.andi %add3A_361, %and3A_388 : i32
        %add3A_390 = arith.addi %mul3A_2, %and3A_389 : i32
        %scan3A_391 = arith.constant 0 : i32
        %scan3A_392 = arith.constant 7 : i32
        %scan3A_393 = arith.addi %scan3A_391, %scan3A_392 : i32
        %scan3A_394 = arith.constant 1 : i32
        scf.for %scan3A_403 = %scan3A_391 to %scan3A_393 step %scan3A_394  : i32 {
          %mul3A_404 = arith.constant 1 : i32
          %mul3A_405 = arith.muli %scan3A_403, %mul3A_404 : i32
          %add3A_406 = arith.constant 0 : i32
          %add3A_407 = arith.addi %add3A_406, %mul3A_405 : i32
          %mul3A_408 = arith.constant 16 : i32
          %mul3A_409 = arith.muli %add3A_407, %mul3A_408 : i32
          %swap3A = arith.index_cast %mul3A_409 : i32 to index
          %swap3A_410 = tpu.vector_load %arg10[%swap3A] {strides = array<i32>} : memref<112xi32, #tpu.memory_space<vmem>>, vector<16xi32>,
          tpu.vector_store %arg10[%swap3A], %broadcast_in_dim3A_5 {strides = array<i32>} : memref<112xi32, #tpu.memory_space<vmem>>, vector<16xi32>,
        }
        %scan3A_395 = arith.constant 7 : i32
        %scan3A_396 = arith.constant 0 : i32
        %scan3A_397 = arith.constant 0 : i32
        %scan3A_398 = arith.constant 49 : i32
        %scan3A_399 = arith.addi %scan3A_397, %scan3A_398 : i32
        %scan3A_400 = arith.constant 1 : i32
        %scan3A_401 = scf.for %scan3A_403 = %scan3A_397 to %scan3A_399 step %scan3A_400 iter_args(%scan3A_404 = %scan3A_396) -> (i32)  : i32 {
          %mul3A_405 = arith.constant 1 : i32
          %mul3A_406 = arith.muli %scan3A_403, %mul3A_405 : i32
          %add3A_407 = arith.constant 0 : i32
          %add3A_408 = arith.addi %add3A_407, %mul3A_406 : i32
          %mul3A_409 = arith.constant 16 : i32
          %mul3A_410 = arith.muli %add3A_408, %mul3A_409 : i32
          %get3A = arith.index_cast %mul3A_410 : i32 to index
          %get3A_411 = tpu.vector_load %arg8[%get3A] {strides = array<i32>} : memref<784xi32, #tpu.memory_space<vmem>>, vector<16xi32>,
          %mul3A_412 = arith.constant 16 : i32
          %mul3A_413 = arith.muli %add3A_408, %mul3A_412 : i32
          %get3A_414 = arith.index_cast %mul3A_413 : i32 to index
          %get3A_415 = tpu.vector_load %arg7[%get3A_414] {strides = array<i32>} : memref<784xi32, #tpu.memory_space<vmem>>, vector<16xi32>,
          %shift_right_logical3A = arith.constant 7 : i32
          %shift_right_logical3A_416 = vector.broadcast %shift_right_logical3A : i32 to vector<16xi32>
          %shift_right_logical3A_417 = arith.shrui %get3A_411, %shift_right_logical3A_416 : vector<16xi32>
          %ge3A = arith.constant 0 : i32
          %ge3A_418 = vector.broadcast %ge3A : i32 to vector<16xi32>
          %ge3A_419 = arith.cmpi sge, %get3A_411, %ge3A_418 : vector<16xi32>
          %ge3A_420 = vector.broadcast %add3A_390 : i32 to vector<16xi32>
          %ge3A_421 = arith.cmpi sge, %shift_right_logical3A_417, %ge3A_420 : vector<16xi32>
          %and3A_422 = arith.andi %ge3A_419, %ge3A_421 : vector<16xi1>
          %add3A_423 = arith.constant 16 : i32
          %add3A_424 = arith.addi %add3A_390, %add3A_423 : i32
          %lt3A_425 = vector.broadcast %add3A_424 : i32 to vector<16xi32>
          %lt3A_426 = arith.cmpi slt, %shift_right_logical3A_417, %lt3A_425 : vector<16xi32>
          %and3A_427 = arith.andi %and3A_422, %lt3A_426 : vector<16xi1>
          %iota3A_428 = tpu.iota {dimensions = array<i32: 0>} : vector<16xi32>
          %broadcast_in_dim3A_429 = arith.constant -1 : i32
          %broadcast_in_dim3A_430 = vector.broadcast %broadcast_in_dim3A_429 : i32 to vector<16xi32>
          %add3A_431 = arith.constant 16 : i32
          %add3A_432 = vector.broadcast %add3A_431 : i32 to vector<16xi32>
          %add3A_433 = arith.addi %iota3A_428, %add3A_432 : vector<16xi32>
          %select_n3A = arith.select %and3A_427, %iota3A_428, %add3A_433 : vector<16xi1>, vector<16xi32>
          %select_n3A_434 = arith.select %and3A_427, %get3A_411, %broadcast_in_dim3A_430 : vector<16xi1>, vector<16xi32>
          %masked_sort3A = arith.constant dense<true> : vector<16xi1>
          %masked_sort3A_435 = arith.constant -2147483648 : i32
          %masked_sort3A_436 = vector.broadcast %masked_sort3A_435 : i32 to vector<16xi32>
          %masked_sort3A_437 = arith.xori %select_n3A, %masked_sort3A_436 : vector<16xi32>
          %masked_sort3A_438, %masked_sort3A_439, %masked_sort3A_440 = tpu.sort %masked_sort3A_437, %select_n3A_434 masked %masked_sort3A : (vector<16xi32>, vector<16xi32>, vector<16xi1>) -> (vector<16xi1>, vector<16xi32>, vector<16xi32>)
          %masked_sort3A_441 = arith.xori %masked_sort3A_439, %masked_sort3A_436 : vector<16xi32>
          %select_n3A_442 = arith.select %and3A_427, %get3A_415, %broadcast_in_dim3A_430 : vector<16xi1>, vector<16xi32>
          %masked_sort3A_443 = arith.constant dense<true> : vector<16xi1>
          %masked_sort3A_444 = arith.constant -2147483648 : i32
          %masked_sort3A_445 = vector.broadcast %masked_sort3A_444 : i32 to vector<16xi32>
          %masked_sort3A_446 = arith.xori %select_n3A, %masked_sort3A_445 : vector<16xi32>
          %masked_sort3A_447, %masked_sort3A_448, %masked_sort3A_449 = tpu.sort %masked_sort3A_446, %select_n3A_442 masked %masked_sort3A_443 : (vector<16xi32>, vector<16xi32>, vector<16xi1>) -> (vector<16xi1>, vector<16xi32>, vector<16xi32>)
          %masked_sort3A_450 = arith.xori %masked_sort3A_448, %masked_sort3A_445 : vector<16xi32>
          %swap3A = arith.index_cast %scan3A_404 : i32 to index
          %swap3A_451 = tpu.vector_load %arg10[%swap3A] {strides = array<i32>} : memref<112xi32, #tpu.memory_space<vmem>>, vector<16xi32>,
          tpu.vector_store %arg10[%swap3A], %masked_sort3A_440 {strides = array<i32>} : memref<112xi32, #tpu.memory_space<vmem>>, vector<16xi32>,
          %swap3A_452 = arith.index_cast %scan3A_404 : i32 to index
          %swap3A_453 = tpu.vector_load %arg9[%swap3A_452] {strides = array<i32>} : memref<112xi32, #tpu.memory_space<vmem>>, vector<16xi32>,
          tpu.vector_store %arg9[%swap3A_452], %masked_sort3A_449 {strides = array<i32>} : memref<112xi32, #tpu.memory_space<vmem>>, vector<16xi32>,
          %all_reduce_population_count3A = tpu.all_reduce %and3A_427 {dim = 0 : i64, kind = #tpu.reduction_kind<sum>} : vector<16xi1> -> vector<16xi32>
          %slice3A = vector.extract_strided_slice %all_reduce_population_count3A {offsets = [0], sizes = [1], strides = [1]} : vector<16xi32> to vector<1xi32>
          %squeeze3A = vector.extract %slice3A[0] : i32 from vector<1xi32>
          %add3A_454 = arith.addi %scan3A_404, %squeeze3A : i32
          scf.yield %add3A_454 : i32
        }
        %scan3A_402 = arith.constant 49 : i32
      } else {
      }
      %scan3A_370 = arith.constant 0 : i32
      %scan3A_371 = arith.constant 0 : i32
      %scan3A_372 = arith.constant 7 : i32
      %scan3A_373 = arith.addi %scan3A_371, %scan3A_372 : i32
      %scan3A_374 = arith.constant 1 : i32
      %scan3A_375 = scf.for %scan3A_388 = %scan3A_371 to %scan3A_373 step %scan3A_374 iter_args(%scan3A_389 = %scan3A_370) -> (i32)  : i32 {
        %mul3A_390 = arith.constant 1 : i32
        %mul3A_391 = arith.muli %scan3A_388, %mul3A_390 : i32
        %add3A_392 = arith.constant 0 : i32
        %add3A_393 = arith.addi %add3A_392, %mul3A_391 : i32
        %mul3A_394 = arith.constant 16 : i32
        %mul3A_395 = arith.muli %add3A_393, %mul3A_394 : i32
        %get3A = arith.index_cast %mul3A_395 : i32 to index
        %get3A_396 = tpu.vector_load %arg10[%get3A] {strides = array<i32>} : memref<112xi32, #tpu.memory_space<vmem>>, vector<16xi32>,
        %mul3A_397 = arith.constant 16 : i32
        %mul3A_398 = arith.muli %add3A_393, %mul3A_397 : i32
        %get3A_399 = arith.index_cast %mul3A_398 : i32 to index
        %get3A_400 = tpu.vector_load %arg9[%get3A_399] {strides = array<i32>} : memref<112xi32, #tpu.memory_space<vmem>>, vector<16xi32>,
        %shift_right_logical3A = arith.constant 7 : i32
        %shift_right_logical3A_401 = vector.broadcast %shift_right_logical3A : i32 to vector<16xi32>
        %shift_right_logical3A_402 = arith.shrui %get3A_396, %shift_right_logical3A_401 : vector<16xi32>
        %ge3A = arith.constant 0 : i32
        %ge3A_403 = vector.broadcast %ge3A : i32 to vector<16xi32>
        %ge3A_404 = arith.cmpi sge, %get3A_396, %ge3A_403 : vector<16xi32>
        %eq3A_405 = vector.broadcast %add3A_362 : i32 to vector<16xi32>
        %eq3A_406 = arith.cmpi eq, %shift_right_logical3A_402, %eq3A_405 : vector<16xi32>
        %and3A_407 = arith.andi %ge3A_404, %eq3A_406 : vector<16xi1>
        %iota3A_408 = tpu.iota {dimensions = array<i32: 0>} : vector<16xi32>
        %broadcast_in_dim3A_409 = arith.constant -1 : i32
        %broadcast_in_dim3A_410 = vector.broadcast %broadcast_in_dim3A_409 : i32 to vector<16xi32>
        %add3A_411 = arith.constant 16 : i32
        %add3A_412 = vector.broadcast %add3A_411 : i32 to vector<16xi32>
        %add3A_413 = arith.addi %iota3A_408, %add3A_412 : vector<16xi32>
        %select_n3A = arith.select %and3A_407, %iota3A_408, %add3A_413 : vector<16xi1>, vector<16xi32>
        %select_n3A_414 = arith.select %and3A_407, %get3A_396, %broadcast_in_dim3A_410 : vector<16xi1>, vector<16xi32>
        %masked_sort3A = arith.constant dense<true> : vector<16xi1>
        %masked_sort3A_415 = arith.constant -2147483648 : i32
        %masked_sort3A_416 = vector.broadcast %masked_sort3A_415 : i32 to vector<16xi32>
        %masked_sort3A_417 = arith.xori %select_n3A, %masked_sort3A_416 : vector<16xi32>
        %masked_sort3A_418, %masked_sort3A_419, %masked_sort3A_420 = tpu.sort %masked_sort3A_417, %select_n3A_414 masked %masked_sort3A : (vector<16xi32>, vector<16xi32>, vector<16xi1>) -> (vector<16xi1>, vector<16xi32>, vector<16xi32>)
        %masked_sort3A_421 = arith.xori %masked_sort3A_419, %masked_sort3A_416 : vector<16xi32>
        %select_n3A_422 = arith.select %and3A_407, %get3A_400, %broadcast_in_dim3A_410 : vector<16xi1>, vector<16xi32>
        %masked_sort3A_423 = arith.constant dense<true> : vector<16xi1>
        %masked_sort3A_424 = arith.constant -2147483648 : i32
        %masked_sort3A_425 = vector.broadcast %masked_sort3A_424 : i32 to vector<16xi32>
        %masked_sort3A_426 = arith.xori %select_n3A, %masked_sort3A_425 : vector<16xi32>
        %masked_sort3A_427, %masked_sort3A_428, %masked_sort3A_429 = tpu.sort %masked_sort3A_426, %select_n3A_422 masked %masked_sort3A_423 : (vector<16xi32>, vector<16xi32>, vector<16xi1>) -> (vector<16xi1>, vector<16xi32>, vector<16xi32>)
        %masked_sort3A_430 = arith.xori %masked_sort3A_428, %masked_sort3A_425 : vector<16xi32>
        %swap3A = arith.constant 144 : i32
        %swap3A_431 = tpu.memref_slice %arg12[%swap3A] : memref<192xi32, #tpu.memory_space<vmem>> -> memref<48xi32, #tpu.memory_space<vmem>>
        %swap3A_432 = arith.index_cast %scan3A_389 : i32 to index
        %swap3A_433 = tpu.vector_load %swap3A_431[%swap3A_432] {strides = array<i32>} : memref<48xi32, #tpu.memory_space<vmem>>, vector<16xi32>,
        tpu.vector_store %swap3A_431[%swap3A_432], %masked_sort3A_420 {strides = array<i32>} : memref<48xi32, #tpu.memory_space<vmem>>, vector<16xi32>,
        %swap3A_434 = arith.constant 144 : i32
        %swap3A_435 = tpu.memref_slice %arg11[%swap3A_434] : memref<192xi32, #tpu.memory_space<vmem>> -> memref<48xi32, #tpu.memory_space<vmem>>
        %swap3A_436 = arith.index_cast %scan3A_389 : i32 to index
        %swap3A_437 = tpu.vector_load %swap3A_435[%swap3A_436] {strides = array<i32>} : memref<48xi32, #tpu.memory_space<vmem>>, vector<16xi32>,
        tpu.vector_store %swap3A_435[%swap3A_436], %masked_sort3A_429 {strides = array<i32>} : memref<48xi32, #tpu.memory_space<vmem>>, vector<16xi32>,
        %all_reduce_population_count3A = tpu.all_reduce %and3A_407 {dim = 0 : i64, kind = #tpu.reduction_kind<sum>} : vector<16xi1> -> vector<16xi32>
        %slice3A = vector.extract_strided_slice %all_reduce_population_count3A {offsets = [0], sizes = [1], strides = [1]} : vector<16xi32> to vector<1xi32>
        %squeeze3A = vector.extract %slice3A[0] : i32 from vector<1xi32>
        %add3A_438 = arith.addi %scan3A_389, %squeeze3A : i32
        scf.yield %add3A_438 : i32
      }
      %scan3A_376 = arith.constant 7 : i32
      %lt3A_377 = arith.constant 245 : i32
      %lt3A_378 = arith.cmpi slt, %add3A_361, %lt3A_377 : i32
      %lt3A_379 = arith.constant 7813 : i32
      %lt3A_380 = arith.cmpi slt, %add3A_362, %lt3A_379 : i32
      %and3A_381 = arith.andi %lt3A_378, %lt3A_380 : i1
      %gt3A_382 = arith.constant 0 : i32
      %gt3A_383 = arith.cmpi sgt, %scan3A_375, %gt3A_382 : i32
      %and3A_384 = arith.andi %and3A_381, %gt3A_383 : i1
      %convert_element_type3A_385 = arith.extui %and3A_384 : i1 to i32
      %cond3A_386 = arith.constant 0 : i32
      %cond3A_387 = arith.cmpi ne, %convert_element_type3A_385, %cond3A_386 : i32
      scf.if %cond3A_387 {
        %mul3A_388 = arith.constant 128 : i32
        %mul3A_389 = arith.muli %add3A_362, %mul3A_388 : i32
        %multiple_of3A_390 = tpu.assume_multiple %mul3A_389, 128 : i32
        %dma_start3A = arith.constant 0 : i32
        %dma_start3A_391 = tpu.memref_slice %arg2[%dma_start3A, %multiple_of3A_390] : memref<64x1000000xf32, #tpu.memory_space<hbm>> -> memref<64x128xf32, #tpu.memory_space<hbm>>
        %dma_start3A_392 = arith.constant 0 : i32
        %dma_start3A_393 = tpu.memref_slice %arg2[%dma_start3A_392, %multiple_of3A_390] : memref<64x1000000xf32, #tpu.memory_space<hbm>> -> memref<64x128xf32, #tpu.memory_space<hbm>>
        tpu.enqueue_dma source(%dma_start3A_393 : memref<64x128xf32, #tpu.memory_space<hbm>>) target(%arg18 : memref<64x128xf32, #tpu.memory_space<vmem>>) target_semaphore(%arg22 : memref<!tpu.dma_semaphore, #tpu.memory_space<semaphore_mem>>)
      } else {
      }
      scf.yield %while3A_359, %scan3A_186, %scan3A_249, %scan3A_312, %scan3A_375 : i32, i32, i32, i32, i32
    }
    %scan3A_123 = arith.constant 62 : i32
    %mul3A_124 = arith.constant 49152 : i32
    %mul3A_125 = arith.muli %add3A, %mul3A_124 : i32
    %multiple_of3A = tpu.assume_multiple %mul3A_125, 128 : i32
    "tpu.region"() ({
      %run_scoped3A = tpu.sem_alloc : memref<!tpu.dma_semaphore, #tpu.memory_space<semaphore_mem>>
      %dma_start3A = tpu.memref_slice %arg4[%multiple_of3A] : memref<1572864xf32, #tpu.memory_space<hbm>> -> memref<49152xf32, #tpu.memory_space<hbm>>
      %dma_start3A_129 = tpu.memref_slice %arg4[%multiple_of3A] : memref<1572864xf32, #tpu.memory_space<hbm>> -> memref<49152xf32, #tpu.memory_space<hbm>>
      tpu.enqueue_dma source(%arg13 : memref<49152xf32, #tpu.memory_space<vmem>>) target(%dma_start3A_129 : memref<49152xf32, #tpu.memory_space<hbm>>) target_semaphore(%run_scoped3A : memref<!tpu.dma_semaphore, #tpu.memory_space<semaphore_mem>>)
      %dma_wait3A = tpu.memref_slice %arg4[%multiple_of3A] : memref<1572864xf32, #tpu.memory_space<hbm>> -> memref<49152xf32, #tpu.memory_space<hbm>>
      %dma_wait3A_130 = tpu.memref_slice %arg4[%multiple_of3A] : memref<1572864xf32, #tpu.memory_space<hbm>> -> memref<49152xf32, #tpu.memory_space<hbm>>
      tpu.wait_dma2 semaphore(%run_scoped3A : memref<!tpu.dma_semaphore, #tpu.memory_space<semaphore_mem>>) src(%arg13 : memref<49152xf32, #tpu.memory_space<vmem>>) dst(%dma_wait3A_130 : memref<49152xf32, #tpu.memory_space<hbm>>)
      tpu.yield
    }) : () -> ()
    %mul3A_126 = arith.constant 768 : i32
    %mul3A_127 = arith.muli %add3A, %mul3A_126 : i32
    %multiple_of3A_128 = tpu.assume_multiple %mul3A_127, 128 : i32
    "tpu.region"() ({
      %run_scoped3A = tpu.sem_alloc : memref<!tpu.dma_semaphore, #tpu.memory_space<semaphore_mem>>
      %dma_start3A = tpu.memref_slice %arg5[%multiple_of3A_128] : memref<24576xi32, #tpu.memory_space<hbm>> -> memref<768xi32, #tpu.memory_space<hbm>>
      %dma_start3A_129 = tpu.memref_slice %arg5[%multiple_of3A_128] : memref<24576xi32, #tpu.memory_space<hbm>> -> memref<768xi32, #tpu.memory_space<hbm>>
      tpu.enqueue_dma source(%arg14 : memref<768xi32, #tpu.memory_space<vmem>>) target(%dma_start3A_129 : memref<768xi32, #tpu.memory_space<hbm>>) target_semaphore(%run_scoped3A : memref<!tpu.dma_semaphore, #tpu.memory_space<semaphore_mem>>)
      %dma_wait3A = tpu.memref_slice %arg5[%multiple_of3A_128] : memref<24576xi32, #tpu.memory_space<hbm>> -> memref<768xi32, #tpu.memory_space<hbm>>
      %dma_wait3A_130 = tpu.memref_slice %arg5[%multiple_of3A_128] : memref<24576xi32, #tpu.memory_space<hbm>> -> memref<768xi32, #tpu.memory_space<hbm>>
      tpu.wait_dma2 semaphore(%run_scoped3A : memref<!tpu.dma_semaphore, #tpu.memory_space<semaphore_mem>>) src(%arg14 : memref<768xi32, #tpu.memory_space<vmem>>) dst(%dma_wait3A_130 : memref<768xi32, #tpu.memory_space<hbm>>)
      tpu.yield
    }) : () -> ()
    return
  }
}

#map = affine_map<(d0, d1) -> (0, 0)>
#map1 = affine_map<(d0, d1) -> (0)>
module attributes {stable_mosaic.version = 14 : i64} {
  func.func @_scatter_body(%arg0: i32, %arg1: i32, %arg2: memref<24576x64xf32, #tpu.memory_space<hbm>>, %arg3: memref<24576xi32, #tpu.memory_space<hbm>>, %arg4: memref<16384x64xf32, #tpu.memory_space<hbm>>, %arg5: memref<768x64xf32, #tpu.memory_space<vmem>>, %arg6: memref<768xi32, #tpu.memory_space<vmem>>, %arg7: memref<!tpu.dma_semaphore, #tpu.memory_space<semaphore_mem>>) attributes {dimension_semantics = [#tpu.dimension_semantics<core_parallel>, #tpu.dimension_semantics<subcore_parallel>], iteration_bounds = array<i64: 2, 16>, scalar_prefetch = 0 : i64, scratch_operands = 3 : i64, tpu.core_type = #tpu.core_type<sc_vector_subcore>, window_params = [{transform_indices = #map}, {transform_indices = #map1}, {transform_indices = #map}]} {
    %mul3A = arith.constant 2 : i32
    %mul3A_0 = arith.muli %arg1, %mul3A : i32
    %add3A = arith.addi %mul3A_0, %arg0 : i32
    %mul3A_1 = arith.constant 768 : i32
    %mul3A_2 = arith.muli %add3A, %mul3A_1 : i32
    "tpu.region"() ({
      %run_scoped3A = tpu.sem_alloc : memref<!tpu.dma_semaphore, #tpu.memory_space<semaphore_mem>>
      %dma_start3A_10 = arith.constant 0 : i32
      %dma_start3A_11 = tpu.memref_slice %arg2[%mul3A_2, %dma_start3A_10] : memref<24576x64xf32, #tpu.memory_space<hbm>> -> memref<768x64xf32, #tpu.memory_space<hbm>>
      %dma_start3A_12 = arith.constant 0 : i32
      %dma_start3A_13 = tpu.memref_slice %arg2[%mul3A_2, %dma_start3A_12] : memref<24576x64xf32, #tpu.memory_space<hbm>> -> memref<768x64xf32, #tpu.memory_space<hbm>>
      tpu.enqueue_dma source(%dma_start3A_13 : memref<768x64xf32, #tpu.memory_space<hbm>>) target(%arg5 : memref<768x64xf32, #tpu.memory_space<vmem>>) target_semaphore(%run_scoped3A : memref<!tpu.dma_semaphore, #tpu.memory_space<semaphore_mem>>)
      %dma_wait3A_14 = arith.constant 0 : i32
      %dma_wait3A_15 = tpu.memref_slice %arg2[%mul3A_2, %dma_wait3A_14] : memref<24576x64xf32, #tpu.memory_space<hbm>> -> memref<768x64xf32, #tpu.memory_space<hbm>>
      %dma_wait3A_16 = arith.constant 0 : i32
      %dma_wait3A_17 = tpu.memref_slice %arg2[%mul3A_2, %dma_wait3A_16] : memref<24576x64xf32, #tpu.memory_space<hbm>> -> memref<768x64xf32, #tpu.memory_space<hbm>>
      tpu.wait_dma2 semaphore(%run_scoped3A : memref<!tpu.dma_semaphore, #tpu.memory_space<semaphore_mem>>) src(%dma_wait3A_17 : memref<768x64xf32, #tpu.memory_space<hbm>>) dst(%arg5 : memref<768x64xf32, #tpu.memory_space<vmem>>)
      tpu.yield
    }) : () -> ()
    %mul3A_3 = arith.constant 768 : i32
    %mul3A_4 = arith.muli %add3A, %mul3A_3 : i32
    "tpu.region"() ({
      %run_scoped3A = tpu.sem_alloc : memref<!tpu.dma_semaphore, #tpu.memory_space<semaphore_mem>>
      %dma_start3A_10 = tpu.memref_slice %arg3[%mul3A_4] : memref<24576xi32, #tpu.memory_space<hbm>> -> memref<768xi32, #tpu.memory_space<hbm>>
      %dma_start3A_11 = tpu.memref_slice %arg3[%mul3A_4] : memref<24576xi32, #tpu.memory_space<hbm>> -> memref<768xi32, #tpu.memory_space<hbm>>
      tpu.enqueue_dma source(%dma_start3A_11 : memref<768xi32, #tpu.memory_space<hbm>>) target(%arg6 : memref<768xi32, #tpu.memory_space<vmem>>) target_semaphore(%run_scoped3A : memref<!tpu.dma_semaphore, #tpu.memory_space<semaphore_mem>>)
      %dma_wait3A_12 = tpu.memref_slice %arg3[%mul3A_4] : memref<24576xi32, #tpu.memory_space<hbm>> -> memref<768xi32, #tpu.memory_space<hbm>>
      %dma_wait3A_13 = tpu.memref_slice %arg3[%mul3A_4] : memref<24576xi32, #tpu.memory_space<hbm>> -> memref<768xi32, #tpu.memory_space<hbm>>
      tpu.wait_dma2 semaphore(%run_scoped3A : memref<!tpu.dma_semaphore, #tpu.memory_space<semaphore_mem>>) src(%dma_wait3A_13 : memref<768xi32, #tpu.memory_space<hbm>>) dst(%arg6 : memref<768xi32, #tpu.memory_space<vmem>>)
      tpu.yield
    }) : () -> ()
    %dma_start3A = arith.constant 0 : i32
    %dma_start3A_5 = arith.constant 0 : i32
    %dma_start3A_6 = tpu.memref_slice %arg4[%dma_start3A, %dma_start3A_5] : memref<16384x64xf32, #tpu.memory_space<hbm>> -> memref<16384x64xf32, #tpu.memory_space<hbm>>
    %dma_start3A_7 = arith.constant -1 : i32
    tpu.enqueue_indirect_dma source(%arg5 : memref<768x64xf32, #tpu.memory_space<vmem>>) target(%dma_start3A_6 : memref<16384x64xf32, #tpu.memory_space<hbm>>) offsets(%arg6 : memref<768xi32, #tpu.memory_space<vmem>>) offset_filter(%dma_start3A_7) semaphore(%arg7 : memref<!tpu.dma_semaphore, #tpu.memory_space<semaphore_mem>>)
    %dma_wait3A = arith.constant 0 : i32
    %dma_wait3A_8 = arith.constant 0 : i32
    %dma_wait3A_9 = tpu.memref_slice %arg4[%dma_wait3A, %dma_wait3A_8] : memref<16384x64xf32, #tpu.memory_space<hbm>> -> memref<16384x64xf32, #tpu.memory_space<hbm>>
    tpu.wait_indirect_dma semaphore(%arg7 : memref<!tpu.dma_semaphore, #tpu.memory_space<semaphore_mem>>) src(%arg5 : memref<768x64xf32, #tpu.memory_space<vmem>>) dst(%dma_wait3A_9 : memref<16384x64xf32, #tpu.memory_space<hbm>>)
    return
  }
}

</mosaic_0001>

<sc_bundles>
// kernel: kernel.4.cloned.1.call-start
scs
__scs_entry_jumppad:
0x0: {  	(pc) =	sbr.rel $0x88, $3  }
0x1: {  	(tag) =	ssettag $0x0;
	lr =	simm.s32 $0x1  }
0x2: {  	[smem:$0x3F9F] =	sst lr;
	_ =	strace $0xD0000000  }
0x3: {  	_ = 	snop  }
0x4: {  	_ = 	snop  }
0x5: {  	_ = 	snop  }
0x6: {  	_ = 	snop  }
0x7: {  	_ = 	snop  }
__scs_overlays_trampoline_lowered:
0x8: {  	[smem:$0x3FAE] =	sst s0  }
0x9: {  	[smem:$0x3FAF] =	sst s1  }
0xa: {  	[smem:$0x3FB0] =	sst s2  }
0xb: {  	[smem:$0x3FB1] =	sst s3  }
0xc: {  	[smem:$0x3FB2] =	sst s4  }
0xd: {  	[smem:$0x3FB3] =	sst s5  }
0xe: {  	[smem:$0x3FB4] =	sst s6  }
0xf: {  	[smem:$0x3FB5] =	sst s7  }
0x10: {  	[smem:$0x3FB6] =	sst s8  }
0x11: {  	[smem:$0x3FB7] =	sst s9;
	s0 =	simm.s32 @!p0 $0x0  }
0x12: {  	s1 =	sld [smem:$0x3F9D];
	s0 =	simm.s32 @p0 $0x1  }
0x13: {  	[smem:$0x3FB8] =	sst s0;
	s0 =	simm.s32 @!p1 $0x0  }
0x14: {  	s2 =	sld [smem:$0x3F9C];
	s0 =	simm.s32 @p1 $0x1  }
0x15: {  	[smem:$0x3FB9] =	sst s0;
	s0 =	simm.s32 @!p2 $0x0  }
0x16: {  	s3 =	sld [smem:$0x3FDB];
	s0 =	simm.s32 @p2 $0x1  }
0x17: {  	s4 =	simm.s32 $0x1BF5;
	[smem:$0x3FBB] =	sst s0  }
0x18: {  	s0 =	sld [smem:$0x3F9E];
	_ =	swait.ge [sflag:s4], $0x0  }
0x19: {  	s7 =	sld [smem:$0x3F9F]  }
0x1a: {  	s8 =	sadd.s32 $0xFFFFE003, lr  }
0x1b: {  	s9 =	sadd.s32 $0xFFFFFEF7, lr;
	s5 =	simm.s32 $0xFFFFFFFF;
	p2 =	slt.u32 s8, $0xFFFFF086  }
0x1c: {  	p1 =	slt.u32 s9, $0xF7A;
	s5 =	simm.s32 @!p2 $0x0  }
0x1d: {  	s5 =	simm.s32 @p1 $0x1;
	p0 =	seq.s32 s7, s2  }
0x1e: {  	s7 =	smul.u32 @!p0 $0xF7A, s2;
	p2 =	seq.s32 @!p0 s5, $0x0  }
0x1f: {  	s9 =	smul.u32 $0xF7A, s1;
	s8 =	simm.s32 @!p0 $0x1BF5;
	p2 =	por !p2, p0  }
0x20: {  	[sflag:s8] =	ssyncset.s32 @!p0 $0xFFFFF086;
	s6 =	sadd.s32 @!p0 s3, s7;
	s7 =	simm.s32 @!p0 $0x108  }
0x21: {  	s3 =	sadd.s32 s3, s9;
	s6 =	sadd.s32 @!p0 $0x88, s6;
	s7 =	simm.s32 @p2 $0x1082  }
0x22: {  	[simem:s7], [sflag:s8] =	dma.local @!p0 [hbm:s6], $0xF7A  }
0x23: {  	s9 =	sor.u32 $0xD0000000, s2;
	s6 =	simm.s32 $0x108;
	_ =	swait.ge @!p0 [sflag:s8], $0x0  }
0x24: {  	s3 =	sadd.s32 $0x88, s3;
	s6 =	simm.s32 @!p1 $0x1082;
	[sflag:s4] =	ssyncset.s32 $0xFFFFF086  }
0x25: {  	[simem:s6], [sflag:s4] =	dma.local [hbm:s3], $0xF7A  }
0x26: {  	[smem:$0x3F9F] =	sst s1;
	(tag) =	ssettag s2;
	_ =	strace s9  }
0x27: {  	s1 =	sld [smem:$0x3FAF]  }
0x28: {  	s2 =	sld [smem:$0x3FB0]  }
0x29: {  	s4 =	sld [smem:$0x3FB2]  }
0x2a: {  	p0 =	seq.s32 s5, $0x0;
	s5 =	sld [smem:$0x3FB3]  }
0x2b: {  	s6 =	sld [smem:$0x3FB4]  }
0x2c: {  	s7 =	sld [smem:$0x3FB5]  }
0x2d: {  	s3 =	simm.s32 $0x108;
	s8 =	sld [smem:$0x3FB6]  }
0x2e: {  	s3 =	simm.s32 @!p0 $0x1082;
	s9 =	sld [smem:$0x3FB7]  }
0x2f: {  	lr =	sadd.s32 s0, s3;
	s0 =	sld [smem:$0x3FAE]  }
0x30: {  	s3 =	sld [smem:$0x3FB1]  }
0x31: {  	[smem:$0x3FBA] =	sst s10  }
0x32: {  	s10 =	sld [smem:$0x3FB8];
	_ =	sdelay $0x3  }
0x33: {  	p0 =	seq.s32 s10, $0x1;
	s10 =	sld [smem:$0x3FBA];
	_ =	sdelay $0x3  }
0x34: {  	[smem:$0x3FBA] =	sst s10  }
0x35: {  	s10 =	sld [smem:$0x3FB9];
	_ =	sdelay $0x3  }
0x36: {  	p1 =	seq.s32 s10, $0x1;
	s10 =	sld [smem:$0x3FBA];
	_ =	sdelay $0x3  }
0x37: {  	[smem:$0x3FBA] =	sst s10  }
0x38: {  	s10 =	sld [smem:$0x3FBB]  }
0x39: {  	_ = 	snop;
	(pc) =	sbr.ind lr, $3  }
0x3a: {  	_ = 	snop  }
0x3b: {  	_ = 	snop  }
0x3c: {  	p2 =	seq.s32 s10, $0x1;
	s10 =	sld [smem:$0x3FBA]  }
0x3d: {  	_ =	shalt  }
0x3e: {  	_ =	shalt  }
0x3f: {  	_ =	shalt  }
0x40: {  	_ =	shalt  }
0x41: {  	_ =	shalt  }
0x42: {  	_ =	shalt  }
0x43: {  	_ =	shalt  }
0x44: {  	_ =	shalt  }
0x45: {  	_ =	shalt  }
0x46: {  	_ =	shalt  }
0x47: {  	_ =	shalt  }
0x48: {  	_ =	shalt  }
0x49: {  	_ =	shalt  }
0x4a: {  	_ =	shalt  }
0x4b: {  	_ =	shalt  }
0x4c: {  	_ =	shalt  }
0x4d: {  	_ =	shalt  }
0x4e: {  	_ =	shalt  }
0x4f: {  	_ =	shalt  }
0x50: {  	_ =	shalt  }
0x51: {  	_ =	shalt  }
0x52: {  	_ =	shalt  }
0x53: {  	_ =	shalt  }
0x54: {  	_ =	shalt  }
0x55: {  	_ =	shalt  }
0x56: {  	_ =	shalt  }
0x57: {  	_ =	shalt  }
0x58: {  	_ =	shalt  }
0x59: {  	_ =	shalt  }
0x5a: {  	_ =	shalt  }
0x5b: {  	_ =	shalt  }
0x5c: {  	_ =	shalt  }
0x5d: {  	_ =	shalt  }
0x5e: {  	_ =	shalt  }
0x5f: {  	_ =	shalt  }
0x60: {  	_ =	shalt  }
0x61: {  	_ =	shalt  }
0x62: {  	_ =	shalt  }
0x63: {  	_ =	shalt  }
0x64: {  	_ =	shalt  }
0x65: {  	_ =	shalt  }
0x66: {  	_ =	shalt  }
0x67: {  	_ =	shalt  }
0x68: {  	_ =	shalt  }
0x69: {  	_ =	shalt  }
0x6a: {  	_ =	shalt  }
0x6b: {  	_ =	shalt  }
0x6c: {  	_ =	shalt  }
0x6d: {  	_ =	shalt  }
0x6e: {  	_ =	shalt  }
0x6f: {  	_ =	shalt  }
0x70: {  	_ =	shalt  }
0x71: {  	_ =	shalt  }
0x72: {  	_ =	shalt  }
0x73: {  	_ =	shalt  }
0x74: {  	_ =	shalt  }
0x75: {  	_ =	shalt  }
0x76: {  	_ =	shalt  }
0x77: {  	_ =	shalt  }
0x78: {  	_ =	shalt  }
0x79: {  	_ =	shalt  }
0x7a: {  	_ =	shalt  }
0x7b: {  	_ =	shalt  }
0x7c: {  	_ =	shalt  }
0x7d: {  	_ =	shalt  }
0x7e: {  	_ =	shalt  }
0x7f: {  	_ =	shalt  }
0x80: {  	_ =	shalt  }
0x81: {  	_ =	shalt  }
0x82: {  	_ =	shalt  }
0x83: {  	_ =	shalt  }
0x84: {  	_ =	shalt  }
0x85: {  	_ =	shalt  }
0x86: {  	_ =	shalt  }
0x87: {  	_ =	shalt  }
.Lfunc_end0:
.L_simem_size_0:
called_computation_lowered:
.L_overlay_start_0:
0x88: {  	s2 =	sld [smem:$0x3FD9]  }
0x89: {  	s3 =	sld [smem:$0x3FFE];
	_ =	sdelay $0x1  }
0x8a: {  	s1 =	srdreg.scid  }
0x8b: {  	s0 =	sand.u32 $0x1, s1  }
0x8c: {  	s17 =	sshll.u32 s0, $0xA;
	s2 =	sadd.s32 s3, s2  }
0x8d: {  	s2 =	sadd.s32 s2, s17  }
0x8e: {  	[smem:$0x3FC6] =	sst s2  }
0x8f: {  	_ = 	snop  }
0x90: {  	s2 =	sld [smem:$0x3FC9]  }
0x91: {  	s18 =	sld [smem:$0x3FC8];
	(tm) =	ssettm $0x1  }
0x92: {  	s4 =	sld [smem:$0x3FFB];
	_ =	sdelay $0x3  }
0x93: {  	_ =	strace s4  }
0x94: {  	s4 =	sld [smem:$0x3FFC];
	_ =	sdelay $0x3  }
0x95: {  	_ =	strace s4  }
0x96: {  	s4 =	sld [smem:$0x3FFD];
	_ =	sdelay $0x3  }
0x97: {  	_ =	strace s4  }
0x98: {  	_ =	strace $0x8FFFFFFF  }
0x99: {  	s19 =	sld [smem:$0x3FDB];
	_ =	sdelay $0x1  }
0x9a: {  	s5 =	simm.s32 $_scs_section_size  }
0x9b: {  	s6 =	simm.s32 $_size__tile_overlayer_lowered;
	s7 =	simm.s32 $_tile_overlayer_lowered  }
0x9c: {  	s22 =	simm.s32 $0x1BFF;
	s21 =	sshll.u32 s7, $0x1;
	s4 =	sadd.s32 s5, s19  }
0x9d: {  	s8 =	simm.s32 $0x0;
	s20 =	sshll.u32 s6, $0x1;
	s6 =	sadd.s32 s21, s4  }
0x9e: {  	[timem:s8], [sflag:s22] =	dma.local [hbm:s6], s20  }
0x9f: {  	_ =	swait.ge [sflag:s22], s20  }
0xa0: {  	s5 =	ssub.s32 $0x0, s20;
	[sflag:s22] =	ssyncset.done $0x0  }
0xa1: {  	[sflag:s22] =	ssyncadd.s32 s5;
	_ =	sdelay $0x1  }
0xa2: {  	s23 =	simm.s32 $0x1B8B  }
0xa3: {  	_ =	swait.ge [sflag:s23], $0x1  }
0xa4: {  	[sflag:s23] =	ssyncset.done $0x0  }
0xa5: {  	s25 =	simm.s32 $0x1B8E;
	s24 =	sld [smem:$0x3FFE];
	[sflag:s23] =	ssyncadd.s32 $0xFFFFFFFF  }
0xa6: {  	s26 =	simm.s32 $execute0_lowered;
	[smem:$0x3FD2] =	sst s25  }
0xa7: {  	s6 =	sshll.u32 s26, $0x1;
	_ =	strace $0x80000046;
	[dreg:$0x1] =	wrdreg $0xFFFFFFFF  }
0xa8: {  	s28 =	simm.s32 $_size_execute0_lowered;
	s4 =	sadd.s32 s4, s6;
	[dreg:$0x0] =	wrdreg $0x0  }
0xa9: {  	s6 =	sshll.u32 s28, $0x1;
	[dreg:$0x2] =	wrdreg s4  }
0xaa: {  	[dreg:$0x3] =	wrdreg s6  }
0xab: {  	[dreg:$0x4] =	wrdreg $0xC0  }
0xac: {  	_ =	task [dreg:s8], $0x5FFFF  }
0xad: {  	[dreg:$0x1] =	wrdreg $0xFFFFFFFF  }
0xae: {  	[dreg:$0x0] =	wrdreg $0x60  }
0xaf: {  	[dreg:$0x2] =	wrdreg s18  }
0xb0: {  	[dreg:$0x3] =	wrdreg s2  }
0xb1: {  	[dreg:$0x4] =	wrdreg s24  }
0xb2: {  	[dreg:$0x5] =	wrdreg $0x9  }
0xb3: {  	_ =	task.clear_ibuf [dreg:s8], $0x6FFFF;
	_ =	strace $0x90000046  }
0xb4: {  	s29 =	simm.s32 $0x9;
	_ =	strace $0x80000048  }
0xb5: {  	_ =	swait.ge [sflag:s29], $0x1  }
0xb6: {  	[sflag:s29] =	ssyncadd.s32 $0xFFFFFFFF  }
0xb7: {  	_ =	strace $0x90000048  }
0xb8: {  	_ =	sfence  }
0xb9: {  	s30 =	sld [smem:$0x0];
	_ =	sdelay $0x2  }
0xba: {  	s31 =	sshll.u32 s1, $0xD;
	s1 =	sshrl.u32 s1, $0x2  }
0xbb: {  	s3 =	sand.u32 $0x4000, s31;
	s1 =	sadd.s32 s1, s30  }
0xbc: {  	s0 =	sor.u32 s3, s0;
	s1 =	sshll.u32 s1, $0x11  }
0xbd: {  	s0 =	sor.u32 s1, s0  }
0xbe: {  	s0 =	sadd.s32 $0x8F2B, s0  }
0xbf: {  	[sflag:s0] =	ssyncadd.remote.s32 $0x1  }
0xc0: {  	_ =	sfence.sel $0xFFFF  }
0xc1: {  	[dreg:$0x0] =	wrdreg $0xFFFFFFFF;
	(pc) =	sbr.abs _section_cstart, $3  }
0xc2: {  	[dreg:$0x1] =	wrdreg $0xFFFFFFFF  }
0xc3: {  	_ =	task.clear_ibuf [dreg:s8], $0x2FFFF;
	_ =	strace $0x9FFFFFFF  }
0xc4: {  	(tm) =	ssettm $0x7FFFFFFF  }
0xc5: {  	_ =	shalt  }
tec
execute0_lowered:
.L_overlay_start_1:
0x0: {  	(tag) =	ssettag $0x1  }
0x1: {  	s0 =	srdreg.scid;
	s1 =	rddreg [dreg:$0x0]  }
0x2: {  	s2 =	stileid.u32;
	s3 =	rddreg [dreg:$0x2];
	s4 =	simm.s32 $0x0  }
0x3: {  	s16 =	simm.s32 $0x5;
	s17 =	simm.s32 $0x1;
	s18 =	simm.s32 $0x10D00  }
0x4: {  	s19 =	simm.s32 $0x10A00;
	s0 =	sand.u32 $0x1, s0;
	s2 =	sshll.u32 s2, $0x1  }
0x5: {  	s20 =	simm.s32 $0x2;
	s21 =	simm.s32 $0x12D00;
	s2 =	sor.u32 s0, s2  }
0x6: {  	s22 =	simm.s32 $0x3;
	s23 =	simm.s32 $0x14D00;
	s6 =	smul.u32 $0x1800, s2  }
0x7: {  	s24 =	simm.s32 $0x4;
	s28 =	simm.s32 $0x0;
	s7 =	smul.u32 $0x60, s2  }
0x8: {  	[smem:$0x7FF] =	sst s4;
	s0 =	ssub.s32 $0x2, s0;
	s5 =	smul.u32 $0xF5, s2  }
0x9: {  	_ =	strace $0x80000047;
	s8 =	sshrl.u32 s0, $0x1;
	s2 =	smul.u32 $0x7A80, s2  }
0xa: {  	s0 =	ssub.s32 s0, s8;
	s6 =	sadd.s32 s6, s3;
	s3 =	sadd.s32 s7, s3  }
0xb: {  	s25 =	sadd.s32 $0xF5, s5;
	s26 =	sadd.s32 $0x10, s5;
	s2 =	sadd.s32 s1, s2  }
0xc: {  	s29 =	sadd.s32 $0x1, s5;
	s9 =	sadd.s32 $0x2, s5;
	s13 =	sadd.s32 $0x3, s5  }
0xd: {  	s0 =	smax.u32 s0, $0x1;
	[dreg:$0x4] =	wrdreg s2;
	s10 =	sshll.u32 s29, $0x7  }
0xe: {  	s11 =	sshll.u32 s9, $0x7;
	s6 =	sadd.s32 $0xC00, s6;
	[dreg:$0xa] =	wrdreg s0  }
.Ltmp0:
0xf: {  	s3 =	sadd.s32 $0x30C00, s3;
	[dreg:$0x8] =	wrdreg s6;
	(pc) =	sbr.rel .LBB2_1-.Ltmp0, $4  }
0x10: {  	v6 =	vlaneseq.u32;
	s12 =	sshll.u32 s13, $0x7;
	s10 =	sadd.s32 s1, s10;
	[dreg:$0x9] =	wrdreg s3  }
0x11: {  	v7 =	vimm.s32 $0xFFFFFFFF;
	v8 =	vor.u32 $0x80000010, v6;
	v1 =	vmov s25;
	s25 =	simm.s32 $0x16D00;
	s30 =	sadd.s32 s1, s11;
	[dreg:$0x5] =	wrdreg s10  }
0x12: {  	v9 =	vor.u32 $0x80000000, v6;
	v0 =	vmov s5;
	v2 =	vmov s26;
	s31 =	sadd.s32 s1, s12;
	s11 =	sadd.s32 $0x6, s5;
	[dreg:$0x6] =	wrdreg s30  }
0x13: {  	v3 =	vmov s29;
	v4 =	vmov s9;
	v5 =	vmov s13;
	s12 =	sadd.s32 $0x7, s5;
	[dreg:$0x7] =	wrdreg s31;
	s10 =	sadd.s32 $0x5, s5  }
.LBB2_48:
0x14: {  	s4 =	simm.s32 $0x0;
	s0 =	rddreg [dreg:$0x8];
	s2 =	simm.s32 $0x4A00  }
0x15: {  	[hbm4b:s0+s4] =	stream.linear.scatter [tilespmem:s2], [sflag:$0x5], $0xC000, $0x38;
	[tilespmem:$0x18D00] =	vst v63  }
0x16: {  	_ =	swait.ge [sflag:s16], $0xC000  }
0x17: {  	[sflag:s16] =	ssyncset.done $0x0  }
0x18: {  	s30 =	rddreg [dreg:$0x9];
	[sflag:s16] =	ssyncadd.s32 $0xFFFF4000  }
0x19: {  	[hbm4b:s30+s4] =	stream.linear.scatter [tilespmem:s19], [sflag:$0x5], $0x300, $0x38;
	[tilespmem:$0x18D00] =	vst v63  }
0x1a: {  	_ =	swait.ge [sflag:s16], $0x300  }
0x1b: {  	s28 =	sadd.s32 $0x1, s28;
	s31 =	rddreg [dreg:$0xa]  }
0x1c: {  	p0 =	sne.s32 s28, s31  }
.Ltmp1:
0x1d: {  	_ = 	snop;
	(pc) =	sbr.rel @!p0 .LBB2_49-.Ltmp1, $3  }
0x1e: {  	_ =	sdelay $0x1  }
0x1f: {  	[sflag:s16] =	ssyncset.done $0x0  }
0x20: {  	[sflag:s16] =	ssyncadd.s32 $0xFFFFFD00  }
.LBB2_1:
0x21: {  	s0 =	rddreg [dreg:$0x1]  }
0x22: {  	[tilespmem:s4], [sflag:$0x5] =	stream.linear.gather [hbm4b:s0+s4], $0x4000, $0x38;
	[tilespmem:$0x18D00] =	vst v63  }
0x23: {  	_ =	swait.ge [sflag:s16], $0x4000  }
0x24: {  	[sflag:s16] =	ssyncset.done $0x0  }
0x25: {  	[sflag:s16] =	ssyncadd.s32 $0xFFFFC000  }
0x26: {  	[tilespmem:$0x10A00] =	vst v7  }
0x27: {  	[tilespmem:$0x10A10] =	vst v7  }
0x28: {  	[tilespmem:$0x10A20] =	vst v7  }
0x29: {  	[tilespmem:$0x10A30] =	vst v7  }
0x2a: {  	[tilespmem:$0x10A40] =	vst v7  }
0x2b: {  	[tilespmem:$0x10A50] =	vst v7  }
0x2c: {  	[tilespmem:$0x10A60] =	vst v7  }
0x2d: {  	[tilespmem:$0x10A70] =	vst v7  }
0x2e: {  	[tilespmem:$0x10A80] =	vst v7  }
0x2f: {  	[tilespmem:$0x10A90] =	vst v7  }
0x30: {  	[tilespmem:$0x10AA0] =	vst v7  }
0x31: {  	[tilespmem:$0x10AB0] =	vst v7  }
0x32: {  	[tilespmem:$0x10AC0] =	vst v7  }
0x33: {  	[tilespmem:$0x10AD0] =	vst v7  }
0x34: {  	[tilespmem:$0x10AE0] =	vst v7  }
0x35: {  	[tilespmem:$0x10AF0] =	vst v7  }
0x36: {  	[tilespmem:$0x10B00] =	vst v7  }
0x37: {  	[tilespmem:$0x10B10] =	vst v7  }
0x38: {  	[tilespmem:$0x10B20] =	vst v7  }
0x39: {  	[tilespmem:$0x10B30] =	vst v7  }
0x3a: {  	[tilespmem:$0x10B40] =	vst v7  }
0x3b: {  	[tilespmem:$0x10B50] =	vst v7  }
0x3c: {  	[tilespmem:$0x10B60] =	vst v7  }
0x3d: {  	[tilespmem:$0x10B70] =	vst v7  }
0x3e: {  	[tilespmem:$0x10B80] =	vst v7  }
0x3f: {  	[tilespmem:$0x10B90] =	vst v7  }
0x40: {  	[tilespmem:$0x10BA0] =	vst v7  }
0x41: {  	[tilespmem:$0x10BB0] =	vst v7  }
0x42: {  	[tilespmem:$0x10BC0] =	vst v7  }
0x43: {  	[tilespmem:$0x10BD0] =	vst v7  }
0x44: {  	[tilespmem:$0x10BE0] =	vst v7  }
0x45: {  	[tilespmem:$0x10BF0] =	vst v7  }
0x46: {  	[tilespmem:$0x10C00] =	vst v7  }
0x47: {  	[tilespmem:$0x10C10] =	vst v7  }
0x48: {  	[tilespmem:$0x10C20] =	vst v7  }
0x49: {  	[tilespmem:$0x10C30] =	vst v7  }
0x4a: {  	[tilespmem:$0x10C40] =	vst v7  }
0x4b: {  	[tilespmem:$0x10C50] =	vst v7  }
0x4c: {  	[tilespmem:$0x10C60] =	vst v7  }
0x4d: {  	[tilespmem:$0x10C70] =	vst v7  }
0x4e: {  	[tilespmem:$0x10C80] =	vst v7  }
0x4f: {  	[tilespmem:$0x10C90] =	vst v7  }
0x50: {  	[tilespmem:$0x10CA0] =	vst v7  }
0x51: {  	[tilespmem:$0x10CB0] =	vst v7  }
0x52: {  	[tilespmem:$0x10CC0] =	vst v7  }
0x53: {  	[tilespmem:$0x10CD0] =	vst v7  }
0x54: {  	[tilespmem:$0x10CE0] =	vst v7  }
0x55: {  	[tilespmem:$0x10CF0] =	vst v7  }
0x56: {  	[tilespmem:$0x4380] =	vst v7  }
0x57: {  	[tilespmem:$0x4390] =	vst v7  }
0x58: {  	[tilespmem:$0x43A0] =	vst v7  }
0x59: {  	[tilespmem:$0x43B0] =	vst v7  }
0x5a: {  	[tilespmem:$0x43C0] =	vst v7  }
0x5b: {  	[tilespmem:$0x43D0] =	vst v7  }
0x5c: {  	[tilespmem:$0x43E0] =	vst v7  }
0x5d: {  	[tilespmem:$0x43F0] =	vst v7  }
0x5e: {  	[tilespmem:$0x4400] =	vst v7  }
0x5f: {  	[tilespmem:$0x4410] =	vst v7  }
0x60: {  	[tilespmem:$0x4420] =	vst v7  }
0x61: {  	[tilespmem:$0x4430] =	vst v7  }
0x62: {  	[tilespmem:$0x4440] =	vst v7  }
0x63: {  	[tilespmem:$0x4450] =	vst v7  }
0x64: {  	[tilespmem:$0x4460] =	vst v7  }
0x65: {  	[tilespmem:$0x4470] =	vst v7  }
0x66: {  	[tilespmem:$0x4480] =	vst v7  }
0x67: {  	[tilespmem:$0x4490] =	vst v7  }
0x68: {  	[tilespmem:$0x44A0] =	vst v7  }
0x69: {  	[tilespmem:$0x44B0] =	vst v7  }
0x6a: {  	[tilespmem:$0x44C0] =	vst v7  }
0x6b: {  	[tilespmem:$0x44D0] =	vst v7  }
0x6c: {  	[tilespmem:$0x44E0] =	vst v7  }
0x6d: {  	[tilespmem:$0x44F0] =	vst v7  }
0x6e: {  	[tilespmem:$0x4500] =	vst v7  }
0x6f: {  	[tilespmem:$0x4510] =	vst v7  }
0x70: {  	[tilespmem:$0x4520] =	vst v7  }
0x71: {  	[tilespmem:$0x4530] =	vst v7  }
0x72: {  	[tilespmem:$0x4540] =	vst v7  }
0x73: {  	[tilespmem:$0x4550] =	vst v7  }
0x74: {  	[tilespmem:$0x4560] =	vst v7  }
0x75: {  	[tilespmem:$0x4570] =	vst v7  }
0x76: {  	[tilespmem:$0x4580] =	vst v7  }
0x77: {  	[tilespmem:$0x4590] =	vst v7  }
0x78: {  	[tilespmem:$0x45A0] =	vst v7  }
0x79: {  	[tilespmem:$0x45B0] =	vst v7  }
0x7a: {  	[tilespmem:$0x45C0] =	vst v7  }
0x7b: {  	[tilespmem:$0x45D0] =	vst v7  }
0x7c: {  	[tilespmem:$0x45E0] =	vst v7  }
0x7d: {  	[tilespmem:$0x45F0] =	vst v7  }
0x7e: {  	[tilespmem:$0x4600] =	vst v7  }
0x7f: {  	[tilespmem:$0x4610] =	vst v7  }
0x80: {  	[tilespmem:$0x4620] =	vst v7  }
0x81: {  	[tilespmem:$0x4630] =	vst v7  }
0x82: {  	[tilespmem:$0x4640] =	vst v7  }
0x83: {  	[tilespmem:$0x4650] =	vst v7  }
0x84: {  	[tilespmem:$0x4660] =	vst v7  }
0x85: {  	[tilespmem:$0x4670] =	vst v7  }
0x86: {  	[tilespmem:$0x4680] =	vst v7  }
0x87: {  	v10 =	vld [tilespmem:s4+$0x0];
	_ =	sdelay $0x4  }
0x88: {  	v11 =	vshrl.u32 v10, $0x7  }
0x89: {  	vm0 =	vge.u32 v11, v0;
	vm1 =	vlt.u32 v11, v1  }
0x8a: {  	vm0 =	vmand vm0, vm1  }
0x8b: {  	v10 =	vnsel vm0, $0xFFFFFFFF, v10;
	v12 =	vsel vm0, v9, v8  }
0x8c: {  	v11 =	vor.u32 s4, v6;
	(xrf1) =	vsort.ascd.msk.u32 $0xffff, v12, v10;
	v10 =	vmpcnt.ones.xlane vm0  }
0x8d: {  	v11 =	vnsel vm0, $0xFFFFFFFF, v11  }
0x8e: {  	(xrf1) =	vsort.ascd.msk.u32 $0xffff, v12, v11;
	(v2sf) =	vpush v10, $0x0;
	_ =	sdelay $0xc  }
0x8f: {  	s2 =	simm.s32 $0x10;
	_, v11, _ =	vpop (xrf1)  }
0x90: {  	s3 =	simm.s32 $0x20;
	s6 =	simm.s32 $0x0;
	s0 =	simm.s32 $0x0;
	[tilespmem:s4+$0x4380] =	vst v11;
	_, v10, _ =	vpop (xrf1)  }
.LBB2_2:
0x91: {  	p0 =	sne.s32 s3, $0x3FF0;
	[tilespmem:s0+$0x4000] =	vst v10;
	s6 =	sadd.s32 $0x10, s6;
	s7 =	spop (v2sf)  }
0x92: {  	v10 =	vld [tilespmem:s6+$0x0];
	s0 =	sadd.s32 s0, s7;
	_ =	sdelay $0x4  }
0x93: {  	v11 =	vshrl.u32 v10, $0x7  }
0x94: {  	vm0 =	vge.u32 v11, v0;
	vm1 =	vlt.u32 v11, v1  }
0x95: {  	v11 =	vor.u32 s2, v6;
	s2 =	smov.u32 s3;
	vm0 =	vmand vm0, vm1  }
0x96: {  	v10 =	vnsel vm0, $0xFFFFFFFF, v10;
	v12 =	vsel vm0, v9, v8;
	v13 =	vmpcnt.ones.xlane vm0  }
0x97: {  	v11 =	vnsel vm0, $0xFFFFFFFF, v11;
	(xrf1) =	vsort.ascd.msk.u32 $0xffff, v12, v10  }
0x98: {  	(xrf1) =	vsort.ascd.msk.u32 $0xffff, v12, v11;
	(v2sf) =	vpush v13, $0x0;
	_ =	sdelay $0x9  }
.Ltmp2:
0x99: {  	(pc) =	sbr.rel @p0 .LBB2_2-.Ltmp2, $3  }
0x9a: {  	_ =	sdelay $0x1  }
0x9b: {  	_, v10, _ =	vpop (xrf1)  }
0x9c: {  	s3 =	sadd.s32 $0x10, s3;
	[tilespmem:s0+$0x4380] =	vst v10;
	_, v10, _ =	vpop (xrf1)  }
0x9d: {  	[tilespmem:s0+$0x4000] =	vst v10;
	s3 =	sadd.s32 $0x10, s6  }
0x9e: {  	v10 =	vld [tilespmem:s3+$0x0];
	_ =	sdelay $0x4  }
0x9f: {  	v11 =	vshrl.u32 v10, $0x7  }
0xa0: {  	vm0 =	vge.u32 v11, v0;
	vm1 =	vlt.u32 v11, v1  }
0xa1: {  	vm0 =	vmand vm0, vm1  }
0xa2: {  	v11 =	vor.u32 s2, v6;
	v10 =	vnsel vm0, $0xFFFFFFFF, v10;
	v12 =	vsel vm0, v9, v8  }
0xa3: {  	v11 =	vnsel vm0, $0xFFFFFFFF, v11;
	(xrf1) =	vsort.ascd.msk.u32 $0xffff, v12, v10  }
0xa4: {  	(xrf1) =	vsort.ascd.msk.u32 $0xffff, v12, v11;
	_ =	sdelay $0xb  }
0xa5: {  	s26 =	spop (v2sf)  }
0xa6: {  	s29 =	sadd.s32 s0, s26;
	_, v10, _ =	vpop (xrf1)  }
0xa7: {  	[tilespmem:s29+$0x4380] =	vst v10;
	_, v10, _ =	vpop (xrf1)  }
0xa8: {  	[tilespmem:s29+$0x4000] =	vst v10  }
0xa9: {  	[tilespmem:$0x4780] =	vst v7  }
0xaa: {  	[tilespmem:$0x4790] =	vst v7  }
0xab: {  	v13 =	vmpcnt.ones.xlane vm0;
	[tilespmem:$0x47A0] =	vst v7  }
0xac: {  	[tilespmem:$0x47B0] =	vst v7  }
0xad: {  	(v2sf) =	vpush v13, $0x0;
	[tilespmem:$0x47C0] =	vst v7  }
0xae: {  	[tilespmem:$0x47D0] =	vst v7  }
0xaf: {  	s30 =	simm.s32 $0x0;
	[tilespmem:$0x47E0] =	vst v7  }
0xb0: {  	v10 =	vld [tilespmem:s30+$0x4380];
	_ =	sdelay $0x3  }
0xb1: {  	v11 =	vld [tilespmem:s30+$0x4000]  }
0xb2: {  	v62 =	vshrl.u32 v10, $0x7  }
0xb3: {  	vm13 =	vgt.s32 v10, $0xFFFFFFFF;
	vm14 =	vge.u32 v62, v0  }
0xb4: {  	vm15 =	vlt.u32 v62, v2;
	vm0 =	vmand vm13, vm14  }
0xb5: {  	vm0 =	vmand vm15, vm0  }
0xb6: {  	v63 =	vsel vm0, v9, v8;
	v11 =	vnsel vm0, $0xFFFFFFFF, v11  }
0xb7: {  	v10 =	vnsel vm0, $0xFFFFFFFF, v10;
	(xrf1) =	vsort.ascd.msk.u32 $0xffff, v63, v11;
	v11 =	vmpcnt.ones.xlane vm0  }
0xb8: {  	(xrf1) =	vsort.ascd.msk.u32 $0xffff, v63, v10  }
0xb9: {  	s31 =	spop (v2sf);
	(v2sf) =	vpush v11, $0x0;
	_ =	sdelay $0xb  }
0xba: {  	s0 =	simm.s32 $0x0;
	s3 =	simm.s32 $0x80;
	s2 =	simm.s32 $0x40;
	_, v10, _ =	vpop (xrf1)  }
.LBB2_4:
0xbb: {  	p0 =	sne.s32 s3, $0xC00;
	[tilespmem:s0+$0x4700] =	vst v10;
	_, v10, _ =	vpop (xrf1)  }
0xbc: {  	s6 =	sshra.s32 s2, $0x2;
	s2 =	smov.u32 s3;
	[tilespmem:s0+$0x4780] =	vst v10  }
0xbd: {  	v10 =	vld [tilespmem:s6+$0x4380];
	s7 =	spop (v2sf)  }
0xbe: {  	s0 =	sadd.s32 s0, s7;
	_ =	sdelay $0x2  }
0xbf: {  	v11 =	vld [tilespmem:s6+$0x4000]  }
0xc0: {  	v12 =	vshrl.u32 v10, $0x7  }
0xc1: {  	vm0 =	vgt.s32 v10, $0xFFFFFFFF;
	vm1 =	vge.u32 v12, v0  }
0xc2: {  	vm0 =	vmand vm0, vm1;
	vm1 =	vlt.u32 v12, v2  }
0xc3: {  	vm0 =	vmand vm1, vm0  }
0xc4: {  	v10 =	vnsel vm0, $0xFFFFFFFF, v10;
	v12 =	vsel vm0, v9, v8;
	v11 =	vnsel vm0, $0xFFFFFFFF, v11  }
0xc5: {  	v13 =	vmpcnt.ones.xlane vm0;
	(xrf1) =	vsort.ascd.msk.u32 $0xffff, v12, v11  }
0xc6: {  	(xrf1) =	vsort.ascd.msk.u32 $0xffff, v12, v10  }
0xc7: {  	(v2sf) =	vpush v13, $0x0;
	_ =	sdelay $0x7  }
.Ltmp3:
0xc8: {  	(pc) =	sbr.rel @p0 .LBB2_4-.Ltmp3, $2  }
0xc9: {  	_ =	sdelay $0x2  }
0xca: {  	s3 =	sadd.s32 $0x40, s3;
	_, v10, _ =	vpop (xrf1)  }
0xcb: {  	[tilespmem:s0+$0x4700] =	vst v10;
	_, v10, _ =	vpop (xrf1)  }
0xcc: {  	s2 =	sshra.s32 s2, $0x2;
	[tilespmem:s0+$0x4780] =	vst v10  }
0xcd: {  	v10 =	vld [tilespmem:s2+$0x4380];
	_ =	sdelay $0x3  }
0xce: {  	v11 =	vld [tilespmem:s2+$0x4000]  }
0xcf: {  	v12 =	vshrl.u32 v10, $0x7  }
0xd0: {  	vm0 =	vgt.s32 v10, $0xFFFFFFFF;
	vm1 =	vge.u32 v12, v0  }
0xd1: {  	vm11 =	vlt.u32 v12, v2;
	vm0 =	vmand vm0, vm1  }
0xd2: {  	vm0 =	vmand vm11, vm0  }
0xd3: {  	v34 =	vsel vm0, v9, v8;
	v11 =	vnsel vm0, $0xFFFFFFFF, v11  }
0xd4: {  	v10 =	vnsel vm0, $0xFFFFFFFF, v10;
	(xrf1) =	vsort.ascd.msk.u32 $0xffff, v34, v11  }
0xd5: {  	(xrf1) =	vsort.ascd.msk.u32 $0xffff, v34, v10;
	_ =	sdelay $0xb  }
0xd6: {  	s26 =	spop (v2sf)  }
0xd7: {  	s3 =	sadd.s32 s0, s26;
	_, v10, _ =	vpop (xrf1)  }
0xd8: {  	[tilespmem:s3+$0x4700] =	vst v10;
	_, v10, _ =	vpop (xrf1)  }
0xd9: {  	[tilespmem:s3+$0x4780] =	vst v10  }
0xda: {  	v10 =	vld [tilespmem:$0x4780]  }
0xdb: {  	v11 =	vld [tilespmem:$0x4790];
	_ =	sdelay $0x2  }
0xdc: {  	v35 =	vld [tilespmem:$0x4700]  }
0xdd: {  	v36 =	vmpcnt.ones.xlane vm0;
	v13 =	vshrl.u32 v10, $0x7  }
0xde: {  	v14 =	vld [tilespmem:$0x4710];
	vm12 =	vgt.s32 v10, $0xFFFFFFFF;
	v16 =	vshrl.u32 v11, $0x7;
	vm2 =	veq.s32 v13, v0  }
0xdf: {  	vm15 =	vgt.s32 v11, $0xFFFFFFFF;
	vm14 =	veq.s32 v16, v0;
	vm13 =	vmand vm12, vm2  }
0xe0: {  	v10 =	vnsel vm13, $0xFFFFFFFF, v10;
	v15 =	vsel vm13, v9, v8;
	v37 =	vmpcnt.ones.xlane vm13  }
0xe1: {  	(v2sf) =	vpush v36, $0x0;
	vm4 =	vmand vm15, vm14;
	(xrf1) =	vsort.ascd.msk.u32 $0xffff, v15, v10;
	v10 =	vnsel vm13, $0xFFFFFFFF, v35  }
0xe2: {  	(xrf1) =	vsort.ascd.msk.u32 $0xffff, v15, v10;
	(v2sf) =	vpush v37, $0x0;
	v10 =	vnsel vm4, $0xFFFFFFFF, v11;
	v11 =	vsel vm4, v9, v8  }
0xe3: {  	(xrf1) =	vsort.ascd.msk.u32 $0xffff, v11, v10;
	v10 =	vnsel vm4, $0xFFFFFFFF, v14  }
0xe4: {  	(xrf1) =	vsort.ascd.msk.u32 $0xffff, v11, v10;
	_ =	sdelay $0xa  }
0xe5: {  	_, v10, _ =	vpop (xrf1)  }
0xe6: {  	s4 =	spop (v2sf);
	_, v11, _ =	vpop (xrf1);
	[tilespmem:$0x4900] =	vst v10  }
0xe7: {  	[tilespmem:$0x4800] =	vst v11;
	s0 =	spop (v2sf);
	_, v10, _ =	vpop (xrf1)  }
0xe8: {  	_, v11, _ =	vpop (xrf1);
	[tilespmem:s0+$0x4900] =	vst v10  }
0xe9: {  	[tilespmem:s0+$0x4800] =	vst v11  }
0xea: {  	v10 =	vld [tilespmem:$0x47A0];
	_ =	sdelay $0x3  }
0xeb: {  	v11 =	vld [tilespmem:$0x4720]  }
0xec: {  	v38 =	vmpcnt.ones.xlane vm4;
	v39 =	vshrl.u32 v10, $0x7  }
0xed: {  	vm5 =	vgt.s32 v10, $0xFFFFFFFF;
	vm6 =	veq.s32 v39, v0  }
0xee: {  	(v2sf) =	vpush v38, $0x0;
	vm0 =	vmand vm5, vm6  }
0xef: {  	v10 =	vnsel vm0, $0xFFFFFFFF, v10;
	v40 =	vsel vm0, v9, v8  }
0xf0: {  	(xrf1) =	vsort.ascd.msk.u32 $0xffff, v40, v10;
	v10 =	vnsel vm0, $0xFFFFFFFF, v11  }
0xf1: {  	(xrf1) =	vsort.ascd.msk.u32 $0xffff, v40, v10;
	_ =	sdelay $0xb  }
0xf2: {  	s6 =	spop (v2sf)  }
0xf3: {  	s0 =	sadd.s32 s0, s6;
	_, v10, _ =	vpop (xrf1)  }
0xf4: {  	_, v11, _ =	vpop (xrf1);
	[tilespmem:s0+$0x4900] =	vst v10  }
0xf5: {  	[tilespmem:s0+$0x4800] =	vst v11  }
0xf6: {  	v10 =	vld [tilespmem:$0x47B0];
	_ =	sdelay $0x3  }
0xf7: {  	v11 =	vld [tilespmem:$0x4730]  }
0xf8: {  	v41 =	vmpcnt.ones.xlane vm0;
	v42 =	vshrl.u32 v10, $0x7  }
0xf9: {  	vm7 =	vgt.s32 v10, $0xFFFFFFFF;
	vm8 =	veq.s32 v42, v0  }
0xfa: {  	(v2sf) =	vpush v41, $0x0;
	vm0 =	vmand vm7, vm8  }
0xfb: {  	v10 =	vnsel vm0, $0xFFFFFFFF, v10;
	v43 =	vsel vm0, v9, v8  }
0xfc: {  	(xrf1) =	vsort.ascd.msk.u32 $0xffff, v43, v10;
	v10 =	vnsel vm0, $0xFFFFFFFF, v11  }
0xfd: {  	(xrf1) =	vsort.ascd.msk.u32 $0xffff, v43, v10;
	_ =	sdelay $0xb  }
0xfe: {  	s7 =	spop (v2sf)  }
0xff: {  	s0 =	sadd.s32 s0, s7;
	_, v10, _ =	vpop (xrf1)  }
0x100: {  	_, v11, _ =	vpop (xrf1);
	[tilespmem:s0+$0x4900] =	vst v10  }
0x101: {  	[tilespmem:s0+$0x4800] =	vst v11  }
0x102: {  	v10 =	vld [tilespmem:$0x47C0];
	_ =	sdelay $0x3  }
0x103: {  	v11 =	vld [tilespmem:$0x4740]  }
0x104: {  	v44 =	vmpcnt.ones.xlane vm0;
	v45 =	vshrl.u32 v10, $0x7  }
0x105: {  	vm9 =	vgt.s32 v10, $0xFFFFFFFF;
	vm10 =	veq.s32 v45, v0  }
0x106: {  	(v2sf) =	vpush v44, $0x0;
	vm0 =	vmand vm9, vm10  }
0x107: {  	v10 =	vnsel vm0, $0xFFFFFFFF, v10;
	v46 =	vsel vm0, v9, v8  }
0x108: {  	(xrf1) =	vsort.ascd.msk.u32 $0xffff, v46, v10;
	v10 =	vnsel vm0, $0xFFFFFFFF, v11  }
0x109: {  	(xrf1) =	vsort.ascd.msk.u32 $0xffff, v46, v10;
	_ =	sdelay $0xb  }
0x10a: {  	s8 =	spop (v2sf)  }
0x10b: {  	s0 =	sadd.s32 s0, s8;
	_, v10, _ =	vpop (xrf1)  }
0x10c: {  	_, v11, _ =	vpop (xrf1);
	[tilespmem:s0+$0x4900] =	vst v10  }
0x10d: {  	[tilespmem:s0+$0x4800] =	vst v11  }
0x10e: {  	v10 =	vld [tilespmem:$0x47D0];
	_ =	sdelay $0x3  }
0x10f: {  	v11 =	vld [tilespmem:$0x4750]  }
0x110: {  	v47 =	vmpcnt.ones.xlane vm0;
	v48 =	vshrl.u32 v10, $0x7  }
0x111: {  	vm11 =	vgt.s32 v10, $0xFFFFFFFF;
	vm12 =	veq.s32 v48, v0  }
0x112: {  	(v2sf) =	vpush v47, $0x0;
	vm0 =	vmand vm11, vm12  }
0x113: {  	v10 =	vnsel vm0, $0xFFFFFFFF, v10;
	v49 =	vsel vm0, v9, v8  }
0x114: {  	(xrf1) =	vsort.ascd.msk.u32 $0xffff, v49, v10;
	v10 =	vnsel vm0, $0xFFFFFFFF, v11  }
0x115: {  	(xrf1) =	vsort.ascd.msk.u32 $0xffff, v49, v10;
	_ =	sdelay $0xb  }
0x116: {  	s9 =	spop (v2sf)  }
0x117: {  	s0 =	sadd.s32 s0, s9;
	_, v10, _ =	vpop (xrf1)  }
0x118: {  	_, v11, _ =	vpop (xrf1);
	[tilespmem:s0+$0x4900] =	vst v10  }
0x119: {  	[tilespmem:s0+$0x4800] =	vst v11  }
0x11a: {  	v10 =	vld [tilespmem:$0x47E0];
	_ =	sdelay $0x4  }
0x11b: {  	v11 =	vshrl.u32 v10, $0x7  }
0x11c: {  	vm13 =	vgt.s32 v10, $0xFFFFFFFF;
	vm14 =	veq.s32 v11, v0  }
0x11d: {  	v50 =	vld [tilespmem:$0x4760];
	v11 =	vmpcnt.ones.xlane vm0;
	vm15 =	vmand vm13, vm14  }
0x11e: {  	v51 =	vmpcnt.ones.xlane vm15  }
0x11f: {  	(v2sf) =	vpush v11, $0x0  }
0x120: {  	(v2sf) =	vpush v51, $0x0  }
0x121: {  	v10 =	vnsel vm15, $0xFFFFFFFF, v10;
	v11 =	vsel vm15, v9, v8  }
0x122: {  	(xrf1) =	vsort.ascd.msk.u32 $0xffff, v11, v10;
	v10 =	vnsel vm15, $0xFFFFFFFF, v50  }
0x123: {  	(xrf1) =	vsort.ascd.msk.u32 $0xffff, v11, v10;
	_ =	sdelay $0xa  }
0x124: {  	s13 =	spop (v2sf)  }
0x125: {  	s0 =	sadd.s32 s0, s13;
	s14 =	spop (v2sf)  }
0x126: {  	_, v10, _ =	vpop (xrf1);
	s29 =	sadd.s32 s0, s14  }
0x127: {  	s4 =	rddreg [dreg:$0x4];
	_, v11, _ =	vpop (xrf1);
	[tilespmem:s0+$0x4900] =	vst v10;
	p0 =	slt.s32 s29, $0x1  }
0x128: {  	[tilespmem:s0+$0x4800] =	vst v11;
	s0 =	simm.s32 @!p0 $0x400;
	s2 =	simm.s32 @!p0 $0x7A1400;
	s3 =	simm.s32 @!p0 $0x10D00  }
0x129: {  	[tilespmem:s3], [sflag:$0x1] =	stream.strided.gather @!p0 [hbm4b:s4+s0], $0x2000, s2, s0, $0x38;
	[tilespmem:$0x18D00] =	vst v63  }
0x12a: {  	v10 =	vld [tilespmem:$0x4780]  }
0x12b: {  	v11 =	vld [tilespmem:$0x4790];
	_ =	sdelay $0x2  }
0x12c: {  	v52 =	vld [tilespmem:$0x4700]  }
0x12d: {  	v53 =	vshrl.u32 v10, $0x7  }
0x12e: {  	v54 =	vld [tilespmem:$0x4710];
	vm4 =	vgt.s32 v10, $0xFFFFFFFF;
	v56 =	vshrl.u32 v11, $0x7;
	vm5 =	veq.s32 v53, v3  }
0x12f: {  	vm7 =	vgt.s32 v11, $0xFFFFFFFF;
	vm6 =	veq.s32 v56, v3;
	vm0 =	vmand vm4, vm5  }
0x130: {  	v10 =	vnsel vm0, $0xFFFFFFFF, v10;
	v55 =	vsel vm0, v9, v8;
	v57 =	vmpcnt.ones.xlane vm0  }
0x131: {  	vm8 =	vmand vm7, vm6;
	(xrf1) =	vsort.ascd.msk.u32 $0xffff, v55, v10;
	v10 =	vnsel vm0, $0xFFFFFFFF, v52  }
0x132: {  	(xrf1) =	vsort.ascd.msk.u32 $0xffff, v55, v10;
	(v2sf) =	vpush v57, $0x0;
	v10 =	vnsel vm8, $0xFFFFFFFF, v11;
	v11 =	vsel vm8, v9, v8  }
0x133: {  	(xrf1) =	vsort.ascd.msk.u32 $0xffff, v11, v10;
	v10 =	vnsel vm8, $0xFFFFFFFF, v54  }
0x134: {  	(xrf1) =	vsort.ascd.msk.u32 $0xffff, v11, v10;
	_ =	sdelay $0xa  }
0x135: {  	_, v10, _ =	vpop (xrf1)  }
0x136: {  	_, v11, _ =	vpop (xrf1);
	[tilespmem:$0x4930] =	vst v10  }
0x137: {  	[tilespmem:$0x4830] =	vst v11;
	s15 =	spop (v2sf);
	_, v10, _ =	vpop (xrf1)  }
0x138: {  	_, v11, _ =	vpop (xrf1);
	[tilespmem:s15+$0x4930] =	vst v10  }
0x139: {  	[tilespmem:s15+$0x4830] =	vst v11  }
0x13a: {  	v10 =	vld [tilespmem:$0x47A0];
	_ =	sdelay $0x3  }
0x13b: {  	v11 =	vld [tilespmem:$0x4720]  }
0x13c: {  	v58 =	vmpcnt.ones.xlane vm8;
	v59 =	vshrl.u32 v10, $0x7  }
0x13d: {  	vm9 =	vgt.s32 v10, $0xFFFFFFFF;
	vm10 =	veq.s32 v59, v3  }
0x13e: {  	(v2sf) =	vpush v58, $0x0;
	vm0 =	vmand vm9, vm10  }
0x13f: {  	v10 =	vnsel vm0, $0xFFFFFFFF, v10;
	v60 =	vsel vm0, v9, v8  }
0x140: {  	(xrf1) =	vsort.ascd.msk.u32 $0xffff, v60, v10;
	v10 =	vnsel vm0, $0xFFFFFFFF, v11  }
0x141: {  	(xrf1) =	vsort.ascd.msk.u32 $0xffff, v60, v10;
	_ =	sdelay $0xb  }
0x142: {  	s26 =	spop (v2sf)  }
0x143: {  	s0 =	sadd.s32 s15, s26;
	_, v10, _ =	vpop (xrf1)  }
0x144: {  	_, v11, _ =	vpop (xrf1);
	[tilespmem:s0+$0x4930] =	vst v10  }
0x145: {  	[tilespmem:s0+$0x4830] =	vst v11  }
0x146: {  	v10 =	vld [tilespmem:$0x47B0];
	_ =	sdelay $0x3  }
0x147: {  	v11 =	vld [tilespmem:$0x4730]  }
0x148: {  	v61 =	vmpcnt.ones.xlane vm0;
	v62 =	vshrl.u32 v10, $0x7  }
0x149: {  	vm11 =	vgt.s32 v10, $0xFFFFFFFF;
	vm12 =	veq.s32 v62, v3  }
0x14a: {  	(v2sf) =	vpush v61, $0x0;
	vm0 =	vmand vm11, vm12  }
0x14b: {  	v10 =	vnsel vm0, $0xFFFFFFFF, v10;
	v63 =	vsel vm0, v9, v8  }
0x14c: {  	(xrf1) =	vsort.ascd.msk.u32 $0xffff, v63, v10;
	v10 =	vnsel vm0, $0xFFFFFFFF, v11  }
0x14d: {  	(xrf1) =	vsort.ascd.msk.u32 $0xffff, v63, v10;
	_ =	sdelay $0xb  }
0x14e: {  	s3 =	spop (v2sf)  }
0x14f: {  	s0 =	sadd.s32 s0, s3;
	_, v10, _ =	vpop (xrf1)  }
0x150: {  	_, v11, _ =	vpop (xrf1);
	[tilespmem:s0+$0x4930] =	vst v10  }
0x151: {  	[tilespmem:s0+$0x4830] =	vst v11  }
0x152: {  	v10 =	vld [tilespmem:$0x47C0];
	_ =	sdelay $0x3  }
0x153: {  	v11 =	vld [tilespmem:$0x4740]  }
0x154: {  	v16 =	vmpcnt.ones.xlane vm0;
	v17 =	vshrl.u32 v10, $0x7  }
0x155: {  	vm13 =	vgt.s32 v10, $0xFFFFFFFF;
	vm14 =	veq.s32 v17, v3  }
0x156: {  	(v2sf) =	vpush v16, $0x0;
	vm0 =	vmand vm13, vm14  }
0x157: {  	v10 =	vnsel vm0, $0xFFFFFFFF, v10;
	v18 =	vsel vm0, v9, v8  }
0x158: {  	(xrf1) =	vsort.ascd.msk.u32 $0xffff, v18, v10;
	v10 =	vnsel vm0, $0xFFFFFFFF, v11  }
0x159: {  	(xrf1) =	vsort.ascd.msk.u32 $0xffff, v18, v10;
	_ =	sdelay $0xb  }
0x15a: {  	s4 =	spop (v2sf)  }
0x15b: {  	s0 =	sadd.s32 s0, s4;
	_, v10, _ =	vpop (xrf1)  }
0x15c: {  	_, v11, _ =	vpop (xrf1);
	[tilespmem:s0+$0x4930] =	vst v10  }
0x15d: {  	[tilespmem:s0+$0x4830] =	vst v11  }
0x15e: {  	v10 =	vld [tilespmem:$0x47D0];
	_ =	sdelay $0x3  }
0x15f: {  	v11 =	vld [tilespmem:$0x4750]  }
0x160: {  	v19 =	vmpcnt.ones.xlane vm0;
	v20 =	vshrl.u32 v10, $0x7  }
0x161: {  	vm15 =	vgt.s32 v10, $0xFFFFFFFF;
	vm4 =	veq.s32 v20, v3  }
0x162: {  	(v2sf) =	vpush v19, $0x0;
	vm0 =	vmand vm15, vm4  }
0x163: {  	v10 =	vnsel vm0, $0xFFFFFFFF, v10;
	v21 =	vsel vm0, v9, v8  }
0x164: {  	(xrf1) =	vsort.ascd.msk.u32 $0xffff, v21, v10;
	v10 =	vnsel vm0, $0xFFFFFFFF, v11  }
0x165: {  	(xrf1) =	vsort.ascd.msk.u32 $0xffff, v21, v10;
	_ =	sdelay $0xb  }
0x166: {  	s6 =	spop (v2sf)  }
0x167: {  	s0 =	sadd.s32 s0, s6;
	_, v10, _ =	vpop (xrf1)  }
0x168: {  	_, v11, _ =	vpop (xrf1);
	[tilespmem:s0+$0x4930] =	vst v10  }
0x169: {  	[tilespmem:s0+$0x4830] =	vst v11  }
0x16a: {  	v10 =	vld [tilespmem:$0x47E0];
	_ =	sdelay $0x4  }
0x16b: {  	v11 =	vshrl.u32 v10, $0x7  }
0x16c: {  	vm5 =	vgt.s32 v10, $0xFFFFFFFF;
	vm6 =	veq.s32 v11, v3  }
0x16d: {  	v22 =	vld [tilespmem:$0x4760];
	v11 =	vmpcnt.ones.xlane vm0;
	vm7 =	vmand vm5, vm6  }
0x16e: {  	v23 =	vmpcnt.ones.xlane vm7  }
0x16f: {  	(v2sf) =	vpush v11, $0x0  }
0x170: {  	(v2sf) =	vpush v23, $0x0  }
0x171: {  	v10 =	vnsel vm7, $0xFFFFFFFF, v10;
	v11 =	vsel vm7, v9, v8  }
0x172: {  	(xrf1) =	vsort.ascd.msk.u32 $0xffff, v11, v10;
	v10 =	vnsel vm7, $0xFFFFFFFF, v22  }
0x173: {  	(xrf1) =	vsort.ascd.msk.u32 $0xffff, v11, v10;
	_ =	sdelay $0xa  }
0x174: {  	s7 =	spop (v2sf)  }
0x175: {  	s0 =	sadd.s32 s0, s7;
	s8 =	spop (v2sf)  }
0x176: {  	_, v10, _ =	vpop (xrf1);
	s2 =	sadd.s32 s0, s8  }
0x177: {  	s4 =	rddreg [dreg:$0x5];
	_, v11, _ =	vpop (xrf1);
	[tilespmem:s0+$0x4930] =	vst v10;
	p0 =	slt.s32 s2, $0x1  }
0x178: {  	[tilespmem:s0+$0x4830] =	vst v11;
	s0 =	simm.s32 @!p0 $0x400;
	s3 =	simm.s32 @!p0 $0x7A1400;
	s6 =	simm.s32 @!p0 $0x12D00  }
0x179: {  	[tilespmem:s6], [sflag:$0x2] =	stream.strided.gather @!p0 [hbm4b:s4+s0], $0x2000, s3, s0, $0x38;
	[tilespmem:$0x18D00] =	vst v63  }
0x17a: {  	v10 =	vld [tilespmem:$0x4780]  }
0x17b: {  	v11 =	vld [tilespmem:$0x4790];
	_ =	sdelay $0x2  }
0x17c: {  	v24 =	vld [tilespmem:$0x4700]  }
0x17d: {  	v25 =	vshrl.u32 v10, $0x7  }
0x17e: {  	v26 =	vld [tilespmem:$0x4710];
	vm8 =	vgt.s32 v10, $0xFFFFFFFF;
	v28 =	vshrl.u32 v11, $0x7;
	vm9 =	veq.s32 v25, v4  }
0x17f: {  	vm11 =	vgt.s32 v11, $0xFFFFFFFF;
	vm10 =	veq.s32 v28, v4;
	vm0 =	vmand vm8, vm9  }
0x180: {  	v10 =	vnsel vm0, $0xFFFFFFFF, v10;
	v27 =	vsel vm0, v9, v8;
	v29 =	vmpcnt.ones.xlane vm0  }
0x181: {  	vm12 =	vmand vm11, vm10;
	(xrf1) =	vsort.ascd.msk.u32 $0xffff, v27, v10;
	v10 =	vnsel vm0, $0xFFFFFFFF, v24  }
0x182: {  	(xrf1) =	vsort.ascd.msk.u32 $0xffff, v27, v10;
	(v2sf) =	vpush v29, $0x0;
	v10 =	vnsel vm12, $0xFFFFFFFF, v11;
	v11 =	vsel vm12, v9, v8  }
0x183: {  	(xrf1) =	vsort.ascd.msk.u32 $0xffff, v11, v10;
	v10 =	vnsel vm12, $0xFFFFFFFF, v26  }
0x184: {  	(xrf1) =	vsort.ascd.msk.u32 $0xffff, v11, v10;
	_ =	sdelay $0xa  }
0x185: {  	_, v10, _ =	vpop (xrf1)  }
0x186: {  	_, v11, _ =	vpop (xrf1);
	[tilespmem:$0x4960] =	vst v10  }
0x187: {  	[tilespmem:$0x4860] =	vst v11;
	s9 =	spop (v2sf);
	_, v10, _ =	vpop (xrf1)  }
0x188: {  	_, v11, _ =	vpop (xrf1);
	[tilespmem:s9+$0x4960] =	vst v10  }
0x189: {  	[tilespmem:s9+$0x4860] =	vst v11  }
0x18a: {  	v10 =	vld [tilespmem:$0x47A0];
	_ =	sdelay $0x3  }
0x18b: {  	v11 =	vld [tilespmem:$0x4720]  }
0x18c: {  	v30 =	vmpcnt.ones.xlane vm12;
	v31 =	vshrl.u32 v10, $0x7  }
0x18d: {  	vm13 =	vgt.s32 v10, $0xFFFFFFFF;
	vm14 =	veq.s32 v31, v4  }
0x18e: {  	(v2sf) =	vpush v30, $0x0;
	vm0 =	vmand vm13, vm14  }
0x18f: {  	v10 =	vnsel vm0, $0xFFFFFFFF, v10;
	v32 =	vsel vm0, v9, v8  }
0x190: {  	(xrf1) =	vsort.ascd.msk.u32 $0xffff, v32, v10;
	v10 =	vnsel vm0, $0xFFFFFFFF, v11  }
0x191: {  	(xrf1) =	vsort.ascd.msk.u32 $0xffff, v32, v10;
	_ =	sdelay $0xb  }
0x192: {  	s13 =	spop (v2sf)  }
0x193: {  	s0 =	sadd.s32 s9, s13;
	_, v10, _ =	vpop (xrf1)  }
0x194: {  	_, v11, _ =	vpop (xrf1);
	[tilespmem:s0+$0x4960] =	vst v10  }
0x195: {  	[tilespmem:s0+$0x4860] =	vst v11  }
0x196: {  	v10 =	vld [tilespmem:$0x47B0];
	_ =	sdelay $0x3  }
0x197: {  	v11 =	vld [tilespmem:$0x4730]  }
0x198: {  	v33 =	vmpcnt.ones.xlane vm0;
	v34 =	vshrl.u32 v10, $0x7  }
0x199: {  	vm15 =	vgt.s32 v10, $0xFFFFFFFF;
	vm4 =	veq.s32 v34, v4  }
0x19a: {  	(v2sf) =	vpush v33, $0x0;
	vm0 =	vmand vm15, vm4  }
0x19b: {  	v10 =	vnsel vm0, $0xFFFFFFFF, v10;
	v35 =	vsel vm0, v9, v8  }
0x19c: {  	(xrf1) =	vsort.ascd.msk.u32 $0xffff, v35, v10;
	v10 =	vnsel vm0, $0xFFFFFFFF, v11  }
0x19d: {  	(xrf1) =	vsort.ascd.msk.u32 $0xffff, v35, v10;
	_ =	sdelay $0xb  }
0x19e: {  	s14 =	spop (v2sf)  }
0x19f: {  	s0 =	sadd.s32 s0, s14;
	_, v10, _ =	vpop (xrf1)  }
0x1a0: {  	_, v11, _ =	vpop (xrf1);
	[tilespmem:s0+$0x4960] =	vst v10  }
0x1a1: {  	[tilespmem:s0+$0x4860] =	vst v11  }
0x1a2: {  	v10 =	vld [tilespmem:$0x47C0];
	_ =	sdelay $0x3  }
0x1a3: {  	v11 =	vld [tilespmem:$0x4740]  }
0x1a4: {  	v36 =	vmpcnt.ones.xlane vm0;
	v37 =	vshrl.u32 v10, $0x7  }
0x1a5: {  	vm5 =	vgt.s32 v10, $0xFFFFFFFF;
	vm6 =	veq.s32 v37, v4  }
0x1a6: {  	(v2sf) =	vpush v36, $0x0;
	vm0 =	vmand vm5, vm6  }
0x1a7: {  	v10 =	vnsel vm0, $0xFFFFFFFF, v10;
	v38 =	vsel vm0, v9, v8  }
0x1a8: {  	(xrf1) =	vsort.ascd.msk.u32 $0xffff, v38, v10;
	v10 =	vnsel vm0, $0xFFFFFFFF, v11  }
0x1a9: {  	(xrf1) =	vsort.ascd.msk.u32 $0xffff, v38, v10;
	_ =	sdelay $0xb  }
0x1aa: {  	s15 =	spop (v2sf)  }
0x1ab: {  	s0 =	sadd.s32 s0, s15;
	_, v10, _ =	vpop (xrf1)  }
0x1ac: {  	_, v11, _ =	vpop (xrf1);
	[tilespmem:s0+$0x4960] =	vst v10  }
0x1ad: {  	[tilespmem:s0+$0x4860] =	vst v11  }
0x1ae: {  	v10 =	vld [tilespmem:$0x47D0];
	_ =	sdelay $0x3  }
0x1af: {  	v11 =	vld [tilespmem:$0x4750]  }
0x1b0: {  	v39 =	vmpcnt.ones.xlane vm0;
	v40 =	vshrl.u32 v10, $0x7  }
0x1b1: {  	vm7 =	vgt.s32 v10, $0xFFFFFFFF;
	vm8 =	veq.s32 v40, v4  }
0x1b2: {  	(v2sf) =	vpush v39, $0x0;
	vm0 =	vmand vm7, vm8  }
0x1b3: {  	v10 =	vnsel vm0, $0xFFFFFFFF, v10;
	v41 =	vsel vm0, v9, v8  }
0x1b4: {  	(xrf1) =	vsort.ascd.msk.u32 $0xffff, v41, v10;
	v10 =	vnsel vm0, $0xFFFFFFFF, v11  }
0x1b5: {  	(xrf1) =	vsort.ascd.msk.u32 $0xffff, v41, v10;
	_ =	sdelay $0xb  }
0x1b6: {  	s26 =	spop (v2sf)  }
0x1b7: {  	s0 =	sadd.s32 s0, s26;
	_, v10, _ =	vpop (xrf1)  }
0x1b8: {  	_, v11, _ =	vpop (xrf1);
	[tilespmem:s0+$0x4960] =	vst v10  }
0x1b9: {  	[tilespmem:s0+$0x4860] =	vst v11  }
0x1ba: {  	v10 =	vld [tilespmem:$0x47E0];
	_ =	sdelay $0x4  }
0x1bb: {  	v11 =	vshrl.u32 v10, $0x7  }
0x1bc: {  	vm9 =	vgt.s32 v10, $0xFFFFFFFF;
	vm10 =	veq.s32 v11, v4  }
0x1bd: {  	v42 =	vld [tilespmem:$0x4760];
	v11 =	vmpcnt.ones.xlane vm0;
	vm11 =	vmand vm9, vm10  }
0x1be: {  	v43 =	vmpcnt.ones.xlane vm11  }
0x1bf: {  	(v2sf) =	vpush v11, $0x0  }
0x1c0: {  	(v2sf) =	vpush v43, $0x0  }
0x1c1: {  	v10 =	vnsel vm11, $0xFFFFFFFF, v10;
	v11 =	vsel vm11, v9, v8  }
0x1c2: {  	(xrf1) =	vsort.ascd.msk.u32 $0xffff, v11, v10;
	v10 =	vnsel vm11, $0xFFFFFFFF, v42  }
0x1c3: {  	(xrf1) =	vsort.ascd.msk.u32 $0xffff, v11, v10;
	_ =	sdelay $0xa  }
0x1c4: {  	s4 =	spop (v2sf)  }
0x1c5: {  	s3 =	sadd.s32 s0, s4;
	s6 =	spop (v2sf)  }
0x1c6: {  	_, v10, _ =	vpop (xrf1);
	s0 =	sadd.s32 s3, s6  }
0x1c7: {  	_, v11, _ =	vpop (xrf1);
	s4 =	rddreg [dreg:$0x6];
	[tilespmem:s3+$0x4960] =	vst v10;
	p0 =	slt.s32 s0, $0x1  }
0x1c8: {  	[tilespmem:s3+$0x4860] =	vst v11;
	s3 =	simm.s32 @!p0 $0x400;
	s6 =	simm.s32 @!p0 $0x7A1400;
	s7 =	simm.s32 @!p0 $0x14D00  }
0x1c9: {  	[tilespmem:s7], [sflag:$0x3] =	stream.strided.gather @!p0 [hbm4b:s4+s3], $0x2000, s6, s3, $0x38;
	[tilespmem:$0x18D00] =	vst v63  }
0x1ca: {  	v10 =	vld [tilespmem:$0x4780]  }
0x1cb: {  	v11 =	vld [tilespmem:$0x4790];
	_ =	sdelay $0x2  }
0x1cc: {  	v44 =	vld [tilespmem:$0x4700]  }
0x1cd: {  	v45 =	vshrl.u32 v10, $0x7  }
0x1ce: {  	v46 =	vld [tilespmem:$0x4710];
	vm12 =	vgt.s32 v10, $0xFFFFFFFF;
	v48 =	vshrl.u32 v11, $0x7;
	vm13 =	veq.s32 v45, v5  }
0x1cf: {  	vm15 =	vgt.s32 v11, $0xFFFFFFFF;
	vm14 =	veq.s32 v48, v5;
	vm0 =	vmand vm12, vm13  }
0x1d0: {  	v10 =	vnsel vm0, $0xFFFFFFFF, v10;
	v47 =	vsel vm0, v9, v8;
	v49 =	vmpcnt.ones.xlane vm0  }
0x1d1: {  	vm4 =	vmand vm15, vm14;
	(xrf1) =	vsort.ascd.msk.u32 $0xffff, v47, v10;
	v10 =	vnsel vm0, $0xFFFFFFFF, v44  }
0x1d2: {  	(xrf1) =	vsort.ascd.msk.u32 $0xffff, v47, v10;
	(v2sf) =	vpush v49, $0x0;
	v10 =	vnsel vm4, $0xFFFFFFFF, v11;
	v11 =	vsel vm4, v9, v8  }
0x1d3: {  	(xrf1) =	vsort.ascd.msk.u32 $0xffff, v11, v10;
	v10 =	vnsel vm4, $0xFFFFFFFF, v46  }
0x1d4: {  	(xrf1) =	vsort.ascd.msk.u32 $0xffff, v11, v10;
	_ =	sdelay $0xa  }
0x1d5: {  	_, v10, _ =	vpop (xrf1)  }
0x1d6: {  	_, v11, _ =	vpop (xrf1);
	[tilespmem:$0x4990] =	vst v10  }
0x1d7: {  	[tilespmem:$0x4890] =	vst v11;
	s7 =	spop (v2sf);
	_, v10, _ =	vpop (xrf1)  }
0x1d8: {  	_, v11, _ =	vpop (xrf1);
	[tilespmem:s7+$0x4990] =	vst v10  }
0x1d9: {  	[tilespmem:s7+$0x4890] =	vst v11  }
0x1da: {  	v10 =	vld [tilespmem:$0x47A0];
	_ =	sdelay $0x3  }
0x1db: {  	v11 =	vld [tilespmem:$0x4720]  }
0x1dc: {  	v50 =	vmpcnt.ones.xlane vm4;
	v51 =	vshrl.u32 v10, $0x7  }
0x1dd: {  	vm5 =	vgt.s32 v10, $0xFFFFFFFF;
	vm6 =	veq.s32 v51, v5  }
0x1de: {  	(v2sf) =	vpush v50, $0x0;
	vm0 =	vmand vm5, vm6  }
0x1df: {  	v10 =	vnsel vm0, $0xFFFFFFFF, v10;
	v52 =	vsel vm0, v9, v8  }
0x1e0: {  	(xrf1) =	vsort.ascd.msk.u32 $0xffff, v52, v10;
	v10 =	vnsel vm0, $0xFFFFFFFF, v11  }
0x1e1: {  	(xrf1) =	vsort.ascd.msk.u32 $0xffff, v52, v10;
	_ =	sdelay $0xb  }
0x1e2: {  	s8 =	spop (v2sf)  }
0x1e3: {  	s3 =	sadd.s32 s7, s8;
	_, v10, _ =	vpop (xrf1)  }
0x1e4: {  	_, v11, _ =	vpop (xrf1);
	[tilespmem:s3+$0x4990] =	vst v10  }
0x1e5: {  	[tilespmem:s3+$0x4890] =	vst v11  }
0x1e6: {  	v10 =	vld [tilespmem:$0x47B0];
	_ =	sdelay $0x3  }
0x1e7: {  	v11 =	vld [tilespmem:$0x4730]  }
0x1e8: {  	v53 =	vmpcnt.ones.xlane vm0;
	v54 =	vshrl.u32 v10, $0x7  }
0x1e9: {  	vm7 =	vgt.s32 v10, $0xFFFFFFFF;
	vm8 =	veq.s32 v54, v5  }
0x1ea: {  	(v2sf) =	vpush v53, $0x0;
	vm0 =	vmand vm7, vm8  }
0x1eb: {  	v10 =	vnsel vm0, $0xFFFFFFFF, v10;
	v55 =	vsel vm0, v9, v8  }
0x1ec: {  	(xrf1) =	vsort.ascd.msk.u32 $0xffff, v55, v10;
	v10 =	vnsel vm0, $0xFFFFFFFF, v11  }
0x1ed: {  	(xrf1) =	vsort.ascd.msk.u32 $0xffff, v55, v10;
	_ =	sdelay $0xb  }
0x1ee: {  	s9 =	spop (v2sf)  }
0x1ef: {  	s3 =	sadd.s32 s3, s9;
	_, v10, _ =	vpop (xrf1)  }
0x1f0: {  	_, v11, _ =	vpop (xrf1);
	[tilespmem:s3+$0x4990] =	vst v10  }
0x1f1: {  	[tilespmem:s3+$0x4890] =	vst v11  }
0x1f2: {  	v10 =	vld [tilespmem:$0x47C0];
	_ =	sdelay $0x3  }
0x1f3: {  	v11 =	vld [tilespmem:$0x4740]  }
0x1f4: {  	v56 =	vmpcnt.ones.xlane vm0;
	v57 =	vshrl.u32 v10, $0x7  }
0x1f5: {  	vm9 =	vgt.s32 v10, $0xFFFFFFFF;
	vm10 =	veq.s32 v57, v5  }
0x1f6: {  	(v2sf) =	vpush v56, $0x0;
	vm0 =	vmand vm9, vm10  }
0x1f7: {  	v10 =	vnsel vm0, $0xFFFFFFFF, v10;
	v58 =	vsel vm0, v9, v8  }
0x1f8: {  	(xrf1) =	vsort.ascd.msk.u32 $0xffff, v58, v10;
	v10 =	vnsel vm0, $0xFFFFFFFF, v11  }
0x1f9: {  	(xrf1) =	vsort.ascd.msk.u32 $0xffff, v58, v10;
	_ =	sdelay $0xb  }
0x1fa: {  	s13 =	spop (v2sf)  }
0x1fb: {  	s3 =	sadd.s32 s3, s13;
	_, v10, _ =	vpop (xrf1)  }
0x1fc: {  	_, v11, _ =	vpop (xrf1);
	[tilespmem:s3+$0x4990] =	vst v10  }
0x1fd: {  	[tilespmem:s3+$0x4890] =	vst v11  }
0x1fe: {  	v10 =	vld [tilespmem:$0x47D0];
	_ =	sdelay $0x3  }
0x1ff: {  	v11 =	vld [tilespmem:$0x4750]  }
0x200: {  	v59 =	vmpcnt.ones.xlane vm0;
	v60 =	vshrl.u32 v10, $0x7  }
0x201: {  	vm11 =	vgt.s32 v10, $0xFFFFFFFF;
	vm12 =	veq.s32 v60, v5  }
0x202: {  	(v2sf) =	vpush v59, $0x0;
	vm0 =	vmand vm11, vm12  }
0x203: {  	v10 =	vnsel vm0, $0xFFFFFFFF, v10;
	v61 =	vsel vm0, v9, v8  }
0x204: {  	(xrf1) =	vsort.ascd.msk.u32 $0xffff, v61, v10;
	v10 =	vnsel vm0, $0xFFFFFFFF, v11  }
0x205: {  	(xrf1) =	vsort.ascd.msk.u32 $0xffff, v61, v10;
	_ =	sdelay $0xb  }
0x206: {  	s14 =	spop (v2sf)  }
0x207: {  	s3 =	sadd.s32 s3, s14;
	_, v10, _ =	vpop (xrf1)  }
0x208: {  	_, v11, _ =	vpop (xrf1);
	[tilespmem:s3+$0x4990] =	vst v10  }
0x209: {  	[tilespmem:s3+$0x4890] =	vst v11  }
0x20a: {  	v10 =	vld [tilespmem:$0x47E0];
	_ =	sdelay $0x4  }
0x20b: {  	v11 =	vshrl.u32 v10, $0x7  }
0x20c: {  	vm13 =	vgt.s32 v10, $0xFFFFFFFF;
	vm14 =	veq.s32 v11, v5  }
0x20d: {  	v62 =	vld [tilespmem:$0x4760];
	v11 =	vmpcnt.ones.xlane vm0;
	vm15 =	vmand vm13, vm14  }
0x20e: {  	v63 =	vmpcnt.ones.xlane vm15  }
0x20f: {  	(v2sf) =	vpush v11, $0x0  }
0x210: {  	(v2sf) =	vpush v63, $0x0  }
0x211: {  	v10 =	vnsel vm15, $0xFFFFFFFF, v10;
	v11 =	vsel vm15, v9, v8  }
0x212: {  	(xrf1) =	vsort.ascd.msk.u32 $0xffff, v11, v10;
	v10 =	vnsel vm15, $0xFFFFFFFF, v62  }
0x213: {  	(xrf1) =	vsort.ascd.msk.u32 $0xffff, v11, v10;
	_ =	sdelay $0xa  }
0x214: {  	s15 =	spop (v2sf)  }
.Ltmp4:
0x215: {  	s3 =	sadd.s32 s3, s15;
	s26 =	spop (v2sf);
	(pc) =	sbr.rel .LBB2_6-.Ltmp4, $4  }
0x216: {  	s30 =	simm.s32 $0x0;
	_, v10, _ =	vpop (xrf1);
	s26 =	sadd.s32 s3, s26  }
0x217: {  	s31 =	simm.s32 $0x0;
	s4 =	rddreg [dreg:$0x7];
	_, v11, _ =	vpop (xrf1);
	[tilespmem:s3+$0x4990] =	vst v10;
	p0 =	slt.s32 s26, $0x1  }
0x218: {  	[tilespmem:s3+$0x4890] =	vst v11;
	s3 =	simm.s32 @!p0 $0x400;
	s6 =	simm.s32 @!p0 $0x7A1400;
	s7 =	simm.s32 @!p0 $0x16D00  }
0x219: {  	[tilespmem:s7], [sflag:$0x4] =	stream.strided.gather @!p0 [hbm4b:s4+s3], $0x2000, s6, s3, $0x38;
	[tilespmem:$0x18D00] =	vst v63  }
.LBB2_42:
0x21a: {  	s9 =	simm.s32 $0x4890;
	s13 =	smov.u32 s6;
	s26 =	smov.u32 s30  }
.LBB2_46:
0x21b: {  	(v2sf) =	vpush v14, $0x0;
	_ =	sdelay $0xe  }
0x21c: {  	s4 =	spop (v2sf)  }
0x21d: {  	s4 =	ssub.s32 s4, s8  }
0x21e: {  	v11 =	vadd.s32 s4, v10;
	_ =	sdelay $0x4  }
0x21f: {  	v12 =	vor.u32 $0x800, v10;
	v11 =	vld.idx.msk [tilespmem:v11+s25+$0x0], $0xffff  }
0x220: {  	v12 =	vadd.s32 s4, v12;
	_ =	sdelay $0x1  }
0x221: {  	s8 =	sadd.s32 @p1 $0x1, s9;
	s9 =	sadd.s32 @p1 $0x40, s13  }
0x222: {  	s7 =	smov.u32 @p1 s8;
	s6 =	smov.u32 @p1 s9  }
0x223: {  	v13 =	vld.msk [tilespmem:s7+$0x0 ss:$0x0], $0xffff;
	[tilespmem:s6+$0xFFFFFFE0] =	vst v11  }
0x224: {  	v63 =	vor.u32 $0x1000, v10;
	v11 =	vld.idx.msk [tilespmem:v12+s25+$0x0], $0xffff  }
0x225: {  	v12 =	vadd.s32 s4, v63;
	_ =	sdelay $0x3  }
0x226: {  	[tilespmem:s6+$0xFFFFFFF0] =	vst v11  }
0x227: {  	v10 =	vor.u32 $0x1800, v10;
	v11 =	vld.idx.msk [tilespmem:v12+s25+$0x0], $0xffff  }
0x228: {  	v10 =	vadd.s32 s4, v10;
	_ =	sdelay $0x3  }
0x229: {  	s4 =	sadd.s32 @p1 $0x1, s26;
	[tilespmem:s6+$0x0] =	vst v11  }
0x22a: {  	s30 =	smov.u32 @p1 s4;
	v10 =	vld.idx.msk [tilespmem:v10+s25+$0x0], $0xffff  }
0x22b: {  	v11 =	vmov s30;
	_ =	sdelay $0x3  }
0x22c: {  	[tilespmem:s6+$0x10] =	vst v10  }
0x22d: {  	s30 =	sadd.s32 $0x1, s30;
	[tilespmem:v11+s19+$0x0] =	vst.idx.msk $0x1, v13  }
.LBB2_47:
0x22e: {  	v10 =	vld [tilespmem:$0x4780]  }
0x22f: {  	v11 =	vld [tilespmem:$0x4790];
	_ =	sdelay $0x2  }
0x230: {  	v12 =	vld [tilespmem:$0x4700]  }
0x231: {  	s3 =	sadd.s32 s3, s12;
	v13 =	vshrl.u32 v10, $0x7  }
0x232: {  	v48 =	vld [tilespmem:$0x4710];
	vm0 =	vgt.s32 v10, $0xFFFFFFFF;
	v15 =	vshrl.u32 v11, $0x7;
	vm1 =	veq.s32 v13, s3  }
0x233: {  	vm2 =	vgt.s32 v11, $0xFFFFFFFF;
	vm15 =	veq.s32 v15, s3;
	vm0 =	vmand vm0, vm1  }
0x234: {  	v10 =	vnsel vm0, $0xFFFFFFFF, v10;
	v14 =	vsel vm0, v9, v8;
	v49 =	vmpcnt.ones.xlane vm0  }
0x235: {  	vm4 =	vmand vm2, vm15;
	(xrf1) =	vsort.ascd.msk.u32 $0xffff, v14, v10;
	v10 =	vnsel vm0, $0xFFFFFFFF, v12  }
0x236: {  	(xrf1) =	vsort.ascd.msk.u32 $0xffff, v14, v10;
	(v2sf) =	vpush v49, $0x0;
	v10 =	vnsel vm4, $0xFFFFFFFF, v11;
	v11 =	vsel vm4, v9, v8  }
0x237: {  	(xrf1) =	vsort.ascd.msk.u32 $0xffff, v11, v10;
	v10 =	vnsel vm4, $0xFFFFFFFF, v48  }
0x238: {  	(xrf1) =	vsort.ascd.msk.u32 $0xffff, v11, v10;
	_ =	sdelay $0xa  }
0x239: {  	_, v10, _ =	vpop (xrf1)  }
0x23a: {  	_, v11, _ =	vpop (xrf1);
	[tilespmem:$0x4990] =	vst v10  }
0x23b: {  	[tilespmem:$0x4890] =	vst v11;
	s4 =	spop (v2sf);
	_, v10, _ =	vpop (xrf1)  }
0x23c: {  	_, v11, _ =	vpop (xrf1);
	[tilespmem:s4+$0x4990] =	vst v10  }
0x23d: {  	[tilespmem:s4+$0x4890] =	vst v11  }
0x23e: {  	v10 =	vld [tilespmem:$0x47A0];
	_ =	sdelay $0x3  }
0x23f: {  	v11 =	vld [tilespmem:$0x4720]  }
0x240: {  	v50 =	vmpcnt.ones.xlane vm4;
	v51 =	vshrl.u32 v10, $0x7  }
0x241: {  	vm5 =	vgt.s32 v10, $0xFFFFFFFF;
	vm6 =	veq.s32 v51, s3  }
0x242: {  	(v2sf) =	vpush v50, $0x0;
	vm0 =	vmand vm5, vm6  }
0x243: {  	v10 =	vnsel vm0, $0xFFFFFFFF, v10;
	v52 =	vsel vm0, v9, v8  }
0x244: {  	(xrf1) =	vsort.ascd.msk.u32 $0xffff, v52, v10;
	v10 =	vnsel vm0, $0xFFFFFFFF, v11  }
0x245: {  	(xrf1) =	vsort.ascd.msk.u32 $0xffff, v52, v10;
	_ =	sdelay $0xb  }
0x246: {  	s6 =	spop (v2sf)  }
0x247: {  	s4 =	sadd.s32 s4, s6;
	_, v10, _ =	vpop (xrf1)  }
0x248: {  	_, v11, _ =	vpop (xrf1);
	[tilespmem:s4+$0x4990] =	vst v10  }
0x249: {  	[tilespmem:s4+$0x4890] =	vst v11  }
0x24a: {  	v10 =	vld [tilespmem:$0x47B0];
	_ =	sdelay $0x3  }
0x24b: {  	v11 =	vld [tilespmem:$0x4730]  }
0x24c: {  	v53 =	vmpcnt.ones.xlane vm0;
	v54 =	vshrl.u32 v10, $0x7  }
0x24d: {  	vm7 =	vgt.s32 v10, $0xFFFFFFFF;
	vm8 =	veq.s32 v54, s3  }
0x24e: {  	(v2sf) =	vpush v53, $0x0;
	vm0 =	vmand vm7, vm8  }
0x24f: {  	v10 =	vnsel vm0, $0xFFFFFFFF, v10;
	v55 =	vsel vm0, v9, v8  }
0x250: {  	(xrf1) =	vsort.ascd.msk.u32 $0xffff, v55, v10;
	v10 =	vnsel vm0, $0xFFFFFFFF, v11  }
0x251: {  	(xrf1) =	vsort.ascd.msk.u32 $0xffff, v55, v10;
	_ =	sdelay $0xb  }
0x252: {  	s9 =	spop (v2sf)  }
0x253: {  	s4 =	sadd.s32 s4, s9;
	_, v10, _ =	vpop (xrf1)  }
0x254: {  	_, v11, _ =	vpop (xrf1);
	[tilespmem:s4+$0x4990] =	vst v10  }
0x255: {  	[tilespmem:s4+$0x4890] =	vst v11  }
0x256: {  	v10 =	vld [tilespmem:$0x47C0];
	_ =	sdelay $0x3  }
0x257: {  	v11 =	vld [tilespmem:$0x4740]  }
0x258: {  	v56 =	vmpcnt.ones.xlane vm0;
	v57 =	vshrl.u32 v10, $0x7  }
0x259: {  	vm9 =	vgt.s32 v10, $0xFFFFFFFF;
	vm10 =	veq.s32 v57, s3  }
0x25a: {  	(v2sf) =	vpush v56, $0x0;
	vm0 =	vmand vm9, vm10  }
0x25b: {  	v10 =	vnsel vm0, $0xFFFFFFFF, v10;
	v58 =	vsel vm0, v9, v8  }
0x25c: {  	(xrf1) =	vsort.ascd.msk.u32 $0xffff, v58, v10;
	v10 =	vnsel vm0, $0xFFFFFFFF, v11  }
0x25d: {  	(xrf1) =	vsort.ascd.msk.u32 $0xffff, v58, v10;
	_ =	sdelay $0xb  }
0x25e: {  	s13 =	spop (v2sf)  }
0x25f: {  	s4 =	sadd.s32 s4, s13;
	_, v10, _ =	vpop (xrf1)  }
0x260: {  	_, v11, _ =	vpop (xrf1);
	[tilespmem:s4+$0x4990] =	vst v10  }
0x261: {  	[tilespmem:s4+$0x4890] =	vst v11  }
0x262: {  	v10 =	vld [tilespmem:$0x47D0];
	_ =	sdelay $0x3  }
0x263: {  	v11 =	vld [tilespmem:$0x4750]  }
0x264: {  	v59 =	vmpcnt.ones.xlane vm0;
	v60 =	vshrl.u32 v10, $0x7  }
0x265: {  	vm12 =	vgt.s32 v10, $0xFFFFFFFF;
	vm11 =	veq.s32 v60, s3  }
0x266: {  	(v2sf) =	vpush v59, $0x0;
	vm0 =	vmand vm12, vm11  }
0x267: {  	v10 =	vnsel vm0, $0xFFFFFFFF, v10;
	v61 =	vsel vm0, v9, v8  }
0x268: {  	(xrf1) =	vsort.ascd.msk.u32 $0xffff, v61, v10;
	v10 =	vnsel vm0, $0xFFFFFFFF, v11  }
0x269: {  	(xrf1) =	vsort.ascd.msk.u32 $0xffff, v61, v10;
	_ =	sdelay $0xb  }
0x26a: {  	s14 =	spop (v2sf)  }
0x26b: {  	s4 =	sadd.s32 s4, s14;
	_, v10, _ =	vpop (xrf1)  }
0x26c: {  	_, v11, _ =	vpop (xrf1);
	[tilespmem:s4+$0x4990] =	vst v10  }
0x26d: {  	[tilespmem:s4+$0x4890] =	vst v11  }
0x26e: {  	v10 =	vld [tilespmem:$0x47E0];
	_ =	sdelay $0x4  }
0x26f: {  	v11 =	vshrl.u32 v10, $0x7  }
0x270: {  	vm13 =	vgt.s32 v10, $0xFFFFFFFF;
	vm14 =	veq.s32 v11, s3  }
0x271: {  	v11 =	vmpcnt.ones.xlane vm0;
	vm15 =	vmand vm13, vm14  }
0x272: {  	v62 =	vmpcnt.ones.xlane vm15  }
0x273: {  	(v2sf) =	vpush v11, $0x0;
	v11 =	vld [tilespmem:$0x4760]  }
0x274: {  	(v2sf) =	vpush v62, $0x0;
	_ =	sdelay $0x2  }
0x275: {  	v10 =	vnsel vm15, $0xFFFFFFFF, v10;
	v63 =	vsel vm15, v9, v8  }
0x276: {  	(xrf1) =	vsort.ascd.msk.u32 $0xffff, v63, v10;
	v10 =	vnsel vm15, $0xFFFFFFFF, v11  }
0x277: {  	(xrf1) =	vsort.ascd.msk.u32 $0xffff, v63, v10;
	_ =	sdelay $0x8  }
0x278: {  	s15 =	spop (v2sf)  }
0x279: {  	p1 =	sgt.u32 @!p0 s3, $0x1E84;
	s4 =	sadd.s32 s4, s15;
	s26 =	spop (v2sf)  }
0x27a: {  	p2 =	por p1, p0;
	s26 =	sadd.s32 s4, s26  }
0x27b: {  	p2 =	slt.s32 @!p2 s26, $0x1  }
0x27c: {  	_, v10, _ =	vpop (xrf1);
	p1 =	por @!p0 p2, p1  }
0x27d: {  	[tilespmem:s4+$0x4990] =	vst v10;
	_, v11, _ =	vpop (xrf1);
	p0 =	por p1, p0  }
0x27e: {  	s31 =	sadd.s32 $0x1, s31;
	[tilespmem:s4+$0x4890] =	vst v11;
	s3 =	sshll.u32 @!p0 s3, $0x7;
	s4 =	simm.s32 @!p0 $0x400  }
0x27f: {  	s6 =	simm.s32 @!p0 $0x7A1400;
	s7 =	simm.s32 @!p0 $0x16D00;
	s3 =	sadd.s32 @!p0 s1, s3  }
0x280: {  	[tilespmem:s7], [sflag:$0x4] =	stream.strided.gather @!p0 [hbm4b:s3+s4], $0x2000, s6, s4, $0x38;
	[tilespmem:$0x18D00] =	vst v63  }
0x281: {  	p0 =	sne.s32 s31, $0x3E  }
.Ltmp5:
0x282: {  	_ = 	snop;
	(pc) =	sbr.rel @!p0 .LBB2_48-.Ltmp5, $1  }
0x283: {  	_ =	sdelay $0x3  }
.LBB2_6:
0x284: {  	s3 =	sshll.u32 s31, $0x2  }
0x285: {  	s6 =	sadd.s32 s5, s3  }
0x286: {  	p0 =	sgt.u32 s6, $0x1E84  }
0x287: {  	p1 =	slt.s32 @!p0 s29, $0x1  }
0x288: {  	p0 =	por p0, p1  }
.Ltmp6:
0x289: {  	_ = 	snop;
	(pc) =	sbr.rel @p0 .LBB2_8-.Ltmp6, $1  }
0x28a: {  	_ =	sdelay $0x3  }
.Ltmp7:
0x28b: {  	(pc) =	sbr.rel .LBB2_9-.Ltmp7, $4  }
0x28c: {  	_ = 	snop  }
0x28d: {  	_ =	swait.ge [sflag:s17], $0x2000  }
0x28e: {  	[sflag:s17] =	ssyncset.done $0x0  }
0x28f: {  	[sflag:s17] =	ssyncadd.s32 $0xFFFFE000  }
.LBB2_8:
0x290: {  	p0 =	slt.s32 s29, $0x1  }
.Ltmp8:
0x291: {  	_ = 	snop;
	(pc) =	sbr.rel @p0 .LBB2_15-.Ltmp8, $1  }
0x292: {  	_ =	sdelay $0x3  }
.LBB2_9:
0x293: {  	p1 =	sne.s32 s29, $0x1  }
.Ltmp9:
0x294: {  	_ = 	snop;
	(pc) =	sbr.rel @!p1 .LBB2_10-.Ltmp9, $4  }
0x295: {  	_ = 	snop  }
0x296: {  	s7 =	sshll.u32 s30, $0x8;
	s8 =	sshll.u32 s6, $0x7  }
0x297: {  	s15 =	simm.s32 $0x4900;
	s6 =	sadd.s32 $0xFFFFFFFF, s29;
	s14 =	sshra.s32 s7, $0x2  }
0x298: {  	p0 =	por $0x0, $0x0;
	s7 =	simm.s32 $0x4800;
	v14 =	vld [tilespmem:s15+$0x0];
	s13 =	sadd.s32 $0x4A20, s14  }
0x299: {  	_ =	sdelay $0x3  }
0x29a: {  	(v2sf) =	vpush v14, $0x0;
	_ =	sdelay $0xe  }
0x29b: {  	v10 =	vmul.u32 $0x80, v6;
	s9 =	spop (v2sf)  }
0x29c: {  	s9 =	ssub.s32 s9, s8  }
0x29d: {  	v11 =	vadd.s32 s9, v10;
	_ =	sdelay $0x4  }
0x29e: {  	v12 =	vld.idx.msk [tilespmem:v11+s18+$0x0], $0xffff;
	v11 =	vor.u32 $0x800, v10  }
0x29f: {  	v13 =	vadd.s32 s9, v11;
	_ =	sdelay $0x3  }
0x2a0: {  	v14 =	vld.msk [tilespmem:s7+$0x0 ss:$0x0], $0xffff;
	[tilespmem:s13+$0xFFFFFFE0] =	vst v12  }
0x2a1: {  	v12 =	vor.u32 $0x1000, v10;
	v13 =	vld.idx.msk [tilespmem:v13+s18+$0x0], $0xffff  }
0x2a2: {  	v15 =	vadd.s32 s9, v12;
	_ =	sdelay $0x3  }
0x2a3: {  	[tilespmem:s13+$0xFFFFFFF0] =	vst v13  }
0x2a4: {  	v13 =	vor.u32 $0x1800, v10;
	v15 =	vld.idx.msk [tilespmem:v15+s18+$0x0], $0xffff  }
0x2a5: {  	v16 =	vadd.s32 s9, v13;
	_ =	sdelay $0x3  }
0x2a6: {  	[tilespmem:s13+$0x0] =	vst v15  }
0x2a7: {  	v15 =	vld.idx.msk [tilespmem:v16+s18+$0x0], $0xffff  }
0x2a8: {  	v63 =	vmov s30;
	_ =	sdelay $0x1  }
0x2a9: {  	p1 =	sne.s32 s6, $0x1  }
.Ltmp10:
0x2aa: {  	_ = 	snop;
	(pc) =	sbr.rel @!p1 .LBB2_12-.Ltmp10, $4  }
0x2ab: {  	[tilespmem:s13+$0x10] =	vst v15  }
0x2ac: {  	s14 =	simm.s32 $0x4901;
	[tilespmem:v63+s19+$0x0] =	vst.idx.msk $0x1, v14  }
0x2ad: {  	s15 =	sadd.s32 $0xFFFFFFFF, s6;
	p0 =	por $0x1, $0x1;
	v14 =	vld [tilespmem:s14+$0x0]  }
0x2ae: {  	s6 =	smov.u32 s13;
	s29 =	smov.u32 s30;
	s9 =	simm.s32 $0x4800  }
.LBB2_13:
0x2af: {  	p1 =	sne.s32 s15, $0x1;
	_ =	sdelay $0x2  }
0x2b0: {  	(v2sf) =	vpush v14, $0x0;
	_ =	sdelay $0xe  }
0x2b1: {  	s4 =	spop (v2sf)  }
0x2b2: {  	s4 =	ssub.s32 s4, s8  }
0x2b3: {  	v14 =	vadd.s32 s4, v10;
	_ =	sdelay $0x4  }
0x2b4: {  	v14 =	vld.idx.msk [tilespmem:v14+s18+$0x0], $0xffff;
	_ =	sdelay $0x1  }
0x2b5: {  	v15 =	vadd.s32 s4, v11;
	_ =	sdelay $0x2  }
0x2b6: {  	s9 =	sadd.s32 $0x1, s9;
	s6 =	sadd.s32 $0x40, s6  }
0x2b7: {  	v16 =	vld.msk [tilespmem:s9+$0x0 ss:$0x0], $0xffff;
	[tilespmem:s6+$0xFFFFFFE0] =	vst v14  }
0x2b8: {  	v14 =	vld.idx.msk [tilespmem:v15+s18+$0x0], $0xffff;
	_ =	sdelay $0x1  }
0x2b9: {  	v15 =	vadd.s32 s4, v12;
	_ =	sdelay $0x3  }
0x2ba: {  	[tilespmem:s6+$0xFFFFFFF0] =	vst v14  }
0x2bb: {  	v14 =	vld.idx.msk [tilespmem:v15+s18+$0x0], $0xffff;
	_ =	sdelay $0x1  }
0x2bc: {  	v15 =	vadd.s32 s4, v13;
	_ =	sdelay $0x3  }
0x2bd: {  	[tilespmem:s6+$0x0] =	vst v14  }
0x2be: {  	v14 =	vld.idx.msk [tilespmem:v15+s18+$0x0], $0xffff  }
0x2bf: {  	s29 =	sadd.s32 $0x1, s29  }
0x2c0: {  	v15 =	vmov s29;
	_ =	sdelay $0x2  }
.Ltmp11:
0x2c1: {  	(pc) =	sbr.rel @p1 .LBB2_13-.Ltmp11, $4  }
0x2c2: {  	[tilespmem:s6+$0x10] =	vst v14  }
0x2c3: {  	s14 =	sadd.s32 $0x1, s14;
	[tilespmem:v15+s19+$0x0] =	vst.idx.msk $0x1, v16  }
0x2c4: {  	v14 =	vld [tilespmem:s14+$0x0]  }
0x2c5: {  	s15 =	sadd.s32 $0xFFFFFFFF, s15  }
.LBB2_14:
0x2c6: {  	_ =	sdelay $0x2  }
0x2c7: {  	(v2sf) =	vpush v14, $0x0;
	_ =	sdelay $0xe  }
0x2c8: {  	v10 =	vmul.u32 $0x80, v6;
	s4 =	spop (v2sf)  }
0x2c9: {  	s4 =	ssub.s32 s4, s8  }
0x2ca: {  	v11 =	vadd.s32 s4, v10;
	_ =	sdelay $0x4  }
0x2cb: {  	v12 =	vor.u32 $0x800, v10;
	v11 =	vld.idx.msk [tilespmem:v11+s18+$0x0], $0xffff  }
0x2cc: {  	v12 =	vadd.s32 s4, v12;
	_ =	sdelay $0x1  }
0x2cd: {  	s6 =	sadd.s32 @p0 $0x40, s6;
	s8 =	sadd.s32 @p0 $0x1, s9  }
0x2ce: {  	s13 =	smov.u32 @p0 s6;
	s7 =	smov.u32 @p0 s8  }
0x2cf: {  	v13 =	vld.msk [tilespmem:s7+$0x0 ss:$0x0], $0xffff;
	[tilespmem:s13+$0xFFFFFFE0] =	vst v11  }
0x2d0: {  	v63 =	vor.u32 $0x1000, v10;
	v11 =	vld.idx.msk [tilespmem:v12+s18+$0x0], $0xffff  }
0x2d1: {  	v12 =	vadd.s32 s4, v63;
	_ =	sdelay $0x3  }
0x2d2: {  	[tilespmem:s13+$0xFFFFFFF0] =	vst v11  }
0x2d3: {  	v10 =	vor.u32 $0x1800, v10;
	v11 =	vld.idx.msk [tilespmem:v12+s18+$0x0], $0xffff  }
0x2d4: {  	v10 =	vadd.s32 s4, v10;
	_ =	sdelay $0x3  }
0x2d5: {  	s4 =	sadd.s32 @p0 $0x1, s29;
	[tilespmem:s13+$0x0] =	vst v11  }
0x2d6: {  	s30 =	smov.u32 @p0 s4;
	v10 =	vld.idx.msk [tilespmem:v10+s18+$0x0], $0xffff  }
0x2d7: {  	v11 =	vmov s30;
	_ =	sdelay $0x3  }
0x2d8: {  	[tilespmem:s13+$0x10] =	vst v10  }
0x2d9: {  	s30 =	sadd.s32 $0x1, s30;
	[tilespmem:v11+s19+$0x0] =	vst.idx.msk $0x1, v13  }
.LBB2_15:
0x2da: {  	s4 =	sadd.s32 $0x4, s3  }
0x2db: {  	s6 =	sand.u32 $0xC, s4  }
0x2dc: {  	p0 =	seq.s32 s6, $0x0  }
.Ltmp12:
0x2dd: {  	_ = 	snop;
	(pc) =	sbr.rel @p0 .LBB2_17-.Ltmp12, $2  }
0x2de: {  	_ =	sdelay $0x2  }
0x2df: {  	s6 =	sadd.s32 s5, s4  }
.Ltmp13:
0x2e0: {  	(pc) =	sbr.rel .LBB2_20-.Ltmp13, $2  }
0x2e1: {  	_ =	sdelay $0x2  }
0x2e2: {  	v10 =	vmov s6  }
.LBB2_17:
0x2e3: {  	[tilespmem:$0x4780] =	vst v7  }
0x2e4: {  	[tilespmem:$0x4790] =	vst v7  }
0x2e5: {  	[tilespmem:$0x47A0] =	vst v7  }
0x2e6: {  	[tilespmem:$0x47B0] =	vst v7  }
0x2e7: {  	[tilespmem:$0x47C0] =	vst v7  }
0x2e8: {  	[tilespmem:$0x47D0] =	vst v7  }
0x2e9: {  	[tilespmem:$0x47E0] =	vst v7;
	s4 =	simm.s32 $0x0  }
0x2ea: {  	v12 =	vld [tilespmem:s4+$0x4380];
	_ =	sdelay $0x3  }
0x2eb: {  	v13 =	vld [tilespmem:s4+$0x4000]  }
0x2ec: {  	v10 =	vmov s6;
	s29 =	sadd.s32 $0x10, s6;
	v14 =	vshrl.u32 v12, $0x7  }
0x2ed: {  	v11 =	vmov s29;
	vm0 =	vgt.s32 v12, $0xFFFFFFFF;
	vm1 =	vge.u32 v14, v10  }
0x2ee: {  	vm15 =	vlt.u32 v14, v11;
	vm0 =	vmand vm0, vm1  }
0x2ef: {  	vm0 =	vmand vm15, vm0  }
0x2f0: {  	v14 =	vsel vm0, v9, v8;
	v13 =	vnsel vm0, $0xFFFFFFFF, v13  }
0x2f1: {  	v12 =	vnsel vm0, $0xFFFFFFFF, v12;
	(xrf1) =	vsort.ascd.msk.u32 $0xffff, v14, v13;
	v13 =	vmpcnt.ones.xlane vm0  }
0x2f2: {  	(xrf1) =	vsort.ascd.msk.u32 $0xffff, v14, v12  }
0x2f3: {  	(v2sf) =	vpush v13, $0x0;
	_ =	sdelay $0xb  }
0x2f4: {  	s7 =	simm.s32 $0x0;
	s8 =	simm.s32 $0x40;
	s9 =	simm.s32 $0x80;
	_, v12, _ =	vpop (xrf1)  }
.LBB2_18:
0x2f5: {  	p0 =	sne.s32 s9, $0xC00;
	[tilespmem:s7+$0x4700] =	vst v12;
	_, v12, _ =	vpop (xrf1)  }
0x2f6: {  	s4 =	sshra.s32 s8, $0x2;
	s8 =	smov.u32 s9;
	[tilespmem:s7+$0x4780] =	vst v12  }
0x2f7: {  	v12 =	vld [tilespmem:s4+$0x4380];
	s13 =	spop (v2sf)  }
0x2f8: {  	s7 =	sadd.s32 s7, s13;
	_ =	sdelay $0x2  }
0x2f9: {  	v13 =	vld [tilespmem:s4+$0x4000]  }
0x2fa: {  	v14 =	vshrl.u32 v12, $0x7  }
0x2fb: {  	vm0 =	vgt.s32 v12, $0xFFFFFFFF;
	vm1 =	vge.u32 v14, v10  }
0x2fc: {  	vm0 =	vmand vm0, vm1;
	vm1 =	vlt.u32 v14, v11  }
0x2fd: {  	vm0 =	vmand vm1, vm0  }
0x2fe: {  	v12 =	vnsel vm0, $0xFFFFFFFF, v12;
	v14 =	vsel vm0, v9, v8;
	v13 =	vnsel vm0, $0xFFFFFFFF, v13  }
0x2ff: {  	v15 =	vmpcnt.ones.xlane vm0;
	(xrf1) =	vsort.ascd.msk.u32 $0xffff, v14, v13  }
0x300: {  	(xrf1) =	vsort.ascd.msk.u32 $0xffff, v14, v12  }
0x301: {  	(v2sf) =	vpush v15, $0x0;
	_ =	sdelay $0x7  }
.Ltmp14:
0x302: {  	(pc) =	sbr.rel @p0 .LBB2_18-.Ltmp14, $2  }
0x303: {  	_ =	sdelay $0x2  }
0x304: {  	s9 =	sadd.s32 $0x40, s9;
	_, v12, _ =	vpop (xrf1)  }
0x305: {  	[tilespmem:s7+$0x4700] =	vst v12;
	_, v62, _ =	vpop (xrf1)  }
0x306: {  	s4 =	sshra.s32 s8, $0x2;
	[tilespmem:s7+$0x4780] =	vst v62  }
0x307: {  	v12 =	vld [tilespmem:s4+$0x4380];
	_ =	sdelay $0x3  }
0x308: {  	v13 =	vld [tilespmem:s4+$0x4000]  }
0x309: {  	v14 =	vshrl.u32 v12, $0x7  }
0x30a: {  	vm0 =	vgt.s32 v12, $0xFFFFFFFF;
	vm1 =	vge.u32 v14, v10  }
0x30b: {  	vm15 =	vlt.u32 v14, v11;
	vm0 =	vmand vm0, vm1  }
0x30c: {  	vm0 =	vmand vm15, vm0  }
0x30d: {  	v11 =	vsel vm0, v9, v8;
	v13 =	vnsel vm0, $0xFFFFFFFF, v13;
	v63 =	vmpcnt.ones.xlane vm0  }
0x30e: {  	v12 =	vnsel vm0, $0xFFFFFFFF, v12;
	(xrf1) =	vsort.ascd.msk.u32 $0xffff, v11, v13  }
0x30f: {  	(xrf1) =	vsort.ascd.msk.u32 $0xffff, v11, v12;
	(v2sf) =	vpush v63, $0x0;
	_ =	sdelay $0xb  }
0x310: {  	s15 =	spop (v2sf)  }
0x311: {  	s4 =	sadd.s32 s7, s15;
	_, v11, _ =	vpop (xrf1)  }
0x312: {  	[tilespmem:s4+$0x4700] =	vst v11;
	_, v11, _ =	vpop (xrf1)  }
0x313: {  	[tilespmem:s4+$0x4780] =	vst v11;
	s29 =	spop (v2sf)  }
.LBB2_20:
0x314: {  	v11 =	vld [tilespmem:$0x4780]  }
0x315: {  	v12 =	vld [tilespmem:$0x4790];
	_ =	sdelay $0x2  }
0x316: {  	v13 =	vld [tilespmem:$0x4700]  }
0x317: {  	v14 =	vshrl.u32 v11, $0x7  }
0x318: {  	v40 =	vld [tilespmem:$0x4710];
	vm0 =	vgt.s32 v11, $0xFFFFFFFF;
	v16 =	vshrl.u32 v12, $0x7;
	vm1 =	veq.s32 v14, v10  }
0x319: {  	vm2 =	vgt.s32 v12, $0xFFFFFFFF;
	vm15 =	veq.s32 v16, v10;
	vm0 =	vmand vm0, vm1  }
0x31a: {  	v11 =	vnsel vm0, $0xFFFFFFFF, v11;
	v15 =	vsel vm0, v9, v8;
	v41 =	vmpcnt.ones.xlane vm0  }
0x31b: {  	vm4 =	vmand vm2, vm15;
	(xrf1) =	vsort.ascd.msk.u32 $0xffff, v15, v11;
	v11 =	vnsel vm0, $0xFFFFFFFF, v13  }
0x31c: {  	v42 =	vsel vm4, v9, v8;
	(xrf1) =	vsort.ascd.msk.u32 $0xffff, v15, v11;
	(v2sf) =	vpush v41, $0x0;
	v11 =	vnsel vm4, $0xFFFFFFFF, v12  }
0x31d: {  	(xrf1) =	vsort.ascd.msk.u32 $0xffff, v42, v11;
	v11 =	vnsel vm4, $0xFFFFFFFF, v40  }
0x31e: {  	(xrf1) =	vsort.ascd.msk.u32 $0xffff, v42, v11;
	_ =	sdelay $0xa  }
0x31f: {  	_, v11, _ =	vpop (xrf1)  }
0x320: {  	_, v43, _ =	vpop (xrf1);
	[tilespmem:$0x4900] =	vst v11  }
0x321: {  	[tilespmem:$0x4800] =	vst v43;
	s4 =	spop (v2sf);
	_, v11, _ =	vpop (xrf1)  }
0x322: {  	_, v44, _ =	vpop (xrf1);
	[tilespmem:s4+$0x4900] =	vst v11  }
0x323: {  	[tilespmem:s4+$0x4800] =	vst v44  }
0x324: {  	v11 =	vld [tilespmem:$0x47A0];
	_ =	sdelay $0x3  }
0x325: {  	v12 =	vld [tilespmem:$0x4720]  }
0x326: {  	v45 =	vmpcnt.ones.xlane vm4;
	v46 =	vshrl.u32 v11, $0x7  }
0x327: {  	vm5 =	vgt.s32 v11, $0xFFFFFFFF;
	vm6 =	veq.s32 v46, v10  }
0x328: {  	(v2sf) =	vpush v45, $0x0;
	vm0 =	vmand vm5, vm6  }
0x329: {  	v11 =	vnsel vm0, $0xFFFFFFFF, v11;
	v47 =	vsel vm0, v9, v8  }
0x32a: {  	(xrf1) =	vsort.ascd.msk.u32 $0xffff, v47, v11;
	v11 =	vnsel vm0, $0xFFFFFFFF, v12  }
0x32b: {  	(xrf1) =	vsort.ascd.msk.u32 $0xffff, v47, v11;
	_ =	sdelay $0xb  }
0x32c: {  	s7 =	spop (v2sf)  }
0x32d: {  	s4 =	sadd.s32 s4, s7;
	_, v11, _ =	vpop (xrf1)  }
0x32e: {  	_, v48, _ =	vpop (xrf1);
	[tilespmem:s4+$0x4900] =	vst v11  }
0x32f: {  	[tilespmem:s4+$0x4800] =	vst v48  }
0x330: {  	v11 =	vld [tilespmem:$0x47B0];
	_ =	sdelay $0x3  }
0x331: {  	v12 =	vld [tilespmem:$0x4730]  }
0x332: {  	v49 =	vmpcnt.ones.xlane vm0;
	v50 =	vshrl.u32 v11, $0x7  }
0x333: {  	vm7 =	vgt.s32 v11, $0xFFFFFFFF;
	vm8 =	veq.s32 v50, v10  }
0x334: {  	(v2sf) =	vpush v49, $0x0;
	vm0 =	vmand vm7, vm8  }
0x335: {  	v11 =	vnsel vm0, $0xFFFFFFFF, v11;
	v51 =	vsel vm0, v9, v8  }
0x336: {  	(xrf1) =	vsort.ascd.msk.u32 $0xffff, v51, v11;
	v11 =	vnsel vm0, $0xFFFFFFFF, v12  }
0x337: {  	(xrf1) =	vsort.ascd.msk.u32 $0xffff, v51, v11;
	_ =	sdelay $0xb  }
0x338: {  	s8 =	spop (v2sf)  }
0x339: {  	s4 =	sadd.s32 s4, s8;
	_, v11, _ =	vpop (xrf1)  }
0x33a: {  	_, v52, _ =	vpop (xrf1);
	[tilespmem:s4+$0x4900] =	vst v11  }
0x33b: {  	[tilespmem:s4+$0x4800] =	vst v52  }
0x33c: {  	v11 =	vld [tilespmem:$0x47C0];
	_ =	sdelay $0x3  }
0x33d: {  	v12 =	vld [tilespmem:$0x4740]  }
0x33e: {  	v53 =	vmpcnt.ones.xlane vm0;
	v54 =	vshrl.u32 v11, $0x7  }
0x33f: {  	vm9 =	vgt.s32 v11, $0xFFFFFFFF;
	vm10 =	veq.s32 v54, v10  }
0x340: {  	(v2sf) =	vpush v53, $0x0;
	vm0 =	vmand vm9, vm10  }
0x341: {  	v11 =	vnsel vm0, $0xFFFFFFFF, v11;
	v55 =	vsel vm0, v9, v8  }
0x342: {  	(xrf1) =	vsort.ascd.msk.u32 $0xffff, v55, v11;
	v11 =	vnsel vm0, $0xFFFFFFFF, v12  }
0x343: {  	(xrf1) =	vsort.ascd.msk.u32 $0xffff, v55, v11;
	_ =	sdelay $0xb  }
0x344: {  	s9 =	spop (v2sf)  }
0x345: {  	s4 =	sadd.s32 s4, s9;
	_, v11, _ =	vpop (xrf1)  }
0x346: {  	_, v56, _ =	vpop (xrf1);
	[tilespmem:s4+$0x4900] =	vst v11  }
0x347: {  	[tilespmem:s4+$0x4800] =	vst v56  }
0x348: {  	v11 =	vld [tilespmem:$0x47D0];
	_ =	sdelay $0x3  }
0x349: {  	v12 =	vld [tilespmem:$0x4750]  }
0x34a: {  	v57 =	vmpcnt.ones.xlane vm0;
	v58 =	vshrl.u32 v11, $0x7  }
0x34b: {  	vm12 =	vgt.s32 v11, $0xFFFFFFFF;
	vm11 =	veq.s32 v58, v10  }
0x34c: {  	(v2sf) =	vpush v57, $0x0;
	vm0 =	vmand vm12, vm11  }
0x34d: {  	v11 =	vnsel vm0, $0xFFFFFFFF, v11;
	v59 =	vsel vm0, v9, v8  }
0x34e: {  	(xrf1) =	vsort.ascd.msk.u32 $0xffff, v59, v11;
	v11 =	vnsel vm0, $0xFFFFFFFF, v12  }
0x34f: {  	(xrf1) =	vsort.ascd.msk.u32 $0xffff, v59, v11;
	_ =	sdelay $0xb  }
0x350: {  	s13 =	spop (v2sf)  }
0x351: {  	s4 =	sadd.s32 s4, s13;
	_, v11, _ =	vpop (xrf1)  }
0x352: {  	_, v60, _ =	vpop (xrf1);
	[tilespmem:s4+$0x4900] =	vst v11  }
0x353: {  	[tilespmem:s4+$0x4800] =	vst v60  }
0x354: {  	v11 =	vld [tilespmem:$0x47E0];
	_ =	sdelay $0x4  }
0x355: {  	v61 =	vshrl.u32 v11, $0x7  }
0x356: {  	vm13 =	vgt.s32 v11, $0xFFFFFFFF;
	vm14 =	veq.s32 v61, v10  }
0x357: {  	v10 =	vmpcnt.ones.xlane vm0;
	vm15 =	vmand vm13, vm14  }
0x358: {  	v62 =	vmpcnt.ones.xlane vm15  }
0x359: {  	(v2sf) =	vpush v10, $0x0;
	v10 =	vld [tilespmem:$0x4760]  }
0x35a: {  	(v2sf) =	vpush v62, $0x0;
	_ =	sdelay $0x2  }
0x35b: {  	v11 =	vnsel vm15, $0xFFFFFFFF, v11;
	v63 =	vsel vm15, v9, v8  }
0x35c: {  	(xrf1) =	vsort.ascd.msk.u32 $0xffff, v63, v11;
	v10 =	vnsel vm15, $0xFFFFFFFF, v10  }
0x35d: {  	(xrf1) =	vsort.ascd.msk.u32 $0xffff, v63, v10;
	_ =	sdelay $0x8  }
0x35e: {  	p0 =	seq.s32 s31, $0x3D;
	s14 =	spop (v2sf)  }
0x35f: {  	p1 =	sgt.u32 @!p0 s6, $0x1E84;
	s4 =	sadd.s32 s4, s14;
	s15 =	spop (v2sf)  }
0x360: {  	p2 =	por p1, p0;
	s29 =	sadd.s32 s4, s15  }
0x361: {  	p2 =	slt.s32 @!p2 s29, $0x1  }
0x362: {  	_, v10, _ =	vpop (xrf1);
	p1 =	por @!p0 p2, p1  }
0x363: {  	[tilespmem:s4+$0x4900] =	vst v10;
	_, v11, _ =	vpop (xrf1);
	p0 =	por p1, p0  }
0x364: {  	[tilespmem:s4+$0x4800] =	vst v11;
	s6 =	sshll.u32 @!p0 s6, $0x7;
	s4 =	simm.s32 @!p0 $0x400  }
0x365: {  	s7 =	simm.s32 @!p0 $0x7A1400;
	s8 =	simm.s32 @!p0 $0x10D00;
	s6 =	sadd.s32 @!p0 s1, s6  }
0x366: {  	[tilespmem:s8], [sflag:$0x1] =	stream.strided.gather @!p0 [hbm4b:s6+s4], $0x2000, s7, s4, $0x38;
	[tilespmem:$0x18D00] =	vst v63  }
0x367: {  	s4 =	sor.u32 $0x1, s3;
	p0 =	slt.s32 s2, $0x1  }
0x368: {  	p1 =	sgt.u32 @!p0 s4, $0xF4  }
0x369: {  	s6 =	sadd.s32 s5, s4;
	p1 =	por p0, p1  }
0x36a: {  	p2 =	sgt.u32 @!p1 s6, $0x1E84  }
0x36b: {  	p1 =	por p1, p2  }
.Ltmp15:
0x36c: {  	_ = 	snop;
	(pc) =	sbr.rel @p1 .LBB2_22-.Ltmp15, $1  }
0x36d: {  	_ =	sdelay $0x3  }
0x36e: {  	_ =	swait.ge [sflag:s20], $0x2000  }
0x36f: {  	[sflag:s20] =	ssyncset.done $0x0  }
0x370: {  	[sflag:s20] =	ssyncadd.s32 $0xFFFFE000  }
.LBB2_23:
0x371: {  	p1 =	sne.s32 s2, $0x1  }
.Ltmp16:
0x372: {  	_ = 	snop;
	(pc) =	sbr.rel @!p1 .LBB2_24-.Ltmp16, $4  }
0x373: {  	_ = 	snop  }
0x374: {  	s4 =	sshll.u32 s30, $0x8;
	s8 =	sshll.u32 s6, $0x7  }
0x375: {  	s15 =	simm.s32 $0x4930;
	s7 =	simm.s32 $0x4830;
	s4 =	sshra.s32 s4, $0x2  }
0x376: {  	s2 =	sadd.s32 $0xFFFFFFFF, s2;
	p0 =	por $0x0, $0x0;
	v14 =	vld [tilespmem:s15+$0x0];
	s6 =	sadd.s32 $0x4A20, s4  }
0x377: {  	_ =	sdelay $0x3  }
0x378: {  	(v2sf) =	vpush v14, $0x0;
	_ =	sdelay $0xe  }
0x379: {  	v10 =	vmul.u32 $0x80, v6;
	s4 =	spop (v2sf)  }
0x37a: {  	s4 =	ssub.s32 s4, s8  }
0x37b: {  	v11 =	vadd.s32 s4, v10;
	_ =	sdelay $0x4  }
0x37c: {  	v12 =	vld.idx.msk [tilespmem:v11+s21+$0x0], $0xffff;
	v11 =	vor.u32 $0x800, v10  }
0x37d: {  	v13 =	vadd.s32 s4, v11;
	_ =	sdelay $0x3  }
0x37e: {  	v14 =	vld.msk [tilespmem:s7+$0x0 ss:$0x0], $0xffff;
	[tilespmem:s6+$0xFFFFFFE0] =	vst v12  }
0x37f: {  	v12 =	vor.u32 $0x1000, v10;
	v13 =	vld.idx.msk [tilespmem:v13+s21+$0x0], $0xffff  }
0x380: {  	v15 =	vadd.s32 s4, v12;
	_ =	sdelay $0x3  }
0x381: {  	[tilespmem:s6+$0xFFFFFFF0] =	vst v13  }
0x382: {  	v13 =	vor.u32 $0x1800, v10;
	v15 =	vld.idx.msk [tilespmem:v15+s21+$0x0], $0xffff  }
0x383: {  	v16 =	vadd.s32 s4, v13;
	_ =	sdelay $0x3  }
0x384: {  	[tilespmem:s6+$0x0] =	vst v15  }
0x385: {  	v15 =	vld.idx.msk [tilespmem:v16+s21+$0x0], $0xffff  }
0x386: {  	v63 =	vmov s30;
	_ =	sdelay $0x1  }
0x387: {  	p1 =	sne.s32 s2, $0x1  }
.Ltmp17:
0x388: {  	_ = 	snop;
	(pc) =	sbr.rel @!p1 .LBB2_26-.Ltmp17, $4  }
0x389: {  	[tilespmem:s6+$0x10] =	vst v15  }
0x38a: {  	s14 =	simm.s32 $0x4931;
	[tilespmem:v63+s19+$0x0] =	vst.idx.msk $0x1, v14  }
0x38b: {  	s15 =	sadd.s32 $0xFFFFFFFF, s2;
	p0 =	por $0x1, $0x1;
	v14 =	vld [tilespmem:s14+$0x0]  }
0x38c: {  	s9 =	simm.s32 $0x4830;
	s13 =	smov.u32 s6;
	s2 =	smov.u32 s30  }
.LBB2_27:
0x38d: {  	p1 =	sne.s32 s15, $0x1;
	_ =	sdelay $0x2  }
0x38e: {  	(v2sf) =	vpush v14, $0x0;
	_ =	sdelay $0xe  }
0x38f: {  	s4 =	spop (v2sf)  }
0x390: {  	s4 =	ssub.s32 s4, s8  }
0x391: {  	v14 =	vadd.s32 s4, v10;
	_ =	sdelay $0x4  }
0x392: {  	v14 =	vld.idx.msk [tilespmem:v14+s21+$0x0], $0xffff;
	_ =	sdelay $0x1  }
0x393: {  	v15 =	vadd.s32 s4, v11;
	_ =	sdelay $0x2  }
0x394: {  	s9 =	sadd.s32 $0x1, s9;
	s13 =	sadd.s32 $0x40, s13  }
0x395: {  	v16 =	vld.msk [tilespmem:s9+$0x0 ss:$0x0], $0xffff;
	[tilespmem:s13+$0xFFFFFFE0] =	vst v14  }
0x396: {  	v14 =	vld.idx.msk [tilespmem:v15+s21+$0x0], $0xffff;
	_ =	sdelay $0x1  }
0x397: {  	v15 =	vadd.s32 s4, v12;
	_ =	sdelay $0x3  }
0x398: {  	[tilespmem:s13+$0xFFFFFFF0] =	vst v14  }
0x399: {  	v14 =	vld.idx.msk [tilespmem:v15+s21+$0x0], $0xffff;
	_ =	sdelay $0x1  }
0x39a: {  	v15 =	vadd.s32 s4, v13;
	_ =	sdelay $0x3  }
0x39b: {  	[tilespmem:s13+$0x0] =	vst v14  }
0x39c: {  	v14 =	vld.idx.msk [tilespmem:v15+s21+$0x0], $0xffff  }
0x39d: {  	s2 =	sadd.s32 $0x1, s2  }
0x39e: {  	v15 =	vmov s2;
	_ =	sdelay $0x2  }
.Ltmp18:
0x39f: {  	(pc) =	sbr.rel @p1 .LBB2_27-.Ltmp18, $4  }
0x3a0: {  	[tilespmem:s13+$0x10] =	vst v14  }
0x3a1: {  	s14 =	sadd.s32 $0x1, s14;
	[tilespmem:v15+s19+$0x0] =	vst.idx.msk $0x1, v16  }
0x3a2: {  	v14 =	vld [tilespmem:s14+$0x0]  }
0x3a3: {  	s15 =	sadd.s32 $0xFFFFFFFF, s15  }
.LBB2_28:
0x3a4: {  	_ =	sdelay $0x2  }
0x3a5: {  	(v2sf) =	vpush v14, $0x0;
	_ =	sdelay $0xe  }
0x3a6: {  	v10 =	vmul.u32 $0x80, v6;
	s4 =	spop (v2sf)  }
0x3a7: {  	s4 =	ssub.s32 s4, s8  }
0x3a8: {  	v11 =	vadd.s32 s4, v10;
	_ =	sdelay $0x4  }
0x3a9: {  	v12 =	vor.u32 $0x800, v10;
	v11 =	vld.idx.msk [tilespmem:v11+s21+$0x0], $0xffff  }
0x3aa: {  	v12 =	vadd.s32 s4, v12;
	_ =	sdelay $0x1  }
0x3ab: {  	s8 =	sadd.s32 @p0 $0x1, s9;
	s9 =	sadd.s32 @p0 $0x40, s13  }
0x3ac: {  	s7 =	smov.u32 @p0 s8;
	s6 =	smov.u32 @p0 s9  }
0x3ad: {  	v13 =	vld.msk [tilespmem:s7+$0x0 ss:$0x0], $0xffff;
	[tilespmem:s6+$0xFFFFFFE0] =	vst v11  }
0x3ae: {  	v63 =	vor.u32 $0x1000, v10;
	v11 =	vld.idx.msk [tilespmem:v12+s21+$0x0], $0xffff  }
0x3af: {  	v12 =	vadd.s32 s4, v63;
	_ =	sdelay $0x3  }
0x3b0: {  	[tilespmem:s6+$0xFFFFFFF0] =	vst v11  }
0x3b1: {  	v10 =	vor.u32 $0x1800, v10;
	v11 =	vld.idx.msk [tilespmem:v12+s21+$0x0], $0xffff  }
0x3b2: {  	v10 =	vadd.s32 s4, v10;
	_ =	sdelay $0x3  }
0x3b3: {  	s2 =	sadd.s32 @p0 $0x1, s2;
	[tilespmem:s6+$0x0] =	vst v11  }
0x3b4: {  	s30 =	smov.u32 @p0 s2;
	v10 =	vld.idx.msk [tilespmem:v10+s21+$0x0], $0xffff  }
0x3b5: {  	v11 =	vmov s30;
	_ =	sdelay $0x3  }
0x3b6: {  	[tilespmem:s6+$0x10] =	vst v10  }
0x3b7: {  	s30 =	sadd.s32 $0x1, s30;
	[tilespmem:v11+s19+$0x0] =	vst.idx.msk $0x1, v13  }
.LBB2_29:
0x3b8: {  	v10 =	vld [tilespmem:$0x4780]  }
0x3b9: {  	v11 =	vld [tilespmem:$0x4790];
	_ =	sdelay $0x2  }
0x3ba: {  	v12 =	vld [tilespmem:$0x4700]  }
0x3bb: {  	s6 =	sadd.s32 s3, s10;
	v13 =	vshrl.u32 v10, $0x7  }
0x3bc: {  	v48 =	vld [tilespmem:$0x4710];
	vm0 =	vgt.s32 v10, $0xFFFFFFFF;
	v15 =	vshrl.u32 v11, $0x7;
	vm1 =	veq.s32 v13, s6  }
0x3bd: {  	vm2 =	vgt.s32 v11, $0xFFFFFFFF;
	vm15 =	veq.s32 v15, s6;
	vm0 =	vmand vm0, vm1  }
0x3be: {  	v10 =	vnsel vm0, $0xFFFFFFFF, v10;
	v14 =	vsel vm0, v9, v8;
	v49 =	vmpcnt.ones.xlane vm0  }
0x3bf: {  	vm4 =	vmand vm2, vm15;
	(xrf1) =	vsort.ascd.msk.u32 $0xffff, v14, v10;
	v10 =	vnsel vm0, $0xFFFFFFFF, v12  }
0x3c0: {  	(xrf1) =	vsort.ascd.msk.u32 $0xffff, v14, v10;
	(v2sf) =	vpush v49, $0x0;
	v10 =	vnsel vm4, $0xFFFFFFFF, v11;
	v11 =	vsel vm4, v9, v8  }
0x3c1: {  	(xrf1) =	vsort.ascd.msk.u32 $0xffff, v11, v10;
	v10 =	vnsel vm4, $0xFFFFFFFF, v48  }
0x3c2: {  	(xrf1) =	vsort.ascd.msk.u32 $0xffff, v11, v10;
	_ =	sdelay $0xa  }
0x3c3: {  	_, v10, _ =	vpop (xrf1)  }
0x3c4: {  	_, v11, _ =	vpop (xrf1);
	[tilespmem:$0x4930] =	vst v10  }
0x3c5: {  	[tilespmem:$0x4830] =	vst v11;
	s2 =	spop (v2sf);
	_, v10, _ =	vpop (xrf1)  }
0x3c6: {  	_, v11, _ =	vpop (xrf1);
	[tilespmem:s2+$0x4930] =	vst v10  }
0x3c7: {  	[tilespmem:s2+$0x4830] =	vst v11  }
0x3c8: {  	v10 =	vld [tilespmem:$0x47A0];
	_ =	sdelay $0x3  }
0x3c9: {  	v11 =	vld [tilespmem:$0x4720]  }
0x3ca: {  	v50 =	vmpcnt.ones.xlane vm4;
	v51 =	vshrl.u32 v10, $0x7  }
0x3cb: {  	vm5 =	vgt.s32 v10, $0xFFFFFFFF;
	vm6 =	veq.s32 v51, s6  }
0x3cc: {  	(v2sf) =	vpush v50, $0x0;
	vm0 =	vmand vm5, vm6  }
0x3cd: {  	v10 =	vnsel vm0, $0xFFFFFFFF, v10;
	v52 =	vsel vm0, v9, v8  }
0x3ce: {  	(xrf1) =	vsort.ascd.msk.u32 $0xffff, v52, v10;
	v10 =	vnsel vm0, $0xFFFFFFFF, v11  }
0x3cf: {  	(xrf1) =	vsort.ascd.msk.u32 $0xffff, v52, v10;
	_ =	sdelay $0xb  }
0x3d0: {  	s4 =	spop (v2sf)  }
0x3d1: {  	s2 =	sadd.s32 s2, s4;
	_, v10, _ =	vpop (xrf1)  }
0x3d2: {  	_, v11, _ =	vpop (xrf1);
	[tilespmem:s2+$0x4930] =	vst v10  }
0x3d3: {  	[tilespmem:s2+$0x4830] =	vst v11  }
0x3d4: {  	v10 =	vld [tilespmem:$0x47B0];
	_ =	sdelay $0x3  }
0x3d5: {  	v11 =	vld [tilespmem:$0x4730]  }
0x3d6: {  	v53 =	vmpcnt.ones.xlane vm0;
	v54 =	vshrl.u32 v10, $0x7  }
0x3d7: {  	vm7 =	vgt.s32 v10, $0xFFFFFFFF;
	vm8 =	veq.s32 v54, s6  }
0x3d8: {  	(v2sf) =	vpush v53, $0x0;
	vm0 =	vmand vm7, vm8  }
0x3d9: {  	v10 =	vnsel vm0, $0xFFFFFFFF, v10;
	v55 =	vsel vm0, v9, v8  }
0x3da: {  	(xrf1) =	vsort.ascd.msk.u32 $0xffff, v55, v10;
	v10 =	vnsel vm0, $0xFFFFFFFF, v11  }
0x3db: {  	(xrf1) =	vsort.ascd.msk.u32 $0xffff, v55, v10;
	_ =	sdelay $0xb  }
0x3dc: {  	s7 =	spop (v2sf)  }
0x3dd: {  	s2 =	sadd.s32 s2, s7;
	_, v10, _ =	vpop (xrf1)  }
0x3de: {  	_, v11, _ =	vpop (xrf1);
	[tilespmem:s2+$0x4930] =	vst v10  }
0x3df: {  	[tilespmem:s2+$0x4830] =	vst v11  }
0x3e0: {  	v10 =	vld [tilespmem:$0x47C0];
	_ =	sdelay $0x3  }
0x3e1: {  	v11 =	vld [tilespmem:$0x4740]  }
0x3e2: {  	v56 =	vmpcnt.ones.xlane vm0;
	v57 =	vshrl.u32 v10, $0x7  }
0x3e3: {  	vm9 =	vgt.s32 v10, $0xFFFFFFFF;
	vm10 =	veq.s32 v57, s6  }
0x3e4: {  	(v2sf) =	vpush v56, $0x0;
	vm0 =	vmand vm9, vm10  }
0x3e5: {  	v10 =	vnsel vm0, $0xFFFFFFFF, v10;
	v58 =	vsel vm0, v9, v8  }
0x3e6: {  	(xrf1) =	vsort.ascd.msk.u32 $0xffff, v58, v10;
	v10 =	vnsel vm0, $0xFFFFFFFF, v11  }
0x3e7: {  	(xrf1) =	vsort.ascd.msk.u32 $0xffff, v58, v10;
	_ =	sdelay $0xb  }
0x3e8: {  	s8 =	spop (v2sf)  }
0x3e9: {  	s2 =	sadd.s32 s2, s8;
	_, v10, _ =	vpop (xrf1)  }
0x3ea: {  	_, v11, _ =	vpop (xrf1);
	[tilespmem:s2+$0x4930] =	vst v10  }
0x3eb: {  	[tilespmem:s2+$0x4830] =	vst v11  }
0x3ec: {  	v10 =	vld [tilespmem:$0x47D0];
	_ =	sdelay $0x3  }
0x3ed: {  	v11 =	vld [tilespmem:$0x4750]  }
0x3ee: {  	v59 =	vmpcnt.ones.xlane vm0;
	v60 =	vshrl.u32 v10, $0x7  }
0x3ef: {  	vm12 =	vgt.s32 v10, $0xFFFFFFFF;
	vm11 =	veq.s32 v60, s6  }
0x3f0: {  	(v2sf) =	vpush v59, $0x0;
	vm0 =	vmand vm12, vm11  }
0x3f1: {  	v10 =	vnsel vm0, $0xFFFFFFFF, v10;
	v61 =	vsel vm0, v9, v8  }
0x3f2: {  	(xrf1) =	vsort.ascd.msk.u32 $0xffff, v61, v10;
	v10 =	vnsel vm0, $0xFFFFFFFF, v11  }
0x3f3: {  	(xrf1) =	vsort.ascd.msk.u32 $0xffff, v61, v10;
	_ =	sdelay $0xb  }
0x3f4: {  	s9 =	spop (v2sf)  }
0x3f5: {  	s2 =	sadd.s32 s2, s9;
	_, v10, _ =	vpop (xrf1)  }
0x3f6: {  	_, v11, _ =	vpop (xrf1);
	[tilespmem:s2+$0x4930] =	vst v10  }
0x3f7: {  	[tilespmem:s2+$0x4830] =	vst v11  }
0x3f8: {  	v10 =	vld [tilespmem:$0x47E0];
	_ =	sdelay $0x4  }
0x3f9: {  	v11 =	vshrl.u32 v10, $0x7  }
0x3fa: {  	vm13 =	vgt.s32 v10, $0xFFFFFFFF;
	vm14 =	veq.s32 v11, s6  }
0x3fb: {  	v11 =	vmpcnt.ones.xlane vm0;
	vm15 =	vmand vm13, vm14  }
0x3fc: {  	v62 =	vmpcnt.ones.xlane vm15  }
0x3fd: {  	(v2sf) =	vpush v11, $0x0;
	v11 =	vld [tilespmem:$0x4760]  }
0x3fe: {  	(v2sf) =	vpush v62, $0x0;
	_ =	sdelay $0x2  }
0x3ff: {  	v10 =	vnsel vm15, $0xFFFFFFFF, v10;
	v63 =	vsel vm15, v9, v8  }
0x400: {  	(xrf1) =	vsort.ascd.msk.u32 $0xffff, v63, v10;
	v10 =	vnsel vm15, $0xFFFFFFFF, v11  }
0x401: {  	(xrf1) =	vsort.ascd.msk.u32 $0xffff, v63, v10;
	_ =	sdelay $0x8  }
0x402: {  	p0 =	sgt.u32 s31, $0x3B;
	s13 =	spop (v2sf)  }
0x403: {  	p1 =	sgt.u32 @!p0 s6, $0x1E84;
	s4 =	sadd.s32 s2, s13;
	s14 =	spop (v2sf)  }
0x404: {  	p2 =	por p1, p0;
	s2 =	sadd.s32 s4, s14  }
0x405: {  	p2 =	slt.s32 @!p2 s2, $0x1  }
0x406: {  	_, v10, _ =	vpop (xrf1);
	p1 =	por @!p0 p2, p1  }
0x407: {  	[tilespmem:s4+$0x4930] =	vst v10;
	_, v11, _ =	vpop (xrf1);
	p1 =	por p1, p0  }
0x408: {  	s15 =	sor.u32 $0x2, s3;
	[tilespmem:s4+$0x4830] =	vst v11;
	s6 =	sshll.u32 @!p1 s6, $0x7;
	s4 =	simm.s32 @!p1 $0x400  }
0x409: {  	s7 =	simm.s32 @!p1 $0x7A1400;
	s8 =	simm.s32 @!p1 $0x12D00;
	s6 =	sadd.s32 @!p1 s1, s6  }
0x40a: {  	[tilespmem:s8], [sflag:$0x2] =	stream.strided.gather @!p1 [hbm4b:s6+s4], $0x2000, s7, s4, $0x38;
	[tilespmem:$0x18D00] =	vst v63  }
0x40b: {  	s6 =	sadd.s32 s5, s15;
	p1 =	sgt.u32 s15, $0xF4  }
0x40c: {  	p2 =	sgt.u32 @!p1 s6, $0x1E84  }
0x40d: {  	p1 =	por p1, p2  }
0x40e: {  	p2 =	slt.s32 @!p1 s0, $0x1  }
0x40f: {  	p1 =	por p1, p2  }
.Ltmp19:
0x410: {  	_ = 	snop;
	(pc) =	sbr.rel @p1 .LBB2_31-.Ltmp19, $1  }
0x411: {  	_ =	sdelay $0x3  }
.Ltmp20:
0x412: {  	(pc) =	sbr.rel .LBB2_32-.Ltmp20, $4  }
0x413: {  	_ = 	snop  }
0x414: {  	_ =	swait.ge [sflag:s22], $0x2000  }
0x415: {  	[sflag:s22] =	ssyncset.done $0x0  }
0x416: {  	[sflag:s22] =	ssyncadd.s32 $0xFFFFE000  }
.LBB2_31:
0x417: {  	p1 =	slt.s32 s0, $0x1  }
.Ltmp21:
0x418: {  	_ = 	snop;
	(pc) =	sbr.rel @p1 .LBB2_38-.Ltmp21, $1  }
0x419: {  	_ =	sdelay $0x3  }
.LBB2_32:
0x41a: {  	p2 =	sne.s32 s0, $0x1  }
.Ltmp22:
0x41b: {  	_ = 	snop;
	(pc) =	sbr.rel @!p2 .LBB2_33-.Ltmp22, $4  }
0x41c: {  	_ = 	snop  }
0x41d: {  	s4 =	sshll.u32 s30, $0x8;
	s8 =	sshll.u32 s6, $0x7  }
0x41e: {  	s15 =	simm.s32 $0x4960;
	s7 =	simm.s32 $0x4860;
	s4 =	sshra.s32 s4, $0x2  }
0x41f: {  	s0 =	sadd.s32 $0xFFFFFFFF, s0;
	p1 =	por $0x0, $0x0;
	v14 =	vld [tilespmem:s15+$0x0];
	s6 =	sadd.s32 $0x4A20, s4  }
0x420: {  	_ =	sdelay $0x3  }
0x421: {  	(v2sf) =	vpush v14, $0x0;
	_ =	sdelay $0xe  }
0x422: {  	v10 =	vmul.u32 $0x80, v6;
	s4 =	spop (v2sf)  }
0x423: {  	s4 =	ssub.s32 s4, s8  }
0x424: {  	v11 =	vadd.s32 s4, v10;
	_ =	sdelay $0x4  }
0x425: {  	v12 =	vld.idx.msk [tilespmem:v11+s23+$0x0], $0xffff;
	v11 =	vor.u32 $0x800, v10  }
0x426: {  	v13 =	vadd.s32 s4, v11;
	_ =	sdelay $0x3  }
0x427: {  	v14 =	vld.msk [tilespmem:s7+$0x0 ss:$0x0], $0xffff;
	[tilespmem:s6+$0xFFFFFFE0] =	vst v12  }
0x428: {  	v12 =	vor.u32 $0x1000, v10;
	v13 =	vld.idx.msk [tilespmem:v13+s23+$0x0], $0xffff  }
0x429: {  	v15 =	vadd.s32 s4, v12;
	_ =	sdelay $0x3  }
0x42a: {  	[tilespmem:s6+$0xFFFFFFF0] =	vst v13  }
0x42b: {  	v13 =	vor.u32 $0x1800, v10;
	v15 =	vld.idx.msk [tilespmem:v15+s23+$0x0], $0xffff  }
0x42c: {  	v16 =	vadd.s32 s4, v13;
	_ =	sdelay $0x3  }
0x42d: {  	[tilespmem:s6+$0x0] =	vst v15  }
0x42e: {  	v15 =	vld.idx.msk [tilespmem:v16+s23+$0x0], $0xffff  }
0x42f: {  	v63 =	vmov s30;
	_ =	sdelay $0x1  }
0x430: {  	p2 =	sne.s32 s0, $0x1  }
.Ltmp23:
0x431: {  	_ = 	snop;
	(pc) =	sbr.rel @!p2 .LBB2_35-.Ltmp23, $4  }
0x432: {  	[tilespmem:s6+$0x10] =	vst v15  }
0x433: {  	s14 =	simm.s32 $0x4961;
	[tilespmem:v63+s19+$0x0] =	vst.idx.msk $0x1, v14  }
0x434: {  	s15 =	sadd.s32 $0xFFFFFFFF, s0;
	p1 =	por $0x1, $0x1;
	v14 =	vld [tilespmem:s14+$0x0]  }
0x435: {  	s9 =	simm.s32 $0x4860;
	s13 =	smov.u32 s6;
	s0 =	smov.u32 s30  }
.LBB2_36:
0x436: {  	p2 =	sne.s32 s15, $0x1;
	_ =	sdelay $0x2  }
0x437: {  	(v2sf) =	vpush v14, $0x0;
	_ =	sdelay $0xe  }
0x438: {  	s4 =	spop (v2sf)  }
0x439: {  	s4 =	ssub.s32 s4, s8  }
0x43a: {  	v14 =	vadd.s32 s4, v10;
	_ =	sdelay $0x4  }
0x43b: {  	v14 =	vld.idx.msk [tilespmem:v14+s23+$0x0], $0xffff;
	_ =	sdelay $0x1  }
0x43c: {  	v15 =	vadd.s32 s4, v11;
	_ =	sdelay $0x2  }
0x43d: {  	s9 =	sadd.s32 $0x1, s9;
	s13 =	sadd.s32 $0x40, s13  }
0x43e: {  	v16 =	vld.msk [tilespmem:s9+$0x0 ss:$0x0], $0xffff;
	[tilespmem:s13+$0xFFFFFFE0] =	vst v14  }
0x43f: {  	v14 =	vld.idx.msk [tilespmem:v15+s23+$0x0], $0xffff;
	_ =	sdelay $0x1  }
0x440: {  	v15 =	vadd.s32 s4, v12;
	_ =	sdelay $0x3  }
0x441: {  	[tilespmem:s13+$0xFFFFFFF0] =	vst v14  }
0x442: {  	v14 =	vld.idx.msk [tilespmem:v15+s23+$0x0], $0xffff;
	_ =	sdelay $0x1  }
0x443: {  	v15 =	vadd.s32 s4, v13;
	_ =	sdelay $0x3  }
0x444: {  	[tilespmem:s13+$0x0] =	vst v14  }
0x445: {  	v14 =	vld.idx.msk [tilespmem:v15+s23+$0x0], $0xffff  }
0x446: {  	s0 =	sadd.s32 $0x1, s0  }
0x447: {  	v15 =	vmov s0;
	_ =	sdelay $0x2  }
.Ltmp24:
0x448: {  	(pc) =	sbr.rel @p2 .LBB2_36-.Ltmp24, $4  }
0x449: {  	[tilespmem:s13+$0x10] =	vst v14  }
0x44a: {  	s14 =	sadd.s32 $0x1, s14;
	[tilespmem:v15+s19+$0x0] =	vst.idx.msk $0x1, v16  }
0x44b: {  	v14 =	vld [tilespmem:s14+$0x0]  }
0x44c: {  	s15 =	sadd.s32 $0xFFFFFFFF, s15  }
.LBB2_37:
0x44d: {  	_ =	sdelay $0x2  }
0x44e: {  	(v2sf) =	vpush v14, $0x0;
	_ =	sdelay $0xe  }
0x44f: {  	v10 =	vmul.u32 $0x80, v6;
	s4 =	spop (v2sf)  }
0x450: {  	s4 =	ssub.s32 s4, s8  }
0x451: {  	v11 =	vadd.s32 s4, v10;
	_ =	sdelay $0x4  }
0x452: {  	v12 =	vor.u32 $0x800, v10;
	v11 =	vld.idx.msk [tilespmem:v11+s23+$0x0], $0xffff  }
0x453: {  	v12 =	vadd.s32 s4, v12;
	_ =	sdelay $0x1  }
0x454: {  	s8 =	sadd.s32 @p1 $0x1, s9;
	s9 =	sadd.s32 @p1 $0x40, s13  }
0x455: {  	s7 =	smov.u32 @p1 s8;
	s6 =	smov.u32 @p1 s9  }
0x456: {  	v13 =	vld.msk [tilespmem:s7+$0x0 ss:$0x0], $0xffff;
	[tilespmem:s6+$0xFFFFFFE0] =	vst v11  }
0x457: {  	v63 =	vor.u32 $0x1000, v10;
	v11 =	vld.idx.msk [tilespmem:v12+s23+$0x0], $0xffff  }
0x458: {  	v12 =	vadd.s32 s4, v63;
	_ =	sdelay $0x3  }
0x459: {  	[tilespmem:s6+$0xFFFFFFF0] =	vst v11  }
0x45a: {  	v10 =	vor.u32 $0x1800, v10;
	v11 =	vld.idx.msk [tilespmem:v12+s23+$0x0], $0xffff  }
0x45b: {  	v10 =	vadd.s32 s4, v10;
	_ =	sdelay $0x3  }
0x45c: {  	s0 =	sadd.s32 @p1 $0x1, s0;
	[tilespmem:s6+$0x0] =	vst v11  }
0x45d: {  	s30 =	smov.u32 @p1 s0;
	v10 =	vld.idx.msk [tilespmem:v10+s23+$0x0], $0xffff  }
0x45e: {  	v11 =	vmov s30;
	_ =	sdelay $0x3  }
0x45f: {  	[tilespmem:s6+$0x10] =	vst v10  }
0x460: {  	s30 =	sadd.s32 $0x1, s30;
	[tilespmem:v11+s19+$0x0] =	vst.idx.msk $0x1, v13  }
.LBB2_38:
0x461: {  	v10 =	vld [tilespmem:$0x4780]  }
0x462: {  	v11 =	vld [tilespmem:$0x4790];
	_ =	sdelay $0x2  }
0x463: {  	v12 =	vld [tilespmem:$0x4700]  }
0x464: {  	s6 =	sadd.s32 s3, s11;
	v13 =	vshrl.u32 v10, $0x7  }
0x465: {  	v48 =	vld [tilespmem:$0x4710];
	vm0 =	vgt.s32 v10, $0xFFFFFFFF;
	v15 =	vshrl.u32 v11, $0x7;
	vm1 =	veq.s32 v13, s6  }
0x466: {  	vm2 =	vgt.s32 v11, $0xFFFFFFFF;
	vm15 =	veq.s32 v15, s6;
	vm0 =	vmand vm0, vm1  }
0x467: {  	v10 =	vnsel vm0, $0xFFFFFFFF, v10;
	v14 =	vsel vm0, v9, v8;
	v49 =	vmpcnt.ones.xlane vm0  }
0x468: {  	vm4 =	vmand vm2, vm15;
	(xrf1) =	vsort.ascd.msk.u32 $0xffff, v14, v10;
	v10 =	vnsel vm0, $0xFFFFFFFF, v12  }
0x469: {  	(xrf1) =	vsort.ascd.msk.u32 $0xffff, v14, v10;
	(v2sf) =	vpush v49, $0x0;
	v10 =	vnsel vm4, $0xFFFFFFFF, v11;
	v11 =	vsel vm4, v9, v8  }
0x46a: {  	(xrf1) =	vsort.ascd.msk.u32 $0xffff, v11, v10;
	v10 =	vnsel vm4, $0xFFFFFFFF, v48  }
0x46b: {  	(xrf1) =	vsort.ascd.msk.u32 $0xffff, v11, v10;
	_ =	sdelay $0xa  }
0x46c: {  	_, v10, _ =	vpop (xrf1)  }
0x46d: {  	_, v11, _ =	vpop (xrf1);
	[tilespmem:$0x4960] =	vst v10  }
0x46e: {  	[tilespmem:$0x4860] =	vst v11;
	s0 =	spop (v2sf);
	_, v10, _ =	vpop (xrf1)  }
0x46f: {  	_, v11, _ =	vpop (xrf1);
	[tilespmem:s0+$0x4960] =	vst v10  }
0x470: {  	[tilespmem:s0+$0x4860] =	vst v11  }
0x471: {  	v10 =	vld [tilespmem:$0x47A0];
	_ =	sdelay $0x3  }
0x472: {  	v11 =	vld [tilespmem:$0x4720]  }
0x473: {  	v50 =	vmpcnt.ones.xlane vm4;
	v51 =	vshrl.u32 v10, $0x7  }
0x474: {  	vm5 =	vgt.s32 v10, $0xFFFFFFFF;
	vm6 =	veq.s32 v51, s6  }
0x475: {  	(v2sf) =	vpush v50, $0x0;
	vm0 =	vmand vm5, vm6  }
0x476: {  	v10 =	vnsel vm0, $0xFFFFFFFF, v10;
	v52 =	vsel vm0, v9, v8  }
0x477: {  	(xrf1) =	vsort.ascd.msk.u32 $0xffff, v52, v10;
	v10 =	vnsel vm0, $0xFFFFFFFF, v11  }
0x478: {  	(xrf1) =	vsort.ascd.msk.u32 $0xffff, v52, v10;
	_ =	sdelay $0xb  }
0x479: {  	s4 =	spop (v2sf)  }
0x47a: {  	s0 =	sadd.s32 s0, s4;
	_, v10, _ =	vpop (xrf1)  }
0x47b: {  	_, v11, _ =	vpop (xrf1);
	[tilespmem:s0+$0x4960] =	vst v10  }
0x47c: {  	[tilespmem:s0+$0x4860] =	vst v11  }
0x47d: {  	v10 =	vld [tilespmem:$0x47B0];
	_ =	sdelay $0x3  }
0x47e: {  	v11 =	vld [tilespmem:$0x4730]  }
0x47f: {  	v53 =	vmpcnt.ones.xlane vm0;
	v54 =	vshrl.u32 v10, $0x7  }
0x480: {  	vm7 =	vgt.s32 v10, $0xFFFFFFFF;
	vm8 =	veq.s32 v54, s6  }
0x481: {  	(v2sf) =	vpush v53, $0x0;
	vm0 =	vmand vm7, vm8  }
0x482: {  	v10 =	vnsel vm0, $0xFFFFFFFF, v10;
	v55 =	vsel vm0, v9, v8  }
0x483: {  	(xrf1) =	vsort.ascd.msk.u32 $0xffff, v55, v10;
	v10 =	vnsel vm0, $0xFFFFFFFF, v11  }
0x484: {  	(xrf1) =	vsort.ascd.msk.u32 $0xffff, v55, v10;
	_ =	sdelay $0xb  }
0x485: {  	s7 =	spop (v2sf)  }
0x486: {  	s0 =	sadd.s32 s0, s7;
	_, v10, _ =	vpop (xrf1)  }
0x487: {  	_, v11, _ =	vpop (xrf1);
	[tilespmem:s0+$0x4960] =	vst v10  }
0x488: {  	[tilespmem:s0+$0x4860] =	vst v11  }
0x489: {  	v10 =	vld [tilespmem:$0x47C0];
	_ =	sdelay $0x3  }
0x48a: {  	v11 =	vld [tilespmem:$0x4740]  }
0x48b: {  	v56 =	vmpcnt.ones.xlane vm0;
	v57 =	vshrl.u32 v10, $0x7  }
0x48c: {  	vm9 =	vgt.s32 v10, $0xFFFFFFFF;
	vm10 =	veq.s32 v57, s6  }
0x48d: {  	(v2sf) =	vpush v56, $0x0;
	vm0 =	vmand vm9, vm10  }
0x48e: {  	v10 =	vnsel vm0, $0xFFFFFFFF, v10;
	v58 =	vsel vm0, v9, v8  }
0x48f: {  	(xrf1) =	vsort.ascd.msk.u32 $0xffff, v58, v10;
	v10 =	vnsel vm0, $0xFFFFFFFF, v11  }
0x490: {  	(xrf1) =	vsort.ascd.msk.u32 $0xffff, v58, v10;
	_ =	sdelay $0xb  }
0x491: {  	s8 =	spop (v2sf)  }
0x492: {  	s0 =	sadd.s32 s0, s8;
	_, v10, _ =	vpop (xrf1)  }
0x493: {  	_, v11, _ =	vpop (xrf1);
	[tilespmem:s0+$0x4960] =	vst v10  }
0x494: {  	[tilespmem:s0+$0x4860] =	vst v11  }
0x495: {  	v10 =	vld [tilespmem:$0x47D0];
	_ =	sdelay $0x3  }
0x496: {  	v11 =	vld [tilespmem:$0x4750]  }
0x497: {  	v59 =	vmpcnt.ones.xlane vm0;
	v60 =	vshrl.u32 v10, $0x7  }
0x498: {  	vm12 =	vgt.s32 v10, $0xFFFFFFFF;
	vm11 =	veq.s32 v60, s6  }
0x499: {  	(v2sf) =	vpush v59, $0x0;
	vm0 =	vmand vm12, vm11  }
0x49a: {  	v10 =	vnsel vm0, $0xFFFFFFFF, v10;
	v61 =	vsel vm0, v9, v8  }
0x49b: {  	(xrf1) =	vsort.ascd.msk.u32 $0xffff, v61, v10;
	v10 =	vnsel vm0, $0xFFFFFFFF, v11  }
0x49c: {  	(xrf1) =	vsort.ascd.msk.u32 $0xffff, v61, v10;
	_ =	sdelay $0xb  }
0x49d: {  	s9 =	spop (v2sf)  }
0x49e: {  	s0 =	sadd.s32 s0, s9;
	_, v10, _ =	vpop (xrf1)  }
0x49f: {  	_, v11, _ =	vpop (xrf1);
	[tilespmem:s0+$0x4960] =	vst v10  }
0x4a0: {  	[tilespmem:s0+$0x4860] =	vst v11  }
0x4a1: {  	v10 =	vld [tilespmem:$0x47E0];
	_ =	sdelay $0x4  }
0x4a2: {  	v11 =	vshrl.u32 v10, $0x7  }
0x4a3: {  	vm13 =	vgt.s32 v10, $0xFFFFFFFF;
	vm14 =	veq.s32 v11, s6  }
0x4a4: {  	v11 =	vmpcnt.ones.xlane vm0;
	vm15 =	vmand vm13, vm14  }
0x4a5: {  	v62 =	vmpcnt.ones.xlane vm15  }
0x4a6: {  	(v2sf) =	vpush v11, $0x0;
	v11 =	vld [tilespmem:$0x4760]  }
0x4a7: {  	(v2sf) =	vpush v62, $0x0;
	_ =	sdelay $0x2  }
0x4a8: {  	v10 =	vnsel vm15, $0xFFFFFFFF, v10;
	v63 =	vsel vm15, v9, v8  }
0x4a9: {  	(xrf1) =	vsort.ascd.msk.u32 $0xffff, v63, v10;
	v10 =	vnsel vm15, $0xFFFFFFFF, v11  }
0x4aa: {  	(xrf1) =	vsort.ascd.msk.u32 $0xffff, v63, v10;
	_ =	sdelay $0x8  }
0x4ab: {  	s13 =	spop (v2sf)  }
0x4ac: {  	p1 =	sgt.u32 @!p0 s6, $0x1E84;
	s4 =	sadd.s32 s0, s13;
	s14 =	spop (v2sf)  }
0x4ad: {  	p2 =	por p1, p0;
	s0 =	sadd.s32 s4, s14  }
0x4ae: {  	p2 =	slt.s32 @!p2 s0, $0x1  }
0x4af: {  	_, v10, _ =	vpop (xrf1);
	p1 =	por @!p0 p2, p1  }
0x4b0: {  	[tilespmem:s4+$0x4960] =	vst v10;
	_, v11, _ =	vpop (xrf1);
	p1 =	por p1, p0  }
0x4b1: {  	s15 =	sor.u32 $0x3, s3;
	[tilespmem:s4+$0x4860] =	vst v11;
	s6 =	sshll.u32 @!p1 s6, $0x7;
	s4 =	simm.s32 @!p1 $0x400  }
0x4b2: {  	s7 =	simm.s32 @!p1 $0x7A1400;
	s8 =	simm.s32 @!p1 $0x14D00;
	s6 =	sadd.s32 @!p1 s1, s6  }
0x4b3: {  	[tilespmem:s8], [sflag:$0x3] =	stream.strided.gather @!p1 [hbm4b:s6+s4], $0x2000, s7, s4, $0x38;
	[tilespmem:$0x18D00] =	vst v63  }
0x4b4: {  	s6 =	sadd.s32 s5, s15;
	p1 =	sgt.u32 s15, $0xF4  }
0x4b5: {  	p2 =	sgt.u32 @!p1 s6, $0x1E84  }
0x4b6: {  	p1 =	por p1, p2  }
0x4b7: {  	p2 =	slt.s32 @!p1 s26, $0x1  }
0x4b8: {  	p1 =	por p1, p2  }
.Ltmp25:
0x4b9: {  	_ = 	snop;
	(pc) =	sbr.rel @p1 .LBB2_40-.Ltmp25, $1  }
0x4ba: {  	_ =	sdelay $0x3  }
.Ltmp26:
0x4bb: {  	(pc) =	sbr.rel .LBB2_41-.Ltmp26, $4  }
0x4bc: {  	_ = 	snop  }
0x4bd: {  	_ =	swait.ge [sflag:s24], $0x2000  }
0x4be: {  	[sflag:s24] =	ssyncset.done $0x0  }
0x4bf: {  	[sflag:s24] =	ssyncadd.s32 $0xFFFFE000  }
.LBB2_40:
0x4c0: {  	p1 =	slt.s32 s26, $0x1  }
.Ltmp27:
0x4c1: {  	_ = 	snop;
	(pc) =	sbr.rel @p1 .LBB2_47-.Ltmp27, $1  }
0x4c2: {  	_ =	sdelay $0x3  }
.LBB2_41:
0x4c3: {  	s15 =	simm.s32 $0x4990;
	p2 =	sne.s32 s26, $0x1  }
.Ltmp28:
0x4c4: {  	v14 =	vld [tilespmem:s15+$0x0];
	(pc) =	sbr.rel @!p2 .LBB2_42-.Ltmp28, $4  }
0x4c5: {  	_ = 	snop  }
0x4c6: {  	s4 =	sshll.u32 s30, $0x8  }
0x4c7: {  	s8 =	sshll.u32 s6, $0x7;
	s7 =	simm.s32 $0x4890;
	s4 =	sshra.s32 s4, $0x2  }
0x4c8: {  	s9 =	sadd.s32 $0xFFFFFFFF, s26;
	p1 =	por $0x0, $0x0;
	v10 =	vmul.u32 $0x80, v6;
	s6 =	sadd.s32 $0x4A20, s4  }
0x4c9: {  	(v2sf) =	vpush v14, $0x0;
	_ =	sdelay $0xe  }
0x4ca: {  	s4 =	spop (v2sf)  }
0x4cb: {  	s4 =	ssub.s32 s4, s8  }
0x4cc: {  	v11 =	vadd.s32 s4, v10;
	_ =	sdelay $0x4  }
0x4cd: {  	v12 =	vld.idx.msk [tilespmem:v11+s25+$0x0], $0xffff;
	v11 =	vor.u32 $0x800, v10  }
0x4ce: {  	v13 =	vadd.s32 s4, v11;
	_ =	sdelay $0x3  }
0x4cf: {  	v14 =	vld.msk [tilespmem:s7+$0x0 ss:$0x0], $0xffff;
	[tilespmem:s6+$0xFFFFFFE0] =	vst v12  }
0x4d0: {  	v12 =	vor.u32 $0x1000, v10;
	v13 =	vld.idx.msk [tilespmem:v13+s25+$0x0], $0xffff  }
0x4d1: {  	v15 =	vadd.s32 s4, v12;
	_ =	sdelay $0x3  }
0x4d2: {  	[tilespmem:s6+$0xFFFFFFF0] =	vst v13  }
0x4d3: {  	v13 =	vor.u32 $0x1800, v10;
	v15 =	vld.idx.msk [tilespmem:v15+s25+$0x0], $0xffff  }
0x4d4: {  	v16 =	vadd.s32 s4, v13;
	_ =	sdelay $0x3  }
0x4d5: {  	[tilespmem:s6+$0x0] =	vst v15  }
0x4d6: {  	v15 =	vld.idx.msk [tilespmem:v16+s25+$0x0], $0xffff  }
0x4d7: {  	v63 =	vmov s30;
	_ =	sdelay $0x3  }
0x4d8: {  	[tilespmem:s6+$0x10] =	vst v15  }
0x4d9: {  	p2 =	sne.s32 s9, $0x1;
	s14 =	simm.s32 $0x4991;
	[tilespmem:v63+s19+$0x0] =	vst.idx.msk $0x1, v14  }
.Ltmp29:
0x4da: {  	v14 =	vld [tilespmem:s14+$0x0];
	(pc) =	sbr.rel @!p2 .LBB2_44-.Ltmp29, $3  }
0x4db: {  	_ =	sdelay $0x1  }
0x4dc: {  	s15 =	sadd.s32 $0xFFFFFFFF, s9;
	p1 =	por $0x1, $0x1  }
0x4dd: {  	s9 =	simm.s32 $0x4890;
	s13 =	smov.u32 s6;
	s26 =	smov.u32 s30  }
.LBB2_45:
0x4de: {  	p2 =	sne.s32 s15, $0x1;
	_ =	sdelay $0x2  }
0x4df: {  	(v2sf) =	vpush v14, $0x0;
	_ =	sdelay $0xe  }
0x4e0: {  	s4 =	spop (v2sf)  }
0x4e1: {  	s4 =	ssub.s32 s4, s8  }
0x4e2: {  	v14 =	vadd.s32 s4, v10;
	_ =	sdelay $0x4  }
0x4e3: {  	v14 =	vld.idx.msk [tilespmem:v14+s25+$0x0], $0xffff;
	_ =	sdelay $0x1  }
0x4e4: {  	v15 =	vadd.s32 s4, v11;
	_ =	sdelay $0x2  }
0x4e5: {  	s9 =	sadd.s32 $0x1, s9;
	s13 =	sadd.s32 $0x40, s13  }
0x4e6: {  	v16 =	vld.msk [tilespmem:s9+$0x0 ss:$0x0], $0xffff;
	[tilespmem:s13+$0xFFFFFFE0] =	vst v14  }
0x4e7: {  	v14 =	vld.idx.msk [tilespmem:v15+s25+$0x0], $0xffff;
	_ =	sdelay $0x1  }
0x4e8: {  	v15 =	vadd.s32 s4, v12;
	_ =	sdelay $0x3  }
0x4e9: {  	[tilespmem:s13+$0xFFFFFFF0] =	vst v14  }
0x4ea: {  	v14 =	vld.idx.msk [tilespmem:v15+s25+$0x0], $0xffff;
	_ =	sdelay $0x1  }
0x4eb: {  	v15 =	vadd.s32 s4, v13;
	_ =	sdelay $0x3  }
0x4ec: {  	[tilespmem:s13+$0x0] =	vst v14  }
0x4ed: {  	v14 =	vld.idx.msk [tilespmem:v15+s25+$0x0], $0xffff  }
0x4ee: {  	s26 =	sadd.s32 $0x1, s26  }
0x4ef: {  	v15 =	vmov s26;
	_ =	sdelay $0x2  }
.Ltmp30:
0x4f0: {  	(pc) =	sbr.rel @p2 .LBB2_45-.Ltmp30, $4  }
0x4f1: {  	[tilespmem:s13+$0x10] =	vst v14  }
0x4f2: {  	s14 =	sadd.s32 $0x1, s14;
	[tilespmem:v15+s19+$0x0] =	vst.idx.msk $0x1, v16  }
0x4f3: {  	v14 =	vld [tilespmem:s14+$0x0]  }
0x4f4: {  	s15 =	sadd.s32 $0xFFFFFFFF, s15  }
.Ltmp31:
0x4f5: {  	_ = 	snop;
	(pc) =	sbr.rel .LBB2_46-.Ltmp31, $1  }
0x4f6: {  	_ =	sdelay $0x3  }
.LBB2_22:
.Ltmp32:
0x4f7: {  	(pc) =	sbr.rel @!p0 .LBB2_23-.Ltmp32, $4  }
.Ltmp33:
0x4f8: {  	(pc) =	sbr.rel @p0 .LBB2_29-.Ltmp33, $4  }
0x4f9: {  	_ = 	snop  }
0x4fa: {  	_ = 	snop  }
0x4fb: {  	_ = 	snop  }
0x4fc: {  	_ = 	snop  }
.LBB2_24:
.Ltmp34:
0x4fd: {  	(pc) =	sbr.rel .LBB2_28-.Ltmp34, $2  }
0x4fe: {  	_ =	sdelay $0x2  }
0x4ff: {  	s9 =	simm.s32 $0x4830;
	s13 =	smov.u32 s6;
	s2 =	smov.u32 s30  }
.LBB2_26:
.Ltmp35:
0x500: {  	(pc) =	sbr.rel .LBB2_28-.Ltmp35, $2  }
0x501: {  	_ =	sdelay $0x2  }
0x502: {  	s9 =	simm.s32 $0x4830;
	s13 =	smov.u32 s6;
	s2 =	smov.u32 s30  }
.LBB2_10:
.Ltmp36:
0x503: {  	(pc) =	sbr.rel .LBB2_14-.Ltmp36, $2  }
0x504: {  	_ =	sdelay $0x2  }
0x505: {  	s9 =	simm.s32 $0x4800;
	s6 =	smov.u32 s13;
	s29 =	smov.u32 s30  }
.LBB2_33:
.Ltmp37:
0x506: {  	(pc) =	sbr.rel .LBB2_37-.Ltmp37, $2  }
0x507: {  	_ =	sdelay $0x2  }
0x508: {  	s9 =	simm.s32 $0x4860;
	s13 =	smov.u32 s6;
	s0 =	smov.u32 s30  }
.LBB2_12:
.Ltmp38:
0x509: {  	(pc) =	sbr.rel .LBB2_14-.Ltmp38, $2  }
0x50a: {  	_ =	sdelay $0x2  }
0x50b: {  	s9 =	simm.s32 $0x4800;
	s6 =	smov.u32 s13;
	s29 =	smov.u32 s30  }
.LBB2_35:
.Ltmp39:
0x50c: {  	(pc) =	sbr.rel .LBB2_37-.Ltmp39, $2  }
0x50d: {  	_ =	sdelay $0x2  }
0x50e: {  	s9 =	simm.s32 $0x4860;
	s13 =	smov.u32 s6;
	s0 =	smov.u32 s30  }
.LBB2_44:
.Ltmp40:
0x50f: {  	(pc) =	sbr.rel .LBB2_46-.Ltmp40, $2  }
0x510: {  	_ =	sdelay $0x2  }
0x511: {  	s9 =	simm.s32 $0x4890;
	s13 =	smov.u32 s6;
	s26 =	smov.u32 s30  }
.LBB2_49:
0x512: {  	_ =	sfence.sel $0x180000  }
0x513: {  	[bflag:$0x0] =	sbarrier.arrive $0xFFFF  }
0x514: {  	_ =	strace $0x90000047  }
0x515: {  	s0 =	stileid.u32;
	[bflag:$0x2] =	sbarrier.arrive $0xFFFF  }
0x516: {  	p0 =	sne.s32 s0, $0x0;
	s0 =	rddreg [dreg:$0x3]  }
0x517: {  	s0 =	sadd.s32 @!p0 $0x100000, s0  }
0x518: {  	[sflag:s0] =	ssyncadd.tile.s32 @!p0 $0x1;
	_ =	shalt  }
.Lfunc_end2:
_tile_overlayer_lowered:
.L_overlay_start_2:
0x519: {  	(tag) =	ssettag $0x2  }
0x51a: {  	s0 =	rddreg [dreg:$0x0];
	s2 =	stileid.u32  }
0x51b: {  	s1 =	rddreg [dreg:$0x1];
	p0 =	sne.s32 s2, $0x0  }
0x51c: {  	s3 =	rddreg [dreg:$0x2];
	[bflag:$0x3] =	sbarrier.arrive $0xFFFF;
	s2 =	simm.s32 @!p0 $0x1C05  }
0x51d: {  	[timem:s3], [sflag:s2] =	dma.local @!p0 [hbm:s0], s1  }
0x51e: {  	s0 =	simm.s32 @!p0 $0x5  }
0x51f: {  	_ =	swait.ge @!p0 [sflag:s0], s1  }
0x520: {  	s1 =	ssub.s32 @!p0 $0x0, s1;
	[sflag:s0] =	ssyncset.done @!p0 $0x0  }
0x521: {  	[sflag:s0] =	ssyncadd.s32 @!p0 s1  }
0x522: {  	[bflag:$0x3] =	sbarrier.arrive $0xFFFF  }
0x523: {  	_ =	shalt  }

// kernel: kernel.7.cloned.1.call-start
scs
__scs_entry_jumppad:
0x0: {  	(pc) =	sbr.rel $0x88, $3  }
0x1: {  	(tag) =	ssettag $0x0;
	lr =	simm.s32 $0x1  }
0x2: {  	[smem:$0x3F9F] =	sst lr;
	_ =	strace $0xD0000000  }
0x3: {  	_ = 	snop  }
0x4: {  	_ = 	snop  }
0x5: {  	_ = 	snop  }
0x6: {  	_ = 	snop  }
0x7: {  	_ = 	snop  }
__scs_overlays_trampoline_lowered:
0x8: {  	[smem:$0x3FAE] =	sst s0  }
0x9: {  	[smem:$0x3FAF] =	sst s1  }
0xa: {  	[smem:$0x3FB0] =	sst s2  }
0xb: {  	[smem:$0x3FB1] =	sst s3  }
0xc: {  	[smem:$0x3FB2] =	sst s4  }
0xd: {  	[smem:$0x3FB3] =	sst s5  }
0xe: {  	[smem:$0x3FB4] =	sst s6  }
0xf: {  	[smem:$0x3FB5] =	sst s7  }
0x10: {  	[smem:$0x3FB6] =	sst s8  }
0x11: {  	[smem:$0x3FB7] =	sst s9;
	s0 =	simm.s32 @!p0 $0x0  }
0x12: {  	s1 =	sld [smem:$0x3F9D];
	s0 =	simm.s32 @p0 $0x1  }
0x13: {  	[smem:$0x3FB8] =	sst s0;
	s0 =	simm.s32 @!p1 $0x0  }
0x14: {  	s2 =	sld [smem:$0x3F9C];
	s0 =	simm.s32 @p1 $0x1  }
0x15: {  	[smem:$0x3FB9] =	sst s0;
	s0 =	simm.s32 @!p2 $0x0  }
0x16: {  	s3 =	sld [smem:$0x3FDB];
	s0 =	simm.s32 @p2 $0x1  }
0x17: {  	s4 =	simm.s32 $0x1BF5;
	[smem:$0x3FBB] =	sst s0  }
0x18: {  	s0 =	sld [smem:$0x3F9E];
	_ =	swait.ge [sflag:s4], $0x0  }
0x19: {  	s7 =	sld [smem:$0x3F9F]  }
0x1a: {  	s8 =	sadd.s32 $0xFFFFE003, lr  }
0x1b: {  	s9 =	sadd.s32 $0xFFFFFEF7, lr;
	s5 =	simm.s32 $0xFFFFFFFF;
	p2 =	slt.u32 s8, $0xFFFFF086  }
0x1c: {  	p1 =	slt.u32 s9, $0xF7A;
	s5 =	simm.s32 @!p2 $0x0  }
0x1d: {  	s5 =	simm.s32 @p1 $0x1;
	p0 =	seq.s32 s7, s2  }
0x1e: {  	s7 =	smul.u32 @!p0 $0xF7A, s2;
	p2 =	seq.s32 @!p0 s5, $0x0  }
0x1f: {  	s9 =	smul.u32 $0xF7A, s1;
	s8 =	simm.s32 @!p0 $0x1BF5;
	p2 =	por !p2, p0  }
0x20: {  	[sflag:s8] =	ssyncset.s32 @!p0 $0xFFFFF086;
	s6 =	sadd.s32 @!p0 s3, s7;
	s7 =	simm.s32 @!p0 $0x108  }
0x21: {  	s3 =	sadd.s32 s3, s9;
	s6 =	sadd.s32 @!p0 $0x88, s6;
	s7 =	simm.s32 @p2 $0x1082  }
0x22: {  	[simem:s7], [sflag:s8] =	dma.local @!p0 [hbm:s6], $0xF7A  }
0x23: {  	s9 =	sor.u32 $0xD0000000, s2;
	s6 =	simm.s32 $0x108;
	_ =	swait.ge @!p0 [sflag:s8], $0x0  }
0x24: {  	s3 =	sadd.s32 $0x88, s3;
	s6 =	simm.s32 @!p1 $0x1082;
	[sflag:s4] =	ssyncset.s32 $0xFFFFF086  }
0x25: {  	[simem:s6], [sflag:s4] =	dma.local [hbm:s3], $0xF7A  }
0x26: {  	[smem:$0x3F9F] =	sst s1;
	(tag) =	ssettag s2;
	_ =	strace s9  }
0x27: {  	s1 =	sld [smem:$0x3FAF]  }
0x28: {  	s2 =	sld [smem:$0x3FB0]  }
0x29: {  	s4 =	sld [smem:$0x3FB2]  }
0x2a: {  	p0 =	seq.s32 s5, $0x0;
	s5 =	sld [smem:$0x3FB3]  }
0x2b: {  	s6 =	sld [smem:$0x3FB4]  }
0x2c: {  	s7 =	sld [smem:$0x3FB5]  }
0x2d: {  	s3 =	simm.s32 $0x108;
	s8 =	sld [smem:$0x3FB6]  }
0x2e: {  	s3 =	simm.s32 @!p0 $0x1082;
	s9 =	sld [smem:$0x3FB7]  }
0x2f: {  	lr =	sadd.s32 s0, s3;
	s0 =	sld [smem:$0x3FAE]  }
0x30: {  	s3 =	sld [smem:$0x3FB1]  }
0x31: {  	[smem:$0x3FBA] =	sst s10  }
0x32: {  	s10 =	sld [smem:$0x3FB8];
	_ =	sdelay $0x3  }
0x33: {  	p0 =	seq.s32 s10, $0x1;
	s10 =	sld [smem:$0x3FBA];
	_ =	sdelay $0x3  }
0x34: {  	[smem:$0x3FBA] =	sst s10  }
0x35: {  	s10 =	sld [smem:$0x3FB9];
	_ =	sdelay $0x3  }
0x36: {  	p1 =	seq.s32 s10, $0x1;
	s10 =	sld [smem:$0x3FBA];
	_ =	sdelay $0x3  }
0x37: {  	[smem:$0x3FBA] =	sst s10  }
0x38: {  	s10 =	sld [smem:$0x3FBB]  }
0x39: {  	_ = 	snop;
	(pc) =	sbr.ind lr, $3  }
0x3a: {  	_ = 	snop  }
0x3b: {  	_ = 	snop  }
0x3c: {  	p2 =	seq.s32 s10, $0x1;
	s10 =	sld [smem:$0x3FBA]  }
0x3d: {  	_ =	shalt  }
0x3e: {  	_ =	shalt  }
0x3f: {  	_ =	shalt  }
0x40: {  	_ =	shalt  }
0x41: {  	_ =	shalt  }
0x42: {  	_ =	shalt  }
0x43: {  	_ =	shalt  }
0x44: {  	_ =	shalt  }
0x45: {  	_ =	shalt  }
0x46: {  	_ =	shalt  }
0x47: {  	_ =	shalt  }
0x48: {  	_ =	shalt  }
0x49: {  	_ =	shalt  }
0x4a: {  	_ =	shalt  }
0x4b: {  	_ =	shalt  }
0x4c: {  	_ =	shalt  }
0x4d: {  	_ =	shalt  }
0x4e: {  	_ =	shalt  }
0x4f: {  	_ =	shalt  }
0x50: {  	_ =	shalt  }
0x51: {  	_ =	shalt  }
0x52: {  	_ =	shalt  }
0x53: {  	_ =	shalt  }
0x54: {  	_ =	shalt  }
0x55: {  	_ =	shalt  }
0x56: {  	_ =	shalt  }
0x57: {  	_ =	shalt  }
0x58: {  	_ =	shalt  }
0x59: {  	_ =	shalt  }
0x5a: {  	_ =	shalt  }
0x5b: {  	_ =	shalt  }
0x5c: {  	_ =	shalt  }
0x5d: {  	_ =	shalt  }
0x5e: {  	_ =	shalt  }
0x5f: {  	_ =	shalt  }
0x60: {  	_ =	shalt  }
0x61: {  	_ =	shalt  }
0x62: {  	_ =	shalt  }
0x63: {  	_ =	shalt  }
0x64: {  	_ =	shalt  }
0x65: {  	_ =	shalt  }
0x66: {  	_ =	shalt  }
0x67: {  	_ =	shalt  }
0x68: {  	_ =	shalt  }
0x69: {  	_ =	shalt  }
0x6a: {  	_ =	shalt  }
0x6b: {  	_ =	shalt  }
0x6c: {  	_ =	shalt  }
0x6d: {  	_ =	shalt  }
0x6e: {  	_ =	shalt  }
0x6f: {  	_ =	shalt  }
0x70: {  	_ =	shalt  }
0x71: {  	_ =	shalt  }
0x72: {  	_ =	shalt  }
0x73: {  	_ =	shalt  }
0x74: {  	_ =	shalt  }
0x75: {  	_ =	shalt  }
0x76: {  	_ =	shalt  }
0x77: {  	_ =	shalt  }
0x78: {  	_ =	shalt  }
0x79: {  	_ =	shalt  }
0x7a: {  	_ =	shalt  }
0x7b: {  	_ =	shalt  }
0x7c: {  	_ =	shalt  }
0x7d: {  	_ =	shalt  }
0x7e: {  	_ =	shalt  }
0x7f: {  	_ =	shalt  }
0x80: {  	_ =	shalt  }
0x81: {  	_ =	shalt  }
0x82: {  	_ =	shalt  }
0x83: {  	_ =	shalt  }
0x84: {  	_ =	shalt  }
0x85: {  	_ =	shalt  }
0x86: {  	_ =	shalt  }
0x87: {  	_ =	shalt  }
.Lfunc_end0:
.L_simem_size_0:
called_computation.1_lowered:
.L_overlay_start_0:
0x88: {  	s2 =	sld [smem:$0x3FD9]  }
0x89: {  	s3 =	sld [smem:$0x3FFE];
	_ =	sdelay $0x1  }
0x8a: {  	s1 =	srdreg.scid  }
0x8b: {  	s0 =	sand.u32 $0x1, s1  }
0x8c: {  	s17 =	sshll.u32 s0, $0xA;
	s2 =	sadd.s32 s3, s2  }
0x8d: {  	s2 =	sadd.s32 s2, s17  }
0x8e: {  	[smem:$0x3FC6] =	sst s2  }
0x8f: {  	_ = 	snop  }
0x90: {  	s2 =	sld [smem:$0x3FD0];
	(tm) =	ssettm $0x1  }
0x91: {  	s18 =	sld [smem:$0x3FFB];
	_ =	sdelay $0x3  }
0x92: {  	_ =	strace s18  }
0x93: {  	s3 =	sld [smem:$0x3FFC];
	_ =	sdelay $0x3  }
0x94: {  	_ =	strace s3  }
0x95: {  	s3 =	sld [smem:$0x3FFD];
	_ =	sdelay $0x3  }
0x96: {  	_ =	strace s3  }
0x97: {  	_ =	strace $0x8FFFFFFF  }
0x98: {  	s19 =	sld [smem:$0x3FDB];
	_ =	sdelay $0x1  }
0x99: {  	s4 =	simm.s32 $_scs_section_size  }
0x9a: {  	s5 =	simm.s32 $_size__tile_overlayer_lowered;
	s6 =	simm.s32 $_tile_overlayer_lowered  }
0x9b: {  	s22 =	simm.s32 $0x1BFF;
	s21 =	sshll.u32 s6, $0x1;
	s3 =	sadd.s32 s4, s19  }
0x9c: {  	s7 =	simm.s32 $0x0;
	s20 =	sshll.u32 s5, $0x1;
	s5 =	sadd.s32 s21, s3  }
0x9d: {  	[timem:s7], [sflag:s22] =	dma.local [hbm:s5], s20  }
0x9e: {  	_ =	swait.ge [sflag:s22], s20  }
0x9f: {  	s4 =	ssub.s32 $0x0, s20;
	[sflag:s22] =	ssyncset.done $0x0  }
0xa0: {  	[sflag:s22] =	ssyncadd.s32 s4;
	_ =	sdelay $0x1  }
0xa1: {  	s23 =	simm.s32 $0x1B8B  }
0xa2: {  	_ =	swait.ge [sflag:s23], $0x1  }
0xa3: {  	[sflag:s23] =	ssyncset.done $0x0  }
0xa4: {  	s25 =	simm.s32 $0x1B8E;
	s24 =	sld [smem:$0x3FFE];
	[sflag:s23] =	ssyncadd.s32 $0xFFFFFFFF  }
0xa5: {  	s26 =	simm.s32 $execute0_lowered;
	[smem:$0x3FD2] =	sst s25  }
0xa6: {  	s5 =	sshll.u32 s26, $0x1;
	_ =	strace $0x80000049;
	[dreg:$0x1] =	wrdreg $0xFFFFFFFF  }
0xa7: {  	s28 =	simm.s32 $_size_execute0_lowered;
	s3 =	sadd.s32 s3, s5;
	[dreg:$0x0] =	wrdreg $0x0  }
0xa8: {  	s5 =	sshll.u32 s28, $0x1;
	[dreg:$0x2] =	wrdreg s3  }
0xa9: {  	[dreg:$0x3] =	wrdreg s5  }
0xaa: {  	[dreg:$0x4] =	wrdreg $0xC0  }
0xab: {  	_ =	task [dreg:s7], $0x5FFFF  }
0xac: {  	[dreg:$0x1] =	wrdreg $0xFFFFFFFF  }
0xad: {  	[dreg:$0x0] =	wrdreg $0x60  }
0xae: {  	[dreg:$0x2] =	wrdreg s24  }
0xaf: {  	[dreg:$0x3] =	wrdreg s2  }
0xb0: {  	[dreg:$0x4] =	wrdreg $0x9  }
0xb1: {  	_ =	task.clear_ibuf [dreg:s7], $0x5FFFF;
	_ =	strace $0x90000049  }
0xb2: {  	s29 =	simm.s32 $0x9;
	_ =	strace $0x8000004B  }
0xb3: {  	_ =	swait.ge [sflag:s29], $0x1  }
0xb4: {  	[sflag:s29] =	ssyncadd.s32 $0xFFFFFFFF  }
0xb5: {  	_ =	strace $0x9000004B  }
0xb6: {  	_ =	sfence  }
0xb7: {  	s30 =	sld [smem:$0x0];
	_ =	sdelay $0x2  }
0xb8: {  	s31 =	sshll.u32 s1, $0xD;
	s1 =	sshrl.u32 s1, $0x2  }
0xb9: {  	s3 =	sand.u32 $0x4000, s31;
	s1 =	sadd.s32 s1, s30  }
0xba: {  	s0 =	sor.u32 s3, s0;
	s1 =	sshll.u32 s1, $0x11  }
0xbb: {  	s0 =	sor.u32 s1, s0  }
0xbc: {  	s0 =	sadd.s32 $0x8F2B, s0  }
0xbd: {  	[sflag:s0] =	ssyncadd.remote.s32 $0x1  }
0xbe: {  	_ =	sfence.sel $0xFFFF  }
0xbf: {  	[dreg:$0x0] =	wrdreg $0xFFFFFFFF;
	(pc) =	sbr.abs _section_cstart, $3  }
0xc0: {  	[dreg:$0x1] =	wrdreg $0xFFFFFFFF  }
0xc1: {  	_ =	task.clear_ibuf [dreg:s7], $0x2FFFF;
	_ =	strace $0x9FFFFFFF  }
0xc2: {  	(tm) =	ssettm $0x7FFFFFFF  }
0xc3: {  	_ =	shalt  }
tec
execute0_lowered:
.L_overlay_start_1:
0x0: {  	(tag) =	ssettag $0x1  }
0x1: {  	s1 =	srdreg.scid;
	s0 =	stileid.u32  }
0x2: {  	s6 =	rddreg [dreg:$0x0];
	s8 =	sand.u32 $0x1, s1;
	s31 =	sshll.u32 s0, $0x1  }
0x3: {  	s2 =	rddreg [dreg:$0x1];
	s4 =	sor.u32 s8, s31  }
0x4: {  	s3 =	simm.s32 $0x0;
	s1 =	rddreg [dreg:$0x2];
	s5 =	smul.u32 $0x1800, s4  }
0x5: {  	[smem:$0x7FF] =	sst s3  }
0x6: {  	_ =	strace $0x8000004A;
	s8 =	ssub.s32 $0x2, s8;
	s5 =	sadd.s32 s5, s6  }
0x7: {  	s7 =	smul.u32 $0x60, s4;
	s4 =	sadd.s32 $0xC00, s5;
	s5 =	simm.s32 $0x2  }
0x8: {  	[tilespmem:s3], [sflag:$0x2] =	stream.linear.gather [hbm4b:s4+s3], $0xC000, $0x38;
	[tilespmem:$0xC300] =	vst v63  }
0x9: {  	s9 =	sshrl.u32 s8, $0x1;
	_ =	swait.ge [sflag:s5], $0xC000  }
0xa: {  	s8 =	ssub.s32 s8, s9;
	s6 =	sadd.s32 s7, s6;
	[sflag:s5] =	ssyncset.done $0x0  }
0xb: {  	s7 =	simm.s32 $0xC000;
	s6 =	sadd.s32 $0x30C00, s6;
	[sflag:s5] =	ssyncadd.s32 $0xFFFF4000  }
0xc: {  	[tilespmem:s7], [sflag:$0x2] =	stream.linear.gather [hbm4b:s6+s3], $0x300, $0x38;
	[tilespmem:$0xC300] =	vst v63  }
0xd: {  	s10 =	smax.u32 s8, $0x1;
	_ =	swait.ge [sflag:s5], $0x300  }
0xe: {  	p0 =	sne.s32 s10, $0x1;
	[sflag:s5] =	ssyncset.done $0x0  }
.Ltmp0:
0xf: {  	[sflag:s5] =	ssyncadd.s32 $0xFFFFFD00;
	(ifvalue) =	ssetifvalue $0xFFFFFFFF;
	(pc) =	sbr.rel @!p0 .LBB2_2-.Ltmp0, $4  }
0x10: {  	s9 =	simm.s32 $0x300;
	s8 =	simm.s32 $0x1;
	(ifvalue) =	ssetifvalue $0xFFFFFFFF  }
0x11: {  	[hbm4b:s2+s9] =	stream.indirect.scatter [tilespmem:s3], [sflag:$0x1], $0x40, s7, s9, $0x40b8;
	[tilespmem:$0xC300] =	vst v63  }
0x12: {  	_ =	swait.ge [sflag:s8], $0xC000  }
0x13: {  	s10 =	sadd.s32 $0xFFFFFFFF, s10;
	[sflag:s8] =	ssyncset.done $0x0  }
.LBB2_1:
0x14: {  	p0 =	sne.s32 s10, $0x1;
	s10 =	sadd.s32 $0xFFFFFFFF, s10;
	[sflag:s8] =	ssyncadd.s32 $0xFFFF4000  }
0x15: {  	[tilespmem:s3], [sflag:$0x2] =	stream.linear.gather [hbm4b:s4+s3], $0xC000, $0x38;
	[tilespmem:$0xC300] =	vst v63  }
0x16: {  	_ =	swait.ge [sflag:s5], $0xC000  }
0x17: {  	[sflag:s5] =	ssyncset.done $0x0  }
0x18: {  	[sflag:s5] =	ssyncadd.s32 $0xFFFF4000  }
0x19: {  	[tilespmem:s7], [sflag:$0x2] =	stream.linear.gather [hbm4b:s6+s3], $0x300, $0x38;
	[tilespmem:$0xC300] =	vst v63  }
0x1a: {  	_ =	swait.ge [sflag:s5], $0x300  }
0x1b: {  	[sflag:s5] =	ssyncset.done $0x0  }
0x1c: {  	[sflag:s5] =	ssyncadd.s32 $0xFFFFFD00  }
.Ltmp1:
0x1d: {  	(ifvalue) =	ssetifvalue $0xFFFFFFFF;
	(pc) =	sbr.rel @p0 .LBB2_1-.Ltmp1, $4  }
0x1e: {  	(ifvalue) =	ssetifvalue $0xFFFFFFFF  }
0x1f: {  	[hbm4b:s2+s9] =	stream.indirect.scatter [tilespmem:s3], [sflag:$0x1], $0x40, s7, s9, $0x40b8;
	[tilespmem:$0xC300] =	vst v63  }
0x20: {  	_ =	swait.ge [sflag:s8], $0xC000  }
0x21: {  	[sflag:s8] =	ssyncset.done $0x0  }
.LBB2_2:
0x22: {  	[sflag:s8] =	ssyncadd.s32 $0xFFFF4000  }
0x23: {  	_ =	sfence.sel $0x180000  }
0x24: {  	[bflag:$0x0] =	sbarrier.arrive $0xFFFF  }
0x25: {  	p0 =	sne.s32 s0, $0x0;
	_ =	strace $0x9000004A  }
0x26: {  	s0 =	sadd.s32 @!p0 $0x100000, s1;
	[bflag:$0x2] =	sbarrier.arrive $0xFFFF  }
0x27: {  	[sflag:s0] =	ssyncadd.tile.s32 @!p0 $0x1;
	_ =	shalt  }
.Lfunc_end2:
_tile_overlayer_lowered:
.L_overlay_start_2:
0x28: {  	(tag) =	ssettag $0x2  }
0x29: {  	s0 =	rddreg [dreg:$0x0];
	s2 =	stileid.u32  }
0x2a: {  	s1 =	rddreg [dreg:$0x1];
	p0 =	sne.s32 s2, $0x0  }
0x2b: {  	s3 =	rddreg [dreg:$0x2];
	[bflag:$0x3] =	sbarrier.arrive $0xFFFF;
	s2 =	simm.s32 @!p0 $0x1C02  }
0x2c: {  	[timem:s3], [sflag:s2] =	dma.local @!p0 [hbm:s0], s1  }
0x2d: {  	s0 =	simm.s32 @!p0 $0x2  }
0x2e: {  	_ =	swait.ge @!p0 [sflag:s0], s1  }
0x2f: {  	s1 =	ssub.s32 @!p0 $0x0, s1;
	[sflag:s0] =	ssyncset.done @!p0 $0x0  }
0x30: {  	[sflag:s0] =	ssyncadd.s32 @!p0 s1  }
0x31: {  	[bflag:$0x3] =	sbarrier.arrive $0xFFFF  }
0x32: {  	_ =	shalt  }

</sc_bundles>
